<compile_context>
chip_gen: v7x
topology: tpu7x:2x2x1
jax: 0.10.2.dev20260603
libtpu: 0.0.44.dev20260713+nightly
codegen_flags: <defaults>
</compile_context>

<pallas_src>
import functools

import jax
import jax.numpy as jnp
from jax import lax
from jax.experimental import pallas as pl
from jax.experimental.pallas import tpu as pltpu
from jax.experimental.pallas import tpu_sc as plsc

N = 10000
E = 320000
D = 128
H = D // 2
H2 = H // 2

NC = 2
NS = 16
NW = NC * NS

CHUNK = 128
NCHUNK = E // CHUNK
DEG_CPW = NCHUNK // NW
DEG_REM = NCHUNK - NW * DEG_CPW
NFULL = NCHUNK // NS
EDGE_REM = NCHUNK - NS * NFULL
DEG_GRP = 13
EGRP = 12

STRIPE = 624
QSTRIPE = STRIPE // 4
TAIL = N - NS * STRIPE

_mesh = plsc.VectorSubcoreMesh(core_axis_name="c", subcore_axis_name="s")
_sc_params = pltpu.CompilerParams(use_tc_tiling_on_sc=False)


@functools.partial(
    pl.kernel,
    mesh=_mesh,
    out_type=jax.ShapeDtypeStruct((NC * N,), jnp.float32),
    scratch_types=[
        pltpu.VMEM((DEG_CPW, CHUNK), jnp.int32),
        pltpu.VMEM((CHUNK,), jnp.int32),
        pltpu.VMEM((CHUNK,), jnp.float32),
        pltpu.VMEM((STRIPE,), jnp.float32),
        pltpu.VMEM_SHARED((N,), jnp.float32),
        pltpu.SemaphoreType.DMA,
    ],
    compiler_params=_sc_params,
)
def _deg_kernel(e3_hbm, degp_hbm, idx_all, idx_t, ones_v, buf_v, deg_sh, sem):
    c = lax.axis_index("c")
    s = lax.axis_index("s")
    w = s * NC + c
    for j in range(STRIPE // 16):
        buf_v[pl.ds(j * 16, 16)] = jnp.zeros((16,), jnp.float32)
    pltpu.sync_copy(buf_v, deg_sh.at[pl.ds(s * STRIPE, STRIPE)])
    @pl.when(s == 0)
    def _():
        pltpu.sync_copy(buf_v.at[pl.ds(0, TAIL)],
                        deg_sh.at[pl.ds(NS * STRIPE, TAIL)])
    for j in range(CHUNK // 16):
        ones_v[pl.ds(j * 16, 16)] = jnp.ones((16,), jnp.float32)
    plsc.subcore_barrier()

    pltpu.sync_copy(e3_hbm.at[0, pl.ds(w * DEG_CPW, DEG_CPW)], idx_all)

    def group(g, carry):
        for j in range(DEG_GRP):
            pltpu.async_copy(ones_v, deg_sh.at[idx_all.at[g * DEG_GRP + j]],
                             sem, add=True)
        for j in range(DEG_GRP):
            pltpu.make_async_copy(ones_v,
                                  deg_sh.at[idx_all.at[g * DEG_GRP + j]],
                                  sem).wait()
        return carry

    lax.fori_loop(0, DEG_CPW // DEG_GRP, group, 0)
    @pl.when(w < DEG_REM)
    def _():
        pltpu.sync_copy(e3_hbm.at[0, NW * DEG_CPW + w], idx_t)
        pltpu.sync_copy(ones_v, deg_sh.at[idx_t], add=True)
    plsc.subcore_barrier()
    pltpu.sync_copy(deg_sh.at[pl.ds(s * STRIPE, STRIPE)], buf_v)
    pltpu.sync_copy(buf_v, degp_hbm.at[pl.ds(c * N + s * STRIPE, STRIPE)])
    @pl.when(s == 0)
    def _():
        pltpu.sync_copy(deg_sh.at[pl.ds(NS * STRIPE, TAIL)],
                        buf_v.at[pl.ds(0, TAIL)])
        pltpu.sync_copy(buf_v.at[pl.ds(0, TAIL)],
                        degp_hbm.at[pl.ds(c * N + NS * STRIPE, TAIL)])


@functools.partial(
    pl.kernel,
    mesh=_mesh,
    out_type=jax.ShapeDtypeStruct((NC, N, H), jnp.float32),
    scratch_types=[
        pltpu.VMEM((NFULL, CHUNK), jnp.int32),
        pltpu.VMEM((NFULL, CHUNK), jnp.int32),
        pltpu.VMEM((CHUNK, H), jnp.float32),
        pltpu.VMEM((CHUNK, H), jnp.float32),
        pltpu.VMEM((CHUNK,), jnp.int32),
        pltpu.VMEM((CHUNK,), jnp.int32),
        pltpu.VMEM((QSTRIPE, H), jnp.float32),
        pltpu.VMEM_SHARED((N, H), jnp.float32),
        pltpu.SemaphoreType.DMA,
        pltpu.SemaphoreType.DMA,
        pltpu.SemaphoreType.DMA,
        pltpu.SemaphoreType.DMA,
    ],
    compiler_params=_sc_params,
)
def _edge_kernel(e3_hbm, y1_hbm, y2_hbm, z2_hbm, outp_hbm,
                 sidx_all, didx_all, rows_a, rows_b, sidx_t, didx_t,
                 buf_v, acc_sh, sem_ga, sem_gb, sem_sa, sem_sb):
    c = lax.axis_index("c")
    s = lax.axis_index("s")
    pltpu.sync_copy(z2_hbm, buf_v)
    for k in range(4):
        pltpu.sync_copy(buf_v,
                        acc_sh.at[pl.ds(s * STRIPE + k * QSTRIPE, QSTRIPE)])
    @pl.when(s == 0)
    def _():
        pltpu.sync_copy(buf_v.at[pl.ds(0, TAIL)],
                        acc_sh.at[pl.ds(NS * STRIPE, TAIL)])

    pltpu.sync_copy(e3_hbm.at[1, pl.ds(s * NFULL, NFULL)], sidx_all)
    pltpu.sync_copy(e3_hbm.at[0, pl.ds(s * NFULL, NFULL)], didx_all)
    plsc.subcore_barrier()

    def gather(sidx, rows, sem):
        @pl.when(c == 0)
        def _():
            pltpu.async_copy(y1_hbm.at[sidx], rows, sem)
        @pl.when(c == 1)
        def _():
            pltpu.async_copy(y2_hbm.at[sidx], rows, sem)

    def gather_wait(sidx, rows, sem):
        @pl.when(c == 0)
        def _():
            pltpu.make_async_copy(y1_hbm.at[sidx], rows, sem).wait()
        @pl.when(c == 1)
        def _():
            pltpu.make_async_copy(y2_hbm.at[sidx], rows, sem).wait()

    def step(i, rows_c, sem_gc, sem_sc, rows_n, sem_gn, sem_sn):
        @pl.when(i + 1 < NFULL)
        def _():
            @pl.when(i >= 1)
            def _():
                pltpu.make_async_copy(rows_n, acc_sh.at[didx_all.at[i - 1]],
                                      sem_sn).wait()
            gather(sidx_all.at[i + 1], rows_n, sem_gn)
        gather_wait(sidx_all.at[i], rows_c, sem_gc)
        pltpu.async_copy(rows_c, acc_sh.at[didx_all.at[i]], sem_sc, add=True)

    gather(sidx_all.at[0], rows_a, sem_ga)

    def body(p, carry):
        step(2 * p, rows_a, sem_ga, sem_sa, rows_b, sem_gb, sem_sb)
        step(2 * p + 1, rows_b, sem_gb, sem_sb, rows_a, sem_ga, sem_sa)
        return carry

    lax.fori_loop(0, NFULL // 2, body, 0)
    pltpu.make_async_copy(rows_a, acc_sh.at[didx_all.at[NFULL - 2]],
                          sem_sa).wait()
    pltpu.make_async_copy(rows_b, acc_sh.at[didx_all.at[NFULL - 1]],
                          sem_sb).wait()

    @pl.when(s < EDGE_REM)
    def _():
        ci = NS * NFULL + s
        pltpu.sync_copy(e3_hbm.at[1, ci], sidx_t)
        pltpu.sync_copy(e3_hbm.at[0, ci], didx_t)
        gather(sidx_t, rows_a, sem_ga)
        gather_wait(sidx_t, rows_a, sem_ga)
        pltpu.sync_copy(rows_a, acc_sh.at[didx_t], add=True)
    plsc.subcore_barrier()
    for k in range(4):
        pltpu.sync_copy(
            acc_sh.at[pl.ds(s * STRIPE + k * QSTRIPE, QSTRIPE)], buf_v)
        pltpu.sync_copy(
            buf_v, outp_hbm.at[c, pl.ds(s * STRIPE + k * QSTRIPE, QSTRIPE)])
    @pl.when(s == 0)
    def _():
        pltpu.sync_copy(acc_sh.at[pl.ds(NS * STRIPE, TAIL)],
                        buf_v.at[pl.ds(0, TAIL)])
        pltpu.sync_copy(buf_v.at[pl.ds(0, TAIL)],
                        outp_hbm.at[c, pl.ds(NS * STRIPE, TAIL)])


ROWS_B = 2000


def _y_body(x_ref, w_ref, degp_ref, y1_ref, y2_ref):
    deg = jnp.maximum(degp_ref[0] + degp_ref[1], 1.0)
    s = lax.rsqrt(deg)
    y = jnp.dot(x_ref[...], w_ref[...],
                preferred_element_type=jnp.float32) * s
    y1_ref[...] = y[:, :H]
    y2_ref[...] = y[:, H:]


def _y_call(x, W, degp3):
    return pl.pallas_call(
        _y_body,
        grid=(N // ROWS_B,),
        in_specs=[
            pl.BlockSpec((ROWS_B, D), lambda i: (i, 0)),
            pl.BlockSpec((D, D), lambda i: (0, 0)),
            pl.BlockSpec((NC, ROWS_B, 1), lambda i: (0, i, 0)),
        ],
        out_specs=[
            pl.BlockSpec((ROWS_B, H), lambda i: (i, 0)),
            pl.BlockSpec((ROWS_B, H), lambda i: (i, 0)),
        ],
        out_shape=[
            jax.ShapeDtypeStruct((N, H), jnp.float32),
            jax.ShapeDtypeStruct((N, H), jnp.float32),
        ],
    )(x, W, degp3)


def _out_body(outp_ref, degp_ref, o_ref):
    deg = jnp.maximum(degp_ref[0] + degp_ref[1], 1.0)
    s = lax.rsqrt(deg)
    o_ref[...] = jnp.concatenate([outp_ref[0], outp_ref[1]], axis=-1) * s


def _out_call(outp, degp3):
    return pl.pallas_call(
        _out_body,
        grid=(N // ROWS_B,),
        in_specs=[
            pl.BlockSpec((NC, ROWS_B, H), lambda i: (0, i, 0)),
            pl.BlockSpec((NC, ROWS_B, 1), lambda i: (0, i, 0)),
        ],
        out_specs=pl.BlockSpec((ROWS_B, D), lambda i: (i, 0)),
        out_shape=jax.ShapeDtypeStruct((N, D), jnp.float32),
    )(outp, degp3)


def kernel(x, edge_index, W):
    e3 = edge_index.reshape(2, NCHUNK, CHUNK)
    z2 = jnp.zeros((QSTRIPE, H), jnp.float32)
    degp = _deg_kernel(e3)
    degp3 = degp.reshape(NC, N, 1)
    y1, y2 = _y_call(x, W, degp3)
    outp = _edge_kernel(e3, y1, y2, z2)
    return _out_call(outp, degp3)

# --- scband reference (transcript-rebuilt; emitter-appended) ---
"""Pipeline reference for scband-gcnconv-11347303596492 (READ-ONLY COPY).

The authoritative reference and input builder live on the scoring server;
editing this copy changes nothing except your own understanding.
"""

import jax, jax.numpy as jnp
import numpy as np

N_NODES = 10000
N_EDGES = 320000
FEAT_DIM = 128
EMBED_DIM = 128


def setup_inputs(seed: int = 0) -> dict:
    key = jax.random.key(seed)
    k1, k2, k3 = jax.random.split(key, 3)
    x = jax.random.normal(k1, (N_NODES, FEAT_DIM), dtype=jnp.float32)
    edge_index = jax.random.randint(k2, (2, N_EDGES), 0, N_NODES, dtype=jnp.int32)
    # xavier_uniform init for weight [feat_dim, embed_dim]
    limit = float(np.sqrt(6.0 / (FEAT_DIM + EMBED_DIM)))
    W = jax.random.uniform(k3, (FEAT_DIM, EMBED_DIM), dtype=jnp.float32, minval=-limit, maxval=limit)
    return {"x": x, "edge_index": edge_index, "W": W}


def reference(x, edge_index, W):
    # edge_index[0] = dst node i (row of adj), edge_index[1] = src neighbor j
    # Original: out[i] = sum_{j in N(i)} (x[j] @ W) / sqrt(deg[i] * deg[j])
    N = x.shape[0]
    dst = edge_index[0]
    src = edge_index[1]
    # deg[i] = row sum of adjacency = number of edges with dst == i
    deg = jnp.zeros((N,), dtype=jnp.float32).at[dst].add(1.0)
    deg = jnp.maximum(deg, 1.0)  # numerical guard for isolated nodes
    xW = x @ W  # [N, EMBED_DIM]
    coef = 1.0 / jnp.sqrt(deg[dst] * deg[src])  # [E]
    msgs = jnp.take(xW, src, axis=0) * coef[:, None]  # gather + scale
    out = jnp.zeros((N, W.shape[1]), dtype=x.dtype).at[dst].add(msgs)  # scatter-add
    return out

if __name__ == "__main__":
    import jax
    _d = setup_inputs()
    print(jax.jit(kernel)(*tuple(_d.values())))

</pallas_src>

<mosaic_0001>
#map = affine_map<(d0, d1) -> (0, 0, 0)>
#map1 = affine_map<(d0, d1) -> (0)>
module attributes {stable_mosaic.version = 14 : i64} {
  func.func @_deg_kernel(%arg0: i32, %arg1: i32, %arg2: memref<2x2500x128xi32, #tpu.memory_space<hbm>>, %arg3: memref<20000xf32, #tpu.memory_space<hbm>>, %arg4: memref<78x128xi32, #tpu.memory_space<vmem>>, %arg5: memref<128xi32, #tpu.memory_space<vmem>>, %arg6: memref<128xf32, #tpu.memory_space<vmem>>, %arg7: memref<624xf32, #tpu.memory_space<vmem>>, %arg8: memref<10000xf32, #tpu.memory_space<vmem_shared>>, %arg9: memref<!tpu.dma_semaphore, #tpu.memory_space<semaphore_mem>>) attributes {dimension_semantics = [#tpu.dimension_semantics<core_parallel>, #tpu.dimension_semantics<subcore_parallel>], iteration_bounds = array<i64: 2, 16>, scalar_prefetch = 0 : i64, scratch_operands = 6 : i64, tpu.core_type = #tpu.core_type<sc_vector_subcore>, window_params = [{transform_indices = #map}, {transform_indices = #map1}]} {
    %mul3A = arith.constant 2 : i32
    %mul3A_0 = arith.muli %arg1, %mul3A : i32
    %add3A = arith.addi %mul3A_0, %arg0 : i32
    %broadcast_in_dim3A = arith.constant 0.000000e+00 : f32
    %broadcast_in_dim3A_1 = vector.broadcast %broadcast_in_dim3A : f32 to vector<16xf32>
    %swap3A = arith.constant 0 : index
    %swap3A_2 = tpu.vector_load %arg7[%swap3A] {strides = array<i32>} : memref<624xf32, #tpu.memory_space<vmem>>, vector<16xf32>,
    %swap3A_3 = vector.shape_cast %swap3A_2 : vector<16xf32> to vector<16xf32>
    %swap3A_4 = vector.shape_cast %broadcast_in_dim3A_1 : vector<16xf32> to vector<16xf32>
    tpu.vector_store %arg7[%swap3A], %swap3A_4 {strides = array<i32>} : memref<624xf32, #tpu.memory_space<vmem>>, vector<16xf32>,
    %broadcast_in_dim3A_5 = arith.constant 0.000000e+00 : f32
    %broadcast_in_dim3A_6 = vector.broadcast %broadcast_in_dim3A_5 : f32 to vector<16xf32>
    %swap3A_7 = arith.constant 16 : index
    %swap3A_8 = tpu.vector_load %arg7[%swap3A_7] {strides = array<i32>} : memref<624xf32, #tpu.memory_space<vmem>>, vector<16xf32>,
    %swap3A_9 = vector.shape_cast %swap3A_8 : vector<16xf32> to vector<16xf32>
    %swap3A_10 = vector.shape_cast %broadcast_in_dim3A_6 : vector<16xf32> to vector<16xf32>
    tpu.vector_store %arg7[%swap3A_7], %swap3A_10 {strides = array<i32>} : memref<624xf32, #tpu.memory_space<vmem>>, vector<16xf32>,
    %broadcast_in_dim3A_11 = arith.constant 0.000000e+00 : f32
    %broadcast_in_dim3A_12 = vector.broadcast %broadcast_in_dim3A_11 : f32 to vector<16xf32>
    %swap3A_13 = arith.constant 32 : index
    %swap3A_14 = tpu.vector_load %arg7[%swap3A_13] {strides = array<i32>} : memref<624xf32, #tpu.memory_space<vmem>>, vector<16xf32>,
    %swap3A_15 = vector.shape_cast %swap3A_14 : vector<16xf32> to vector<16xf32>
    %swap3A_16 = vector.shape_cast %broadcast_in_dim3A_12 : vector<16xf32> to vector<16xf32>
    tpu.vector_store %arg7[%swap3A_13], %swap3A_16 {strides = array<i32>} : memref<624xf32, #tpu.memory_space<vmem>>, vector<16xf32>,
    %broadcast_in_dim3A_17 = arith.constant 0.000000e+00 : f32
    %broadcast_in_dim3A_18 = vector.broadcast %broadcast_in_dim3A_17 : f32 to vector<16xf32>
    %swap3A_19 = arith.constant 48 : index
    %swap3A_20 = tpu.vector_load %arg7[%swap3A_19] {strides = array<i32>} : memref<624xf32, #tpu.memory_space<vmem>>, vector<16xf32>,
    %swap3A_21 = vector.shape_cast %swap3A_20 : vector<16xf32> to vector<16xf32>
    %swap3A_22 = vector.shape_cast %broadcast_in_dim3A_18 : vector<16xf32> to vector<16xf32>
    tpu.vector_store %arg7[%swap3A_19], %swap3A_22 {strides = array<i32>} : memref<624xf32, #tpu.memory_space<vmem>>, vector<16xf32>,
    %broadcast_in_dim3A_23 = arith.constant 0.000000e+00 : f32
    %broadcast_in_dim3A_24 = vector.broadcast %broadcast_in_dim3A_23 : f32 to vector<16xf32>
    %swap3A_25 = arith.constant 64 : index
    %swap3A_26 = tpu.vector_load %arg7[%swap3A_25] {strides = array<i32>} : memref<624xf32, #tpu.memory_space<vmem>>, vector<16xf32>,
    %swap3A_27 = vector.shape_cast %swap3A_26 : vector<16xf32> to vector<16xf32>
    %swap3A_28 = vector.shape_cast %broadcast_in_dim3A_24 : vector<16xf32> to vector<16xf32>
    tpu.vector_store %arg7[%swap3A_25], %swap3A_28 {strides = array<i32>} : memref<624xf32, #tpu.memory_space<vmem>>, vector<16xf32>,
    %broadcast_in_dim3A_29 = arith.constant 0.000000e+00 : f32
    %broadcast_in_dim3A_30 = vector.broadcast %broadcast_in_dim3A_29 : f32 to vector<16xf32>
    %swap3A_31 = arith.constant 80 : index
    %swap3A_32 = tpu.vector_load %arg7[%swap3A_31] {strides = array<i32>} : memref<624xf32, #tpu.memory_space<vmem>>, vector<16xf32>,
    %swap3A_33 = vector.shape_cast %swap3A_32 : vector<16xf32> to vector<16xf32>
    %swap3A_34 = vector.shape_cast %broadcast_in_dim3A_30 : vector<16xf32> to vector<16xf32>
    tpu.vector_store %arg7[%swap3A_31], %swap3A_34 {strides = array<i32>} : memref<624xf32, #tpu.memory_space<vmem>>, vector<16xf32>,
    %broadcast_in_dim3A_35 = arith.constant 0.000000e+00 : f32
    %broadcast_in_dim3A_36 = vector.broadcast %broadcast_in_dim3A_35 : f32 to vector<16xf32>
    %swap3A_37 = arith.constant 96 : index
    %swap3A_38 = tpu.vector_load %arg7[%swap3A_37] {strides = array<i32>} : memref<624xf32, #tpu.memory_space<vmem>>, vector<16xf32>,
    %swap3A_39 = vector.shape_cast %swap3A_38 : vector<16xf32> to vector<16xf32>
    %swap3A_40 = vector.shape_cast %broadcast_in_dim3A_36 : vector<16xf32> to vector<16xf32>
    tpu.vector_store %arg7[%swap3A_37], %swap3A_40 {strides = array<i32>} : memref<624xf32, #tpu.memory_space<vmem>>, vector<16xf32>,
    %broadcast_in_dim3A_41 = arith.constant 0.000000e+00 : f32
    %broadcast_in_dim3A_42 = vector.broadcast %broadcast_in_dim3A_41 : f32 to vector<16xf32>
    %swap3A_43 = arith.constant 112 : index
    %swap3A_44 = tpu.vector_load %arg7[%swap3A_43] {strides = array<i32>} : memref<624xf32, #tpu.memory_space<vmem>>, vector<16xf32>,
    %swap3A_45 = vector.shape_cast %swap3A_44 : vector<16xf32> to vector<16xf32>
    %swap3A_46 = vector.shape_cast %broadcast_in_dim3A_42 : vector<16xf32> to vector<16xf32>
    tpu.vector_store %arg7[%swap3A_43], %swap3A_46 {strides = array<i32>} : memref<624xf32, #tpu.memory_space<vmem>>, vector<16xf32>,
    %broadcast_in_dim3A_47 = arith.constant 0.000000e+00 : f32
    %broadcast_in_dim3A_48 = vector.broadcast %broadcast_in_dim3A_47 : f32 to vector<16xf32>
    %swap3A_49 = arith.constant 128 : index
    %swap3A_50 = tpu.vector_load %arg7[%swap3A_49] {strides = array<i32>} : memref<624xf32, #tpu.memory_space<vmem>>, vector<16xf32>,
    %swap3A_51 = vector.shape_cast %swap3A_50 : vector<16xf32> to vector<16xf32>
    %swap3A_52 = vector.shape_cast %broadcast_in_dim3A_48 : vector<16xf32> to vector<16xf32>
    tpu.vector_store %arg7[%swap3A_49], %swap3A_52 {strides = array<i32>} : memref<624xf32, #tpu.memory_space<vmem>>, vector<16xf32>,
    %broadcast_in_dim3A_53 = arith.constant 0.000000e+00 : f32
    %broadcast_in_dim3A_54 = vector.broadcast %broadcast_in_dim3A_53 : f32 to vector<16xf32>
    %swap3A_55 = arith.constant 144 : index
    %swap3A_56 = tpu.vector_load %arg7[%swap3A_55] {strides = array<i32>} : memref<624xf32, #tpu.memory_space<vmem>>, vector<16xf32>,
    %swap3A_57 = vector.shape_cast %swap3A_56 : vector<16xf32> to vector<16xf32>
    %swap3A_58 = vector.shape_cast %broadcast_in_dim3A_54 : vector<16xf32> to vector<16xf32>
    tpu.vector_store %arg7[%swap3A_55], %swap3A_58 {strides = array<i32>} : memref<624xf32, #tpu.memory_space<vmem>>, vector<16xf32>,
    %broadcast_in_dim3A_59 = arith.constant 0.000000e+00 : f32
    %broadcast_in_dim3A_60 = vector.broadcast %broadcast_in_dim3A_59 : f32 to vector<16xf32>
    %swap3A_61 = arith.constant 160 : index
    %swap3A_62 = tpu.vector_load %arg7[%swap3A_61] {strides = array<i32>} : memref<624xf32, #tpu.memory_space<vmem>>, vector<16xf32>,
    %swap3A_63 = vector.shape_cast %swap3A_62 : vector<16xf32> to vector<16xf32>
    %swap3A_64 = vector.shape_cast %broadcast_in_dim3A_60 : vector<16xf32> to vector<16xf32>
    tpu.vector_store %arg7[%swap3A_61], %swap3A_64 {strides = array<i32>} : memref<624xf32, #tpu.memory_space<vmem>>, vector<16xf32>,
    %broadcast_in_dim3A_65 = arith.constant 0.000000e+00 : f32
    %broadcast_in_dim3A_66 = vector.broadcast %broadcast_in_dim3A_65 : f32 to vector<16xf32>
    %swap3A_67 = arith.constant 176 : index
    %swap3A_68 = tpu.vector_load %arg7[%swap3A_67] {strides = array<i32>} : memref<624xf32, #tpu.memory_space<vmem>>, vector<16xf32>,
    %swap3A_69 = vector.shape_cast %swap3A_68 : vector<16xf32> to vector<16xf32>
    %swap3A_70 = vector.shape_cast %broadcast_in_dim3A_66 : vector<16xf32> to vector<16xf32>
    tpu.vector_store %arg7[%swap3A_67], %swap3A_70 {strides = array<i32>} : memref<624xf32, #tpu.memory_space<vmem>>, vector<16xf32>,
    %broadcast_in_dim3A_71 = arith.constant 0.000000e+00 : f32
    %broadcast_in_dim3A_72 = vector.broadcast %broadcast_in_dim3A_71 : f32 to vector<16xf32>
    %swap3A_73 = arith.constant 192 : index
    %swap3A_74 = tpu.vector_load %arg7[%swap3A_73] {strides = array<i32>} : memref<624xf32, #tpu.memory_space<vmem>>, vector<16xf32>,
    %swap3A_75 = vector.shape_cast %swap3A_74 : vector<16xf32> to vector<16xf32>
    %swap3A_76 = vector.shape_cast %broadcast_in_dim3A_72 : vector<16xf32> to vector<16xf32>
    tpu.vector_store %arg7[%swap3A_73], %swap3A_76 {strides = array<i32>} : memref<624xf32, #tpu.memory_space<vmem>>, vector<16xf32>,
    %broadcast_in_dim3A_77 = arith.constant 0.000000e+00 : f32
    %broadcast_in_dim3A_78 = vector.broadcast %broadcast_in_dim3A_77 : f32 to vector<16xf32>
    %swap3A_79 = arith.constant 208 : index
    %swap3A_80 = tpu.vector_load %arg7[%swap3A_79] {strides = array<i32>} : memref<624xf32, #tpu.memory_space<vmem>>, vector<16xf32>,
    %swap3A_81 = vector.shape_cast %swap3A_80 : vector<16xf32> to vector<16xf32>
    %swap3A_82 = vector.shape_cast %broadcast_in_dim3A_78 : vector<16xf32> to vector<16xf32>
    tpu.vector_store %arg7[%swap3A_79], %swap3A_82 {strides = array<i32>} : memref<624xf32, #tpu.memory_space<vmem>>, vector<16xf32>,
    %broadcast_in_dim3A_83 = arith.constant 0.000000e+00 : f32
    %broadcast_in_dim3A_84 = vector.broadcast %broadcast_in_dim3A_83 : f32 to vector<16xf32>
    %swap3A_85 = arith.constant 224 : index
    %swap3A_86 = tpu.vector_load %arg7[%swap3A_85] {strides = array<i32>} : memref<624xf32, #tpu.memory_space<vmem>>, vector<16xf32>,
    %swap3A_87 = vector.shape_cast %swap3A_86 : vector<16xf32> to vector<16xf32>
    %swap3A_88 = vector.shape_cast %broadcast_in_dim3A_84 : vector<16xf32> to vector<16xf32>
    tpu.vector_store %arg7[%swap3A_85], %swap3A_88 {strides = array<i32>} : memref<624xf32, #tpu.memory_space<vmem>>, vector<16xf32>,
    %broadcast_in_dim3A_89 = arith.constant 0.000000e+00 : f32
    %broadcast_in_dim3A_90 = vector.broadcast %broadcast_in_dim3A_89 : f32 to vector<16xf32>
    %swap3A_91 = arith.constant 240 : index
    %swap3A_92 = tpu.vector_load %arg7[%swap3A_91] {strides = array<i32>} : memref<624xf32, #tpu.memory_space<vmem>>, vector<16xf32>,
    %swap3A_93 = vector.shape_cast %swap3A_92 : vector<16xf32> to vector<16xf32>
    %swap3A_94 = vector.shape_cast %broadcast_in_dim3A_90 : vector<16xf32> to vector<16xf32>
    tpu.vector_store %arg7[%swap3A_91], %swap3A_94 {strides = array<i32>} : memref<624xf32, #tpu.memory_space<vmem>>, vector<16xf32>,
    %broadcast_in_dim3A_95 = arith.constant 0.000000e+00 : f32
    %broadcast_in_dim3A_96 = vector.broadcast %broadcast_in_dim3A_95 : f32 to vector<16xf32>
    %swap3A_97 = arith.constant 256 : index
    %swap3A_98 = tpu.vector_load %arg7[%swap3A_97] {strides = array<i32>} : memref<624xf32, #tpu.memory_space<vmem>>, vector<16xf32>,
    %swap3A_99 = vector.shape_cast %swap3A_98 : vector<16xf32> to vector<16xf32>
    %swap3A_100 = vector.shape_cast %broadcast_in_dim3A_96 : vector<16xf32> to vector<16xf32>
    tpu.vector_store %arg7[%swap3A_97], %swap3A_100 {strides = array<i32>} : memref<624xf32, #tpu.memory_space<vmem>>, vector<16xf32>,
    %broadcast_in_dim3A_101 = arith.constant 0.000000e+00 : f32
    %broadcast_in_dim3A_102 = vector.broadcast %broadcast_in_dim3A_101 : f32 to vector<16xf32>
    %swap3A_103 = arith.constant 272 : index
    %swap3A_104 = tpu.vector_load %arg7[%swap3A_103] {strides = array<i32>} : memref<624xf32, #tpu.memory_space<vmem>>, vector<16xf32>,
    %swap3A_105 = vector.shape_cast %swap3A_104 : vector<16xf32> to vector<16xf32>
    %swap3A_106 = vector.shape_cast %broadcast_in_dim3A_102 : vector<16xf32> to vector<16xf32>
    tpu.vector_store %arg7[%swap3A_103], %swap3A_106 {strides = array<i32>} : memref<624xf32, #tpu.memory_space<vmem>>, vector<16xf32>,
    %broadcast_in_dim3A_107 = arith.constant 0.000000e+00 : f32
    %broadcast_in_dim3A_108 = vector.broadcast %broadcast_in_dim3A_107 : f32 to vector<16xf32>
    %swap3A_109 = arith.constant 288 : index
    %swap3A_110 = tpu.vector_load %arg7[%swap3A_109] {strides = array<i32>} : memref<624xf32, #tpu.memory_space<vmem>>, vector<16xf32>,
    %swap3A_111 = vector.shape_cast %swap3A_110 : vector<16xf32> to vector<16xf32>
    %swap3A_112 = vector.shape_cast %broadcast_in_dim3A_108 : vector<16xf32> to vector<16xf32>
    tpu.vector_store %arg7[%swap3A_109], %swap3A_112 {strides = array<i32>} : memref<624xf32, #tpu.memory_space<vmem>>, vector<16xf32>,
    %broadcast_in_dim3A_113 = arith.constant 0.000000e+00 : f32
    %broadcast_in_dim3A_114 = vector.broadcast %broadcast_in_dim3A_113 : f32 to vector<16xf32>
    %swap3A_115 = arith.constant 304 : index
    %swap3A_116 = tpu.vector_load %arg7[%swap3A_115] {strides = array<i32>} : memref<624xf32, #tpu.memory_space<vmem>>, vector<16xf32>,
    %swap3A_117 = vector.shape_cast %swap3A_116 : vector<16xf32> to vector<16xf32>
    %swap3A_118 = vector.shape_cast %broadcast_in_dim3A_114 : vector<16xf32> to vector<16xf32>
    tpu.vector_store %arg7[%swap3A_115], %swap3A_118 {strides = array<i32>} : memref<624xf32, #tpu.memory_space<vmem>>, vector<16xf32>,
    %broadcast_in_dim3A_119 = arith.constant 0.000000e+00 : f32
    %broadcast_in_dim3A_120 = vector.broadcast %broadcast_in_dim3A_119 : f32 to vector<16xf32>
    %swap3A_121 = arith.constant 320 : index
    %swap3A_122 = tpu.vector_load %arg7[%swap3A_121] {strides = array<i32>} : memref<624xf32, #tpu.memory_space<vmem>>, vector<16xf32>,
    %swap3A_123 = vector.shape_cast %swap3A_122 : vector<16xf32> to vector<16xf32>
    %swap3A_124 = vector.shape_cast %broadcast_in_dim3A_120 : vector<16xf32> to vector<16xf32>
    tpu.vector_store %arg7[%swap3A_121], %swap3A_124 {strides = array<i32>} : memref<624xf32, #tpu.memory_space<vmem>>, vector<16xf32>,
    %broadcast_in_dim3A_125 = arith.constant 0.000000e+00 : f32
    %broadcast_in_dim3A_126 = vector.broadcast %broadcast_in_dim3A_125 : f32 to vector<16xf32>
    %swap3A_127 = arith.constant 336 : index
    %swap3A_128 = tpu.vector_load %arg7[%swap3A_127] {strides = array<i32>} : memref<624xf32, #tpu.memory_space<vmem>>, vector<16xf32>,
    %swap3A_129 = vector.shape_cast %swap3A_128 : vector<16xf32> to vector<16xf32>
    %swap3A_130 = vector.shape_cast %broadcast_in_dim3A_126 : vector<16xf32> to vector<16xf32>
    tpu.vector_store %arg7[%swap3A_127], %swap3A_130 {strides = array<i32>} : memref<624xf32, #tpu.memory_space<vmem>>, vector<16xf32>,
    %broadcast_in_dim3A_131 = arith.constant 0.000000e+00 : f32
    %broadcast_in_dim3A_132 = vector.broadcast %broadcast_in_dim3A_131 : f32 to vector<16xf32>
    %swap3A_133 = arith.constant 352 : index
    %swap3A_134 = tpu.vector_load %arg7[%swap3A_133] {strides = array<i32>} : memref<624xf32, #tpu.memory_space<vmem>>, vector<16xf32>,
    %swap3A_135 = vector.shape_cast %swap3A_134 : vector<16xf32> to vector<16xf32>
    %swap3A_136 = vector.shape_cast %broadcast_in_dim3A_132 : vector<16xf32> to vector<16xf32>
    tpu.vector_store %arg7[%swap3A_133], %swap3A_136 {strides = array<i32>} : memref<624xf32, #tpu.memory_space<vmem>>, vector<16xf32>,
    %broadcast_in_dim3A_137 = arith.constant 0.000000e+00 : f32
    %broadcast_in_dim3A_138 = vector.broadcast %broadcast_in_dim3A_137 : f32 to vector<16xf32>
    %swap3A_139 = arith.constant 368 : index
    %swap3A_140 = tpu.vector_load %arg7[%swap3A_139] {strides = array<i32>} : memref<624xf32, #tpu.memory_space<vmem>>, vector<16xf32>,
    %swap3A_141 = vector.shape_cast %swap3A_140 : vector<16xf32> to vector<16xf32>
    %swap3A_142 = vector.shape_cast %broadcast_in_dim3A_138 : vector<16xf32> to vector<16xf32>
    tpu.vector_store %arg7[%swap3A_139], %swap3A_142 {strides = array<i32>} : memref<624xf32, #tpu.memory_space<vmem>>, vector<16xf32>,
    %broadcast_in_dim3A_143 = arith.constant 0.000000e+00 : f32
    %broadcast_in_dim3A_144 = vector.broadcast %broadcast_in_dim3A_143 : f32 to vector<16xf32>
    %swap3A_145 = arith.constant 384 : index
    %swap3A_146 = tpu.vector_load %arg7[%swap3A_145] {strides = array<i32>} : memref<624xf32, #tpu.memory_space<vmem>>, vector<16xf32>,
    %swap3A_147 = vector.shape_cast %swap3A_146 : vector<16xf32> to vector<16xf32>
    %swap3A_148 = vector.shape_cast %broadcast_in_dim3A_144 : vector<16xf32> to vector<16xf32>
    tpu.vector_store %arg7[%swap3A_145], %swap3A_148 {strides = array<i32>} : memref<624xf32, #tpu.memory_space<vmem>>, vector<16xf32>,
    %broadcast_in_dim3A_149 = arith.constant 0.000000e+00 : f32
    %broadcast_in_dim3A_150 = vector.broadcast %broadcast_in_dim3A_149 : f32 to vector<16xf32>
    %swap3A_151 = arith.constant 400 : index
    %swap3A_152 = tpu.vector_load %arg7[%swap3A_151] {strides = array<i32>} : memref<624xf32, #tpu.memory_space<vmem>>, vector<16xf32>,
    %swap3A_153 = vector.shape_cast %swap3A_152 : vector<16xf32> to vector<16xf32>
    %swap3A_154 = vector.shape_cast %broadcast_in_dim3A_150 : vector<16xf32> to vector<16xf32>
    tpu.vector_store %arg7[%swap3A_151], %swap3A_154 {strides = array<i32>} : memref<624xf32, #tpu.memory_space<vmem>>, vector<16xf32>,
    %broadcast_in_dim3A_155 = arith.constant 0.000000e+00 : f32
    %broadcast_in_dim3A_156 = vector.broadcast %broadcast_in_dim3A_155 : f32 to vector<16xf32>
    %swap3A_157 = arith.constant 416 : index
    %swap3A_158 = tpu.vector_load %arg7[%swap3A_157] {strides = array<i32>} : memref<624xf32, #tpu.memory_space<vmem>>, vector<16xf32>,
    %swap3A_159 = vector.shape_cast %swap3A_158 : vector<16xf32> to vector<16xf32>
    %swap3A_160 = vector.shape_cast %broadcast_in_dim3A_156 : vector<16xf32> to vector<16xf32>
    tpu.vector_store %arg7[%swap3A_157], %swap3A_160 {strides = array<i32>} : memref<624xf32, #tpu.memory_space<vmem>>, vector<16xf32>,
    %broadcast_in_dim3A_161 = arith.constant 0.000000e+00 : f32
    %broadcast_in_dim3A_162 = vector.broadcast %broadcast_in_dim3A_161 : f32 to vector<16xf32>
    %swap3A_163 = arith.constant 432 : index
    %swap3A_164 = tpu.vector_load %arg7[%swap3A_163] {strides = array<i32>} : memref<624xf32, #tpu.memory_space<vmem>>, vector<16xf32>,
    %swap3A_165 = vector.shape_cast %swap3A_164 : vector<16xf32> to vector<16xf32>
    %swap3A_166 = vector.shape_cast %broadcast_in_dim3A_162 : vector<16xf32> to vector<16xf32>
    tpu.vector_store %arg7[%swap3A_163], %swap3A_166 {strides = array<i32>} : memref<624xf32, #tpu.memory_space<vmem>>, vector<16xf32>,
    %broadcast_in_dim3A_167 = arith.constant 0.000000e+00 : f32
    %broadcast_in_dim3A_168 = vector.broadcast %broadcast_in_dim3A_167 : f32 to vector<16xf32>
    %swap3A_169 = arith.constant 448 : index
    %swap3A_170 = tpu.vector_load %arg7[%swap3A_169] {strides = array<i32>} : memref<624xf32, #tpu.memory_space<vmem>>, vector<16xf32>,
    %swap3A_171 = vector.shape_cast %swap3A_170 : vector<16xf32> to vector<16xf32>
    %swap3A_172 = vector.shape_cast %broadcast_in_dim3A_168 : vector<16xf32> to vector<16xf32>
    tpu.vector_store %arg7[%swap3A_169], %swap3A_172 {strides = array<i32>} : memref<624xf32, #tpu.memory_space<vmem>>, vector<16xf32>,
    %broadcast_in_dim3A_173 = arith.constant 0.000000e+00 : f32
    %broadcast_in_dim3A_174 = vector.broadcast %broadcast_in_dim3A_173 : f32 to vector<16xf32>
    %swap3A_175 = arith.constant 464 : index
    %swap3A_176 = tpu.vector_load %arg7[%swap3A_175] {strides = array<i32>} : memref<624xf32, #tpu.memory_space<vmem>>, vector<16xf32>,
    %swap3A_177 = vector.shape_cast %swap3A_176 : vector<16xf32> to vector<16xf32>
    %swap3A_178 = vector.shape_cast %broadcast_in_dim3A_174 : vector<16xf32> to vector<16xf32>
    tpu.vector_store %arg7[%swap3A_175], %swap3A_178 {strides = array<i32>} : memref<624xf32, #tpu.memory_space<vmem>>, vector<16xf32>,
    %broadcast_in_dim3A_179 = arith.constant 0.000000e+00 : f32
    %broadcast_in_dim3A_180 = vector.broadcast %broadcast_in_dim3A_179 : f32 to vector<16xf32>
    %swap3A_181 = arith.constant 480 : index
    %swap3A_182 = tpu.vector_load %arg7[%swap3A_181] {strides = array<i32>} : memref<624xf32, #tpu.memory_space<vmem>>, vector<16xf32>,
    %swap3A_183 = vector.shape_cast %swap3A_182 : vector<16xf32> to vector<16xf32>
    %swap3A_184 = vector.shape_cast %broadcast_in_dim3A_180 : vector<16xf32> to vector<16xf32>
    tpu.vector_store %arg7[%swap3A_181], %swap3A_184 {strides = array<i32>} : memref<624xf32, #tpu.memory_space<vmem>>, vector<16xf32>,
    %broadcast_in_dim3A_185 = arith.constant 0.000000e+00 : f32
    %broadcast_in_dim3A_186 = vector.broadcast %broadcast_in_dim3A_185 : f32 to vector<16xf32>
    %swap3A_187 = arith.constant 496 : index
    %swap3A_188 = tpu.vector_load %arg7[%swap3A_187] {strides = array<i32>} : memref<624xf32, #tpu.memory_space<vmem>>, vector<16xf32>,
    %swap3A_189 = vector.shape_cast %swap3A_188 : vector<16xf32> to vector<16xf32>
    %swap3A_190 = vector.shape_cast %broadcast_in_dim3A_186 : vector<16xf32> to vector<16xf32>
    tpu.vector_store %arg7[%swap3A_187], %swap3A_190 {strides = array<i32>} : memref<624xf32, #tpu.memory_space<vmem>>, vector<16xf32>,
    %broadcast_in_dim3A_191 = arith.constant 0.000000e+00 : f32
    %broadcast_in_dim3A_192 = vector.broadcast %broadcast_in_dim3A_191 : f32 to vector<16xf32>
    %swap3A_193 = arith.constant 512 : index
    %swap3A_194 = tpu.vector_load %arg7[%swap3A_193] {strides = array<i32>} : memref<624xf32, #tpu.memory_space<vmem>>, vector<16xf32>,
    %swap3A_195 = vector.shape_cast %swap3A_194 : vector<16xf32> to vector<16xf32>
    %swap3A_196 = vector.shape_cast %broadcast_in_dim3A_192 : vector<16xf32> to vector<16xf32>
    tpu.vector_store %arg7[%swap3A_193], %swap3A_196 {strides = array<i32>} : memref<624xf32, #tpu.memory_space<vmem>>, vector<16xf32>,
    %broadcast_in_dim3A_197 = arith.constant 0.000000e+00 : f32
    %broadcast_in_dim3A_198 = vector.broadcast %broadcast_in_dim3A_197 : f32 to vector<16xf32>
    %swap3A_199 = arith.constant 528 : index
    %swap3A_200 = tpu.vector_load %arg7[%swap3A_199] {strides = array<i32>} : memref<624xf32, #tpu.memory_space<vmem>>, vector<16xf32>,
    %swap3A_201 = vector.shape_cast %swap3A_200 : vector<16xf32> to vector<16xf32>
    %swap3A_202 = vector.shape_cast %broadcast_in_dim3A_198 : vector<16xf32> to vector<16xf32>
    tpu.vector_store %arg7[%swap3A_199], %swap3A_202 {strides = array<i32>} : memref<624xf32, #tpu.memory_space<vmem>>, vector<16xf32>,
    %broadcast_in_dim3A_203 = arith.constant 0.000000e+00 : f32
    %broadcast_in_dim3A_204 = vector.broadcast %broadcast_in_dim3A_203 : f32 to vector<16xf32>
    %swap3A_205 = arith.constant 544 : index
    %swap3A_206 = tpu.vector_load %arg7[%swap3A_205] {strides = array<i32>} : memref<624xf32, #tpu.memory_space<vmem>>, vector<16xf32>,
    %swap3A_207 = vector.shape_cast %swap3A_206 : vector<16xf32> to vector<16xf32>
    %swap3A_208 = vector.shape_cast %broadcast_in_dim3A_204 : vector<16xf32> to vector<16xf32>
    tpu.vector_store %arg7[%swap3A_205], %swap3A_208 {strides = array<i32>} : memref<624xf32, #tpu.memory_space<vmem>>, vector<16xf32>,
    %broadcast_in_dim3A_209 = arith.constant 0.000000e+00 : f32
    %broadcast_in_dim3A_210 = vector.broadcast %broadcast_in_dim3A_209 : f32 to vector<16xf32>
    %swap3A_211 = arith.constant 560 : index
    %swap3A_212 = tpu.vector_load %arg7[%swap3A_211] {strides = array<i32>} : memref<624xf32, #tpu.memory_space<vmem>>, vector<16xf32>,
    %swap3A_213 = vector.shape_cast %swap3A_212 : vector<16xf32> to vector<16xf32>
    %swap3A_214 = vector.shape_cast %broadcast_in_dim3A_210 : vector<16xf32> to vector<16xf32>
    tpu.vector_store %arg7[%swap3A_211], %swap3A_214 {strides = array<i32>} : memref<624xf32, #tpu.memory_space<vmem>>, vector<16xf32>,
    %broadcast_in_dim3A_215 = arith.constant 0.000000e+00 : f32
    %broadcast_in_dim3A_216 = vector.broadcast %broadcast_in_dim3A_215 : f32 to vector<16xf32>
    %swap3A_217 = arith.constant 576 : index
    %swap3A_218 = tpu.vector_load %arg7[%swap3A_217] {strides = array<i32>} : memref<624xf32, #tpu.memory_space<vmem>>, vector<16xf32>,
    %swap3A_219 = vector.shape_cast %swap3A_218 : vector<16xf32> to vector<16xf32>
    %swap3A_220 = vector.shape_cast %broadcast_in_dim3A_216 : vector<16xf32> to vector<16xf32>
    tpu.vector_store %arg7[%swap3A_217], %swap3A_220 {strides = array<i32>} : memref<624xf32, #tpu.memory_space<vmem>>, vector<16xf32>,
    %broadcast_in_dim3A_221 = arith.constant 0.000000e+00 : f32
    %broadcast_in_dim3A_222 = vector.broadcast %broadcast_in_dim3A_221 : f32 to vector<16xf32>
    %swap3A_223 = arith.constant 592 : index
    %swap3A_224 = tpu.vector_load %arg7[%swap3A_223] {strides = array<i32>} : memref<624xf32, #tpu.memory_space<vmem>>, vector<16xf32>,
    %swap3A_225 = vector.shape_cast %swap3A_224 : vector<16xf32> to vector<16xf32>
    %swap3A_226 = vector.shape_cast %broadcast_in_dim3A_222 : vector<16xf32> to vector<16xf32>
    tpu.vector_store %arg7[%swap3A_223], %swap3A_226 {strides = array<i32>} : memref<624xf32, #tpu.memory_space<vmem>>, vector<16xf32>,
    %broadcast_in_dim3A_227 = arith.constant 0.000000e+00 : f32
    %broadcast_in_dim3A_228 = vector.broadcast %broadcast_in_dim3A_227 : f32 to vector<16xf32>
    %swap3A_229 = arith.constant 608 : index
    %swap3A_230 = tpu.vector_load %arg7[%swap3A_229] {strides = array<i32>} : memref<624xf32, #tpu.memory_space<vmem>>, vector<16xf32>,
    %swap3A_231 = vector.shape_cast %swap3A_230 : vector<16xf32> to vector<16xf32>
    %swap3A_232 = vector.shape_cast %broadcast_in_dim3A_228 : vector<16xf32> to vector<16xf32>
    tpu.vector_store %arg7[%swap3A_229], %swap3A_232 {strides = array<i32>} : memref<624xf32, #tpu.memory_space<vmem>>, vector<16xf32>,
    %mul3A_233 = arith.constant 624 : i32
    %mul3A_234 = arith.muli %arg1, %mul3A_233 : i32
    "tpu.region"() ({
      %run_scoped3A_309 = tpu.sem_alloc : memref<!tpu.dma_semaphore, #tpu.memory_space<semaphore_mem>>
      %dma_start3A = tpu.memref_slice %arg8[%mul3A_234] : memref<10000xf32, #tpu.memory_space<vmem_shared>> -> memref<624xf32, #tpu.memory_space<vmem_shared>>
      %dma_start3A_310 = tpu.memref_slice %arg8[%mul3A_234] : memref<10000xf32, #tpu.memory_space<vmem_shared>> -> memref<624xf32, #tpu.memory_space<vmem_shared>>
      tpu.enqueue_dma source(%arg7 : memref<624xf32, #tpu.memory_space<vmem>>) target(%dma_start3A_310 : memref<624xf32, #tpu.memory_space<vmem_shared>>) target_semaphore(%run_scoped3A_309 : memref<!tpu.dma_semaphore, #tpu.memory_space<semaphore_mem>>)
      %dma_wait3A = tpu.memref_slice %arg8[%mul3A_234] : memref<10000xf32, #tpu.memory_space<vmem_shared>> -> memref<624xf32, #tpu.memory_space<vmem_shared>>
      %dma_wait3A_311 = tpu.memref_slice %arg8[%mul3A_234] : memref<10000xf32, #tpu.memory_space<vmem_shared>> -> memref<624xf32, #tpu.memory_space<vmem_shared>>
      tpu.wait_dma2 semaphore(%run_scoped3A_309 : memref<!tpu.dma_semaphore, #tpu.memory_space<semaphore_mem>>) src(%arg7 : memref<624xf32, #tpu.memory_space<vmem>>) dst(%dma_wait3A_311 : memref<624xf32, #tpu.memory_space<vmem_shared>>)
      tpu.yield
    }) : () -> ()
    %eq3A = arith.constant 0 : i32
    %eq3A_235 = arith.cmpi eq, %arg1, %eq3A : i32
    %convert_element_type3A = arith.extui %eq3A_235 : i1 to i32
    %cond3A = arith.constant 0 : i32
    %cond3A_236 = arith.cmpi ne, %convert_element_type3A, %cond3A : i32
    scf.if %cond3A_236 {
      "tpu.region"() ({
        %run_scoped3A_309 = tpu.sem_alloc : memref<!tpu.dma_semaphore, #tpu.memory_space<semaphore_mem>>
        %dma_start3A = arith.constant 0 : i32
        %dma_start3A_310 = tpu.memref_slice %arg7[%dma_start3A] : memref<624xf32, #tpu.memory_space<vmem>> -> memref<16xf32, #tpu.memory_space<vmem>>
        %dma_start3A_311 = arith.constant 9984 : i32
        %dma_start3A_312 = tpu.memref_slice %arg8[%dma_start3A_311] : memref<10000xf32, #tpu.memory_space<vmem_shared>> -> memref<16xf32, #tpu.memory_space<vmem_shared>>
        %dma_start3A_313 = arith.constant 9984 : i32
        %dma_start3A_314 = tpu.memref_slice %arg8[%dma_start3A_313] : memref<10000xf32, #tpu.memory_space<vmem_shared>> -> memref<16xf32, #tpu.memory_space<vmem_shared>>
        %dma_start3A_315 = arith.constant 0 : i32
        %dma_start3A_316 = tpu.memref_slice %arg7[%dma_start3A_315] : memref<624xf32, #tpu.memory_space<vmem>> -> memref<16xf32, #tpu.memory_space<vmem>>
        tpu.enqueue_dma source(%dma_start3A_316 : memref<16xf32, #tpu.memory_space<vmem>>) target(%dma_start3A_314 : memref<16xf32, #tpu.memory_space<vmem_shared>>) target_semaphore(%run_scoped3A_309 : memref<!tpu.dma_semaphore, #tpu.memory_space<semaphore_mem>>)
        %dma_wait3A = arith.constant 0 : i32
        %dma_wait3A_317 = tpu.memref_slice %arg7[%dma_wait3A] : memref<624xf32, #tpu.memory_space<vmem>> -> memref<16xf32, #tpu.memory_space<vmem>>
        %dma_wait3A_318 = arith.constant 9984 : i32
        %dma_wait3A_319 = tpu.memref_slice %arg8[%dma_wait3A_318] : memref<10000xf32, #tpu.memory_space<vmem_shared>> -> memref<16xf32, #tpu.memory_space<vmem_shared>>
        %dma_wait3A_320 = arith.constant 9984 : i32
        %dma_wait3A_321 = tpu.memref_slice %arg8[%dma_wait3A_320] : memref<10000xf32, #tpu.memory_space<vmem_shared>> -> memref<16xf32, #tpu.memory_space<vmem_shared>>
        %dma_wait3A_322 = arith.constant 0 : i32
        %dma_wait3A_323 = tpu.memref_slice %arg7[%dma_wait3A_322] : memref<624xf32, #tpu.memory_space<vmem>> -> memref<16xf32, #tpu.memory_space<vmem>>
        tpu.wait_dma2 semaphore(%run_scoped3A_309 : memref<!tpu.dma_semaphore, #tpu.memory_space<semaphore_mem>>) src(%dma_wait3A_323 : memref<16xf32, #tpu.memory_space<vmem>>) dst(%dma_wait3A_321 : memref<16xf32, #tpu.memory_space<vmem_shared>>)
        tpu.yield
      }) : () -> ()
    } else {
    }
    %broadcast_in_dim3A_237 = arith.constant 1.000000e+00 : f32
    %broadcast_in_dim3A_238 = vector.broadcast %broadcast_in_dim3A_237 : f32 to vector<16xf32>
    %swap3A_239 = arith.constant 0 : index
    %swap3A_240 = tpu.vector_load %arg6[%swap3A_239] {strides = array<i32>} : memref<128xf32, #tpu.memory_space<vmem>>, vector<16xf32>,
    %swap3A_241 = vector.shape_cast %swap3A_240 : vector<16xf32> to vector<16xf32>
    %swap3A_242 = vector.shape_cast %broadcast_in_dim3A_238 : vector<16xf32> to vector<16xf32>
    tpu.vector_store %arg6[%swap3A_239], %swap3A_242 {strides = array<i32>} : memref<128xf32, #tpu.memory_space<vmem>>, vector<16xf32>,
    %broadcast_in_dim3A_243 = arith.constant 1.000000e+00 : f32
    %broadcast_in_dim3A_244 = vector.broadcast %broadcast_in_dim3A_243 : f32 to vector<16xf32>
    %swap3A_245 = arith.constant 16 : index
    %swap3A_246 = tpu.vector_load %arg6[%swap3A_245] {strides = array<i32>} : memref<128xf32, #tpu.memory_space<vmem>>, vector<16xf32>,
    %swap3A_247 = vector.shape_cast %swap3A_246 : vector<16xf32> to vector<16xf32>
    %swap3A_248 = vector.shape_cast %broadcast_in_dim3A_244 : vector<16xf32> to vector<16xf32>
    tpu.vector_store %arg6[%swap3A_245], %swap3A_248 {strides = array<i32>} : memref<128xf32, #tpu.memory_space<vmem>>, vector<16xf32>,
    %broadcast_in_dim3A_249 = arith.constant 1.000000e+00 : f32
    %broadcast_in_dim3A_250 = vector.broadcast %broadcast_in_dim3A_249 : f32 to vector<16xf32>
    %swap3A_251 = arith.constant 32 : index
    %swap3A_252 = tpu.vector_load %arg6[%swap3A_251] {strides = array<i32>} : memref<128xf32, #tpu.memory_space<vmem>>, vector<16xf32>,
    %swap3A_253 = vector.shape_cast %swap3A_252 : vector<16xf32> to vector<16xf32>
    %swap3A_254 = vector.shape_cast %broadcast_in_dim3A_250 : vector<16xf32> to vector<16xf32>
    tpu.vector_store %arg6[%swap3A_251], %swap3A_254 {strides = array<i32>} : memref<128xf32, #tpu.memory_space<vmem>>, vector<16xf32>,
    %broadcast_in_dim3A_255 = arith.constant 1.000000e+00 : f32
    %broadcast_in_dim3A_256 = vector.broadcast %broadcast_in_dim3A_255 : f32 to vector<16xf32>
    %swap3A_257 = arith.constant 48 : index
    %swap3A_258 = tpu.vector_load %arg6[%swap3A_257] {strides = array<i32>} : memref<128xf32, #tpu.memory_space<vmem>>, vector<16xf32>,
    %swap3A_259 = vector.shape_cast %swap3A_258 : vector<16xf32> to vector<16xf32>
    %swap3A_260 = vector.shape_cast %broadcast_in_dim3A_256 : vector<16xf32> to vector<16xf32>
    tpu.vector_store %arg6[%swap3A_257], %swap3A_260 {strides = array<i32>} : memref<128xf32, #tpu.memory_space<vmem>>, vector<16xf32>,
    %broadcast_in_dim3A_261 = arith.constant 1.000000e+00 : f32
    %broadcast_in_dim3A_262 = vector.broadcast %broadcast_in_dim3A_261 : f32 to vector<16xf32>
    %swap3A_263 = arith.constant 64 : index
    %swap3A_264 = tpu.vector_load %arg6[%swap3A_263] {strides = array<i32>} : memref<128xf32, #tpu.memory_space<vmem>>, vector<16xf32>,
    %swap3A_265 = vector.shape_cast %swap3A_264 : vector<16xf32> to vector<16xf32>
    %swap3A_266 = vector.shape_cast %broadcast_in_dim3A_262 : vector<16xf32> to vector<16xf32>
    tpu.vector_store %arg6[%swap3A_263], %swap3A_266 {strides = array<i32>} : memref<128xf32, #tpu.memory_space<vmem>>, vector<16xf32>,
    %broadcast_in_dim3A_267 = arith.constant 1.000000e+00 : f32
    %broadcast_in_dim3A_268 = vector.broadcast %broadcast_in_dim3A_267 : f32 to vector<16xf32>
    %swap3A_269 = arith.constant 80 : index
    %swap3A_270 = tpu.vector_load %arg6[%swap3A_269] {strides = array<i32>} : memref<128xf32, #tpu.memory_space<vmem>>, vector<16xf32>,
    %swap3A_271 = vector.shape_cast %swap3A_270 : vector<16xf32> to vector<16xf32>
    %swap3A_272 = vector.shape_cast %broadcast_in_dim3A_268 : vector<16xf32> to vector<16xf32>
    tpu.vector_store %arg6[%swap3A_269], %swap3A_272 {strides = array<i32>} : memref<128xf32, #tpu.memory_space<vmem>>, vector<16xf32>,
    %broadcast_in_dim3A_273 = arith.constant 1.000000e+00 : f32
    %broadcast_in_dim3A_274 = vector.broadcast %broadcast_in_dim3A_273 : f32 to vector<16xf32>
    %swap3A_275 = arith.constant 96 : index
    %swap3A_276 = tpu.vector_load %arg6[%swap3A_275] {strides = array<i32>} : memref<128xf32, #tpu.memory_space<vmem>>, vector<16xf32>,
    %swap3A_277 = vector.shape_cast %swap3A_276 : vector<16xf32> to vector<16xf32>
    %swap3A_278 = vector.shape_cast %broadcast_in_dim3A_274 : vector<16xf32> to vector<16xf32>
    tpu.vector_store %arg6[%swap3A_275], %swap3A_278 {strides = array<i32>} : memref<128xf32, #tpu.memory_space<vmem>>, vector<16xf32>,
    %broadcast_in_dim3A_279 = arith.constant 1.000000e+00 : f32
    %broadcast_in_dim3A_280 = vector.broadcast %broadcast_in_dim3A_279 : f32 to vector<16xf32>
    %swap3A_281 = arith.constant 112 : index
    %swap3A_282 = tpu.vector_load %arg6[%swap3A_281] {strides = array<i32>} : memref<128xf32, #tpu.memory_space<vmem>>, vector<16xf32>,
    %swap3A_283 = vector.shape_cast %swap3A_282 : vector<16xf32> to vector<16xf32>
    %swap3A_284 = vector.shape_cast %broadcast_in_dim3A_280 : vector<16xf32> to vector<16xf32>
    tpu.vector_store %arg6[%swap3A_281], %swap3A_284 {strides = array<i32>} : memref<128xf32, #tpu.memory_space<vmem>>, vector<16xf32>,
    %barrier3A = arith.constant 0 : index
    tpu.barrier barrier_id(%barrier3A)
    %mul3A_285 = arith.constant 78 : i32
    %mul3A_286 = arith.muli %add3A, %mul3A_285 : i32
    %run_scoped3A = arith.constant 0 : i32
    "tpu.region"() ({
      %run_scoped3A_309 = tpu.sem_alloc : memref<!tpu.dma_semaphore, #tpu.memory_space<semaphore_mem>>
      %dma_start3A = arith.constant 0 : i32
      %dma_start3A_310 = tpu.memref_slice %arg2[%run_scoped3A, %mul3A_286, %dma_start3A] : memref<2x2500x128xi32, #tpu.memory_space<hbm>> -> memref<1x78x128xi32, #tpu.memory_space<hbm>>
      %dma_start3A_311 = tpu.memref_squeeze %dma_start3A_310 : memref<1x78x128xi32, #tpu.memory_space<hbm>> -> memref<78x128xi32, #tpu.memory_space<hbm>>
      %dma_start3A_312 = arith.constant 0 : i32
      %dma_start3A_313 = tpu.memref_slice %arg2[%run_scoped3A, %mul3A_286, %dma_start3A_312] : memref<2x2500x128xi32, #tpu.memory_space<hbm>> -> memref<1x78x128xi32, #tpu.memory_space<hbm>>
      %dma_start3A_314 = tpu.memref_squeeze %dma_start3A_313 : memref<1x78x128xi32, #tpu.memory_space<hbm>> -> memref<78x128xi32, #tpu.memory_space<hbm>>
      tpu.enqueue_dma source(%dma_start3A_314 : memref<78x128xi32, #tpu.memory_space<hbm>>) target(%arg4 : memref<78x128xi32, #tpu.memory_space<vmem>>) target_semaphore(%run_scoped3A_309 : memref<!tpu.dma_semaphore, #tpu.memory_space<semaphore_mem>>)
      %dma_wait3A = arith.constant 0 : i32
      %dma_wait3A_315 = tpu.memref_slice %arg2[%run_scoped3A, %mul3A_286, %dma_wait3A] : memref<2x2500x128xi32, #tpu.memory_space<hbm>> -> memref<1x78x128xi32, #tpu.memory_space<hbm>>
      %dma_wait3A_316 = tpu.memref_squeeze %dma_wait3A_315 : memref<1x78x128xi32, #tpu.memory_space<hbm>> -> memref<78x128xi32, #tpu.memory_space<hbm>>
      %dma_wait3A_317 = arith.constant 0 : i32
      %dma_wait3A_318 = tpu.memref_slice %arg2[%run_scoped3A, %mul3A_286, %dma_wait3A_317] : memref<2x2500x128xi32, #tpu.memory_space<hbm>> -> memref<1x78x128xi32, #tpu.memory_space<hbm>>
      %dma_wait3A_319 = tpu.memref_squeeze %dma_wait3A_318 : memref<1x78x128xi32, #tpu.memory_space<hbm>> -> memref<78x128xi32, #tpu.memory_space<hbm>>
      tpu.wait_dma2 semaphore(%run_scoped3A_309 : memref<!tpu.dma_semaphore, #tpu.memory_space<semaphore_mem>>) src(%dma_wait3A_319 : memref<78x128xi32, #tpu.memory_space<hbm>>) dst(%arg4 : memref<78x128xi32, #tpu.memory_space<vmem>>)
      tpu.yield
    }) : () -> ()
    %scan3A = arith.constant 0 : i32
    %scan3A_287 = arith.constant 0 : i32
    %scan3A_288 = arith.constant 6 : i32
    %scan3A_289 = arith.addi %scan3A_287, %scan3A_288 : i32
    %scan3A_290 = arith.constant 1 : i32
    scf.for %scan3A_309 = %scan3A_287 to %scan3A_289 step %scan3A_290  : i32 {
      %mul3A_310 = arith.constant 13 : i32
      %mul3A_311 = arith.muli %scan3A_309, %mul3A_310 : i32
      %add3A_312 = arith.constant 0 : i32
      %add3A_313 = arith.addi %mul3A_311, %add3A_312 : i32
      %dma_start3A = arith.constant 0 : i32
      %dma_start3A_314 = tpu.memref_slice %arg4[%add3A_313, %dma_start3A] : memref<78x128xi32, #tpu.memory_space<vmem>> -> memref<1x128xi32, #tpu.memory_space<vmem>>
      %dma_start3A_315 = tpu.memref_squeeze %dma_start3A_314 : memref<1x128xi32, #tpu.memory_space<vmem>> -> memref<128xi32, #tpu.memory_space<vmem>>
      %dma_start3A_316 = arith.constant 0 : i32
      %dma_start3A_317 = tpu.memref_slice %arg8[%dma_start3A_316] : memref<10000xf32, #tpu.memory_space<vmem_shared>> -> memref<10000xf32, #tpu.memory_space<vmem_shared>>
      tpu.enqueue_indirect_dma source(%arg6 : memref<128xf32, #tpu.memory_space<vmem>>) target(%dma_start3A_317 : memref<10000xf32, #tpu.memory_space<vmem_shared>>) offsets(%dma_start3A_315 : memref<128xi32, #tpu.memory_space<vmem>>) semaphore(%arg9 : memref<!tpu.dma_semaphore, #tpu.memory_space<semaphore_mem>>) {add = true}
      %mul3A_318 = arith.constant 13 : i32
      %mul3A_319 = arith.muli %scan3A_309, %mul3A_318 : i32
      %add3A_320 = arith.constant 1 : i32
      %add3A_321 = arith.addi %mul3A_319, %add3A_320 : i32
      %dma_start3A_322 = arith.constant 0 : i32
      %dma_start3A_323 = tpu.memref_slice %arg4[%add3A_321, %dma_start3A_322] : memref<78x128xi32, #tpu.memory_space<vmem>> -> memref<1x128xi32, #tpu.memory_space<vmem>>
      %dma_start3A_324 = tpu.memref_squeeze %dma_start3A_323 : memref<1x128xi32, #tpu.memory_space<vmem>> -> memref<128xi32, #tpu.memory_space<vmem>>
      %dma_start3A_325 = arith.constant 0 : i32
      %dma_start3A_326 = tpu.memref_slice %arg8[%dma_start3A_325] : memref<10000xf32, #tpu.memory_space<vmem_shared>> -> memref<10000xf32, #tpu.memory_space<vmem_shared>>
      tpu.enqueue_indirect_dma source(%arg6 : memref<128xf32, #tpu.memory_space<vmem>>) target(%dma_start3A_326 : memref<10000xf32, #tpu.memory_space<vmem_shared>>) offsets(%dma_start3A_324 : memref<128xi32, #tpu.memory_space<vmem>>) semaphore(%arg9 : memref<!tpu.dma_semaphore, #tpu.memory_space<semaphore_mem>>) {add = true}
      %mul3A_327 = arith.constant 13 : i32
      %mul3A_328 = arith.muli %scan3A_309, %mul3A_327 : i32
      %add3A_329 = arith.constant 2 : i32
      %add3A_330 = arith.addi %mul3A_328, %add3A_329 : i32
      %dma_start3A_331 = arith.constant 0 : i32
      %dma_start3A_332 = tpu.memref_slice %arg4[%add3A_330, %dma_start3A_331] : memref<78x128xi32, #tpu.memory_space<vmem>> -> memref<1x128xi32, #tpu.memory_space<vmem>>
      %dma_start3A_333 = tpu.memref_squeeze %dma_start3A_332 : memref<1x128xi32, #tpu.memory_space<vmem>> -> memref<128xi32, #tpu.memory_space<vmem>>
      %dma_start3A_334 = arith.constant 0 : i32
      %dma_start3A_335 = tpu.memref_slice %arg8[%dma_start3A_334] : memref<10000xf32, #tpu.memory_space<vmem_shared>> -> memref<10000xf32, #tpu.memory_space<vmem_shared>>
      tpu.enqueue_indirect_dma source(%arg6 : memref<128xf32, #tpu.memory_space<vmem>>) target(%dma_start3A_335 : memref<10000xf32, #tpu.memory_space<vmem_shared>>) offsets(%dma_start3A_333 : memref<128xi32, #tpu.memory_space<vmem>>) semaphore(%arg9 : memref<!tpu.dma_semaphore, #tpu.memory_space<semaphore_mem>>) {add = true}
      %mul3A_336 = arith.constant 13 : i32
      %mul3A_337 = arith.muli %scan3A_309, %mul3A_336 : i32
      %add3A_338 = arith.constant 3 : i32
      %add3A_339 = arith.addi %mul3A_337, %add3A_338 : i32
      %dma_start3A_340 = arith.constant 0 : i32
      %dma_start3A_341 = tpu.memref_slice %arg4[%add3A_339, %dma_start3A_340] : memref<78x128xi32, #tpu.memory_space<vmem>> -> memref<1x128xi32, #tpu.memory_space<vmem>>
      %dma_start3A_342 = tpu.memref_squeeze %dma_start3A_341 : memref<1x128xi32, #tpu.memory_space<vmem>> -> memref<128xi32, #tpu.memory_space<vmem>>
      %dma_start3A_343 = arith.constant 0 : i32
      %dma_start3A_344 = tpu.memref_slice %arg8[%dma_start3A_343] : memref<10000xf32, #tpu.memory_space<vmem_shared>> -> memref<10000xf32, #tpu.memory_space<vmem_shared>>
      tpu.enqueue_indirect_dma source(%arg6 : memref<128xf32, #tpu.memory_space<vmem>>) target(%dma_start3A_344 : memref<10000xf32, #tpu.memory_space<vmem_shared>>) offsets(%dma_start3A_342 : memref<128xi32, #tpu.memory_space<vmem>>) semaphore(%arg9 : memref<!tpu.dma_semaphore, #tpu.memory_space<semaphore_mem>>) {add = true}
      %mul3A_345 = arith.constant 13 : i32
      %mul3A_346 = arith.muli %scan3A_309, %mul3A_345 : i32
      %add3A_347 = arith.constant 4 : i32
      %add3A_348 = arith.addi %mul3A_346, %add3A_347 : i32
      %dma_start3A_349 = arith.constant 0 : i32
      %dma_start3A_350 = tpu.memref_slice %arg4[%add3A_348, %dma_start3A_349] : memref<78x128xi32, #tpu.memory_space<vmem>> -> memref<1x128xi32, #tpu.memory_space<vmem>>
      %dma_start3A_351 = tpu.memref_squeeze %dma_start3A_350 : memref<1x128xi32, #tpu.memory_space<vmem>> -> memref<128xi32, #tpu.memory_space<vmem>>
      %dma_start3A_352 = arith.constant 0 : i32
      %dma_start3A_353 = tpu.memref_slice %arg8[%dma_start3A_352] : memref<10000xf32, #tpu.memory_space<vmem_shared>> -> memref<10000xf32, #tpu.memory_space<vmem_shared>>
      tpu.enqueue_indirect_dma source(%arg6 : memref<128xf32, #tpu.memory_space<vmem>>) target(%dma_start3A_353 : memref<10000xf32, #tpu.memory_space<vmem_shared>>) offsets(%dma_start3A_351 : memref<128xi32, #tpu.memory_space<vmem>>) semaphore(%arg9 : memref<!tpu.dma_semaphore, #tpu.memory_space<semaphore_mem>>) {add = true}
      %mul3A_354 = arith.constant 13 : i32
      %mul3A_355 = arith.muli %scan3A_309, %mul3A_354 : i32
      %add3A_356 = arith.constant 5 : i32
      %add3A_357 = arith.addi %mul3A_355, %add3A_356 : i32
      %dma_start3A_358 = arith.constant 0 : i32
      %dma_start3A_359 = tpu.memref_slice %arg4[%add3A_357, %dma_start3A_358] : memref<78x128xi32, #tpu.memory_space<vmem>> -> memref<1x128xi32, #tpu.memory_space<vmem>>
      %dma_start3A_360 = tpu.memref_squeeze %dma_start3A_359 : memref<1x128xi32, #tpu.memory_space<vmem>> -> memref<128xi32, #tpu.memory_space<vmem>>
      %dma_start3A_361 = arith.constant 0 : i32
      %dma_start3A_362 = tpu.memref_slice %arg8[%dma_start3A_361] : memref<10000xf32, #tpu.memory_space<vmem_shared>> -> memref<10000xf32, #tpu.memory_space<vmem_shared>>
      tpu.enqueue_indirect_dma source(%arg6 : memref<128xf32, #tpu.memory_space<vmem>>) target(%dma_start3A_362 : memref<10000xf32, #tpu.memory_space<vmem_shared>>) offsets(%dma_start3A_360 : memref<128xi32, #tpu.memory_space<vmem>>) semaphore(%arg9 : memref<!tpu.dma_semaphore, #tpu.memory_space<semaphore_mem>>) {add = true}
      %mul3A_363 = arith.constant 13 : i32
      %mul3A_364 = arith.muli %scan3A_309, %mul3A_363 : i32
      %add3A_365 = arith.constant 6 : i32
      %add3A_366 = arith.addi %mul3A_364, %add3A_365 : i32
      %dma_start3A_367 = arith.constant 0 : i32
      %dma_start3A_368 = tpu.memref_slice %arg4[%add3A_366, %dma_start3A_367] : memref<78x128xi32, #tpu.memory_space<vmem>> -> memref<1x128xi32, #tpu.memory_space<vmem>>
      %dma_start3A_369 = tpu.memref_squeeze %dma_start3A_368 : memref<1x128xi32, #tpu.memory_space<vmem>> -> memref<128xi32, #tpu.memory_space<vmem>>
      %dma_start3A_370 = arith.constant 0 : i32
      %dma_start3A_371 = tpu.memref_slice %arg8[%dma_start3A_370] : memref<10000xf32, #tpu.memory_space<vmem_shared>> -> memref<10000xf32, #tpu.memory_space<vmem_shared>>
      tpu.enqueue_indirect_dma source(%arg6 : memref<128xf32, #tpu.memory_space<vmem>>) target(%dma_start3A_371 : memref<10000xf32, #tpu.memory_space<vmem_shared>>) offsets(%dma_start3A_369 : memref<128xi32, #tpu.memory_space<vmem>>) semaphore(%arg9 : memref<!tpu.dma_semaphore, #tpu.memory_space<semaphore_mem>>) {add = true}
      %mul3A_372 = arith.constant 13 : i32
      %mul3A_373 = arith.muli %scan3A_309, %mul3A_372 : i32
      %add3A_374 = arith.constant 7 : i32
      %add3A_375 = arith.addi %mul3A_373, %add3A_374 : i32
      %dma_start3A_376 = arith.constant 0 : i32
      %dma_start3A_377 = tpu.memref_slice %arg4[%add3A_375, %dma_start3A_376] : memref<78x128xi32, #tpu.memory_space<vmem>> -> memref<1x128xi32, #tpu.memory_space<vmem>>
      %dma_start3A_378 = tpu.memref_squeeze %dma_start3A_377 : memref<1x128xi32, #tpu.memory_space<vmem>> -> memref<128xi32, #tpu.memory_space<vmem>>
      %dma_start3A_379 = arith.constant 0 : i32
      %dma_start3A_380 = tpu.memref_slice %arg8[%dma_start3A_379] : memref<10000xf32, #tpu.memory_space<vmem_shared>> -> memref<10000xf32, #tpu.memory_space<vmem_shared>>
      tpu.enqueue_indirect_dma source(%arg6 : memref<128xf32, #tpu.memory_space<vmem>>) target(%dma_start3A_380 : memref<10000xf32, #tpu.memory_space<vmem_shared>>) offsets(%dma_start3A_378 : memref<128xi32, #tpu.memory_space<vmem>>) semaphore(%arg9 : memref<!tpu.dma_semaphore, #tpu.memory_space<semaphore_mem>>) {add = true}
      %mul3A_381 = arith.constant 13 : i32
      %mul3A_382 = arith.muli %scan3A_309, %mul3A_381 : i32
      %add3A_383 = arith.constant 8 : i32
      %add3A_384 = arith.addi %mul3A_382, %add3A_383 : i32
      %dma_start3A_385 = arith.constant 0 : i32
      %dma_start3A_386 = tpu.memref_slice %arg4[%add3A_384, %dma_start3A_385] : memref<78x128xi32, #tpu.memory_space<vmem>> -> memref<1x128xi32, #tpu.memory_space<vmem>>
      %dma_start3A_387 = tpu.memref_squeeze %dma_start3A_386 : memref<1x128xi32, #tpu.memory_space<vmem>> -> memref<128xi32, #tpu.memory_space<vmem>>
      %dma_start3A_388 = arith.constant 0 : i32
      %dma_start3A_389 = tpu.memref_slice %arg8[%dma_start3A_388] : memref<10000xf32, #tpu.memory_space<vmem_shared>> -> memref<10000xf32, #tpu.memory_space<vmem_shared>>
      tpu.enqueue_indirect_dma source(%arg6 : memref<128xf32, #tpu.memory_space<vmem>>) target(%dma_start3A_389 : memref<10000xf32, #tpu.memory_space<vmem_shared>>) offsets(%dma_start3A_387 : memref<128xi32, #tpu.memory_space<vmem>>) semaphore(%arg9 : memref<!tpu.dma_semaphore, #tpu.memory_space<semaphore_mem>>) {add = true}
      %mul3A_390 = arith.constant 13 : i32
      %mul3A_391 = arith.muli %scan3A_309, %mul3A_390 : i32
      %add3A_392 = arith.constant 9 : i32
      %add3A_393 = arith.addi %mul3A_391, %add3A_392 : i32
      %dma_start3A_394 = arith.constant 0 : i32
      %dma_start3A_395 = tpu.memref_slice %arg4[%add3A_393, %dma_start3A_394] : memref<78x128xi32, #tpu.memory_space<vmem>> -> memref<1x128xi32, #tpu.memory_space<vmem>>
      %dma_start3A_396 = tpu.memref_squeeze %dma_start3A_395 : memref<1x128xi32, #tpu.memory_space<vmem>> -> memref<128xi32, #tpu.memory_space<vmem>>
      %dma_start3A_397 = arith.constant 0 : i32
      %dma_start3A_398 = tpu.memref_slice %arg8[%dma_start3A_397] : memref<10000xf32, #tpu.memory_space<vmem_shared>> -> memref<10000xf32, #tpu.memory_space<vmem_shared>>
      tpu.enqueue_indirect_dma source(%arg6 : memref<128xf32, #tpu.memory_space<vmem>>) target(%dma_start3A_398 : memref<10000xf32, #tpu.memory_space<vmem_shared>>) offsets(%dma_start3A_396 : memref<128xi32, #tpu.memory_space<vmem>>) semaphore(%arg9 : memref<!tpu.dma_semaphore, #tpu.memory_space<semaphore_mem>>) {add = true}
      %mul3A_399 = arith.constant 13 : i32
      %mul3A_400 = arith.muli %scan3A_309, %mul3A_399 : i32
      %add3A_401 = arith.constant 10 : i32
      %add3A_402 = arith.addi %mul3A_400, %add3A_401 : i32
      %dma_start3A_403 = arith.constant 0 : i32
      %dma_start3A_404 = tpu.memref_slice %arg4[%add3A_402, %dma_start3A_403] : memref<78x128xi32, #tpu.memory_space<vmem>> -> memref<1x128xi32, #tpu.memory_space<vmem>>
      %dma_start3A_405 = tpu.memref_squeeze %dma_start3A_404 : memref<1x128xi32, #tpu.memory_space<vmem>> -> memref<128xi32, #tpu.memory_space<vmem>>
      %dma_start3A_406 = arith.constant 0 : i32
      %dma_start3A_407 = tpu.memref_slice %arg8[%dma_start3A_406] : memref<10000xf32, #tpu.memory_space<vmem_shared>> -> memref<10000xf32, #tpu.memory_space<vmem_shared>>
      tpu.enqueue_indirect_dma source(%arg6 : memref<128xf32, #tpu.memory_space<vmem>>) target(%dma_start3A_407 : memref<10000xf32, #tpu.memory_space<vmem_shared>>) offsets(%dma_start3A_405 : memref<128xi32, #tpu.memory_space<vmem>>) semaphore(%arg9 : memref<!tpu.dma_semaphore, #tpu.memory_space<semaphore_mem>>) {add = true}
      %mul3A_408 = arith.constant 13 : i32
      %mul3A_409 = arith.muli %scan3A_309, %mul3A_408 : i32
      %add3A_410 = arith.constant 11 : i32
      %add3A_411 = arith.addi %mul3A_409, %add3A_410 : i32
      %dma_start3A_412 = arith.constant 0 : i32
      %dma_start3A_413 = tpu.memref_slice %arg4[%add3A_411, %dma_start3A_412] : memref<78x128xi32, #tpu.memory_space<vmem>> -> memref<1x128xi32, #tpu.memory_space<vmem>>
      %dma_start3A_414 = tpu.memref_squeeze %dma_start3A_413 : memref<1x128xi32, #tpu.memory_space<vmem>> -> memref<128xi32, #tpu.memory_space<vmem>>
      %dma_start3A_415 = arith.constant 0 : i32
      %dma_start3A_416 = tpu.memref_slice %arg8[%dma_start3A_415] : memref<10000xf32, #tpu.memory_space<vmem_shared>> -> memref<10000xf32, #tpu.memory_space<vmem_shared>>
      tpu.enqueue_indirect_dma source(%arg6 : memref<128xf32, #tpu.memory_space<vmem>>) target(%dma_start3A_416 : memref<10000xf32, #tpu.memory_space<vmem_shared>>) offsets(%dma_start3A_414 : memref<128xi32, #tpu.memory_space<vmem>>) semaphore(%arg9 : memref<!tpu.dma_semaphore, #tpu.memory_space<semaphore_mem>>) {add = true}
      %mul3A_417 = arith.constant 13 : i32
      %mul3A_418 = arith.muli %scan3A_309, %mul3A_417 : i32
      %add3A_419 = arith.constant 12 : i32
      %add3A_420 = arith.addi %mul3A_418, %add3A_419 : i32
      %dma_start3A_421 = arith.constant 0 : i32
      %dma_start3A_422 = tpu.memref_slice %arg4[%add3A_420, %dma_start3A_421] : memref<78x128xi32, #tpu.memory_space<vmem>> -> memref<1x128xi32, #tpu.memory_space<vmem>>
      %dma_start3A_423 = tpu.memref_squeeze %dma_start3A_422 : memref<1x128xi32, #tpu.memory_space<vmem>> -> memref<128xi32, #tpu.memory_space<vmem>>
      %dma_start3A_424 = arith.constant 0 : i32
      %dma_start3A_425 = tpu.memref_slice %arg8[%dma_start3A_424] : memref<10000xf32, #tpu.memory_space<vmem_shared>> -> memref<10000xf32, #tpu.memory_space<vmem_shared>>
      tpu.enqueue_indirect_dma source(%arg6 : memref<128xf32, #tpu.memory_space<vmem>>) target(%dma_start3A_425 : memref<10000xf32, #tpu.memory_space<vmem_shared>>) offsets(%dma_start3A_423 : memref<128xi32, #tpu.memory_space<vmem>>) semaphore(%arg9 : memref<!tpu.dma_semaphore, #tpu.memory_space<semaphore_mem>>) {add = true}
      %mul3A_426 = arith.constant 13 : i32
      %mul3A_427 = arith.muli %scan3A_309, %mul3A_426 : i32
      %add3A_428 = arith.constant 0 : i32
      %add3A_429 = arith.addi %mul3A_427, %add3A_428 : i32
      %dma_wait3A = arith.constant 0 : i32
      %dma_wait3A_430 = tpu.memref_slice %arg4[%add3A_429, %dma_wait3A] : memref<78x128xi32, #tpu.memory_space<vmem>> -> memref<1x128xi32, #tpu.memory_space<vmem>>
      %dma_wait3A_431 = tpu.memref_squeeze %dma_wait3A_430 : memref<1x128xi32, #tpu.memory_space<vmem>> -> memref<128xi32, #tpu.memory_space<vmem>>
      %dma_wait3A_432 = arith.constant 0 : i32
      %dma_wait3A_433 = tpu.memref_slice %arg8[%dma_wait3A_432] : memref<10000xf32, #tpu.memory_space<vmem_shared>> -> memref<10000xf32, #tpu.memory_space<vmem_shared>>
      tpu.wait_indirect_dma semaphore(%arg9 : memref<!tpu.dma_semaphore, #tpu.memory_space<semaphore_mem>>) src(%arg6 : memref<128xf32, #tpu.memory_space<vmem>>) dst(%dma_wait3A_433 : memref<10000xf32, #tpu.memory_space<vmem_shared>>)
      %mul3A_434 = arith.constant 13 : i32
      %mul3A_435 = arith.muli %scan3A_309, %mul3A_434 : i32
      %add3A_436 = arith.constant 1 : i32
      %add3A_437 = arith.addi %mul3A_435, %add3A_436 : i32
      %dma_wait3A_438 = arith.constant 0 : i32
      %dma_wait3A_439 = tpu.memref_slice %arg4[%add3A_437, %dma_wait3A_438] : memref<78x128xi32, #tpu.memory_space<vmem>> -> memref<1x128xi32, #tpu.memory_space<vmem>>
      %dma_wait3A_440 = tpu.memref_squeeze %dma_wait3A_439 : memref<1x128xi32, #tpu.memory_space<vmem>> -> memref<128xi32, #tpu.memory_space<vmem>>
      %dma_wait3A_441 = arith.constant 0 : i32
      %dma_wait3A_442 = tpu.memref_slice %arg8[%dma_wait3A_441] : memref<10000xf32, #tpu.memory_space<vmem_shared>> -> memref<10000xf32, #tpu.memory_space<vmem_shared>>
      tpu.wait_indirect_dma semaphore(%arg9 : memref<!tpu.dma_semaphore, #tpu.memory_space<semaphore_mem>>) src(%arg6 : memref<128xf32, #tpu.memory_space<vmem>>) dst(%dma_wait3A_442 : memref<10000xf32, #tpu.memory_space<vmem_shared>>)
      %mul3A_443 = arith.constant 13 : i32
      %mul3A_444 = arith.muli %scan3A_309, %mul3A_443 : i32
      %add3A_445 = arith.constant 2 : i32
      %add3A_446 = arith.addi %mul3A_444, %add3A_445 : i32
      %dma_wait3A_447 = arith.constant 0 : i32
      %dma_wait3A_448 = tpu.memref_slice %arg4[%add3A_446, %dma_wait3A_447] : memref<78x128xi32, #tpu.memory_space<vmem>> -> memref<1x128xi32, #tpu.memory_space<vmem>>
      %dma_wait3A_449 = tpu.memref_squeeze %dma_wait3A_448 : memref<1x128xi32, #tpu.memory_space<vmem>> -> memref<128xi32, #tpu.memory_space<vmem>>
      %dma_wait3A_450 = arith.constant 0 : i32
      %dma_wait3A_451 = tpu.memref_slice %arg8[%dma_wait3A_450] : memref<10000xf32, #tpu.memory_space<vmem_shared>> -> memref<10000xf32, #tpu.memory_space<vmem_shared>>
      tpu.wait_indirect_dma semaphore(%arg9 : memref<!tpu.dma_semaphore, #tpu.memory_space<semaphore_mem>>) src(%arg6 : memref<128xf32, #tpu.memory_space<vmem>>) dst(%dma_wait3A_451 : memref<10000xf32, #tpu.memory_space<vmem_shared>>)
      %mul3A_452 = arith.constant 13 : i32
      %mul3A_453 = arith.muli %scan3A_309, %mul3A_452 : i32
      %add3A_454 = arith.constant 3 : i32
      %add3A_455 = arith.addi %mul3A_453, %add3A_454 : i32
      %dma_wait3A_456 = arith.constant 0 : i32
      %dma_wait3A_457 = tpu.memref_slice %arg4[%add3A_455, %dma_wait3A_456] : memref<78x128xi32, #tpu.memory_space<vmem>> -> memref<1x128xi32, #tpu.memory_space<vmem>>
      %dma_wait3A_458 = tpu.memref_squeeze %dma_wait3A_457 : memref<1x128xi32, #tpu.memory_space<vmem>> -> memref<128xi32, #tpu.memory_space<vmem>>
      %dma_wait3A_459 = arith.constant 0 : i32
      %dma_wait3A_460 = tpu.memref_slice %arg8[%dma_wait3A_459] : memref<10000xf32, #tpu.memory_space<vmem_shared>> -> memref<10000xf32, #tpu.memory_space<vmem_shared>>
      tpu.wait_indirect_dma semaphore(%arg9 : memref<!tpu.dma_semaphore, #tpu.memory_space<semaphore_mem>>) src(%arg6 : memref<128xf32, #tpu.memory_space<vmem>>) dst(%dma_wait3A_460 : memref<10000xf32, #tpu.memory_space<vmem_shared>>)
      %mul3A_461 = arith.constant 13 : i32
      %mul3A_462 = arith.muli %scan3A_309, %mul3A_461 : i32
      %add3A_463 = arith.constant 4 : i32
      %add3A_464 = arith.addi %mul3A_462, %add3A_463 : i32
      %dma_wait3A_465 = arith.constant 0 : i32
      %dma_wait3A_466 = tpu.memref_slice %arg4[%add3A_464, %dma_wait3A_465] : memref<78x128xi32, #tpu.memory_space<vmem>> -> memref<1x128xi32, #tpu.memory_space<vmem>>
      %dma_wait3A_467 = tpu.memref_squeeze %dma_wait3A_466 : memref<1x128xi32, #tpu.memory_space<vmem>> -> memref<128xi32, #tpu.memory_space<vmem>>
      %dma_wait3A_468 = arith.constant 0 : i32
      %dma_wait3A_469 = tpu.memref_slice %arg8[%dma_wait3A_468] : memref<10000xf32, #tpu.memory_space<vmem_shared>> -> memref<10000xf32, #tpu.memory_space<vmem_shared>>
      tpu.wait_indirect_dma semaphore(%arg9 : memref<!tpu.dma_semaphore, #tpu.memory_space<semaphore_mem>>) src(%arg6 : memref<128xf32, #tpu.memory_space<vmem>>) dst(%dma_wait3A_469 : memref<10000xf32, #tpu.memory_space<vmem_shared>>)
      %mul3A_470 = arith.constant 13 : i32
      %mul3A_471 = arith.muli %scan3A_309, %mul3A_470 : i32
      %add3A_472 = arith.constant 5 : i32
      %add3A_473 = arith.addi %mul3A_471, %add3A_472 : i32
      %dma_wait3A_474 = arith.constant 0 : i32
      %dma_wait3A_475 = tpu.memref_slice %arg4[%add3A_473, %dma_wait3A_474] : memref<78x128xi32, #tpu.memory_space<vmem>> -> memref<1x128xi32, #tpu.memory_space<vmem>>
      %dma_wait3A_476 = tpu.memref_squeeze %dma_wait3A_475 : memref<1x128xi32, #tpu.memory_space<vmem>> -> memref<128xi32, #tpu.memory_space<vmem>>
      %dma_wait3A_477 = arith.constant 0 : i32
      %dma_wait3A_478 = tpu.memref_slice %arg8[%dma_wait3A_477] : memref<10000xf32, #tpu.memory_space<vmem_shared>> -> memref<10000xf32, #tpu.memory_space<vmem_shared>>
      tpu.wait_indirect_dma semaphore(%arg9 : memref<!tpu.dma_semaphore, #tpu.memory_space<semaphore_mem>>) src(%arg6 : memref<128xf32, #tpu.memory_space<vmem>>) dst(%dma_wait3A_478 : memref<10000xf32, #tpu.memory_space<vmem_shared>>)
      %mul3A_479 = arith.constant 13 : i32
      %mul3A_480 = arith.muli %scan3A_309, %mul3A_479 : i32
      %add3A_481 = arith.constant 6 : i32
      %add3A_482 = arith.addi %mul3A_480, %add3A_481 : i32
      %dma_wait3A_483 = arith.constant 0 : i32
      %dma_wait3A_484 = tpu.memref_slice %arg4[%add3A_482, %dma_wait3A_483] : memref<78x128xi32, #tpu.memory_space<vmem>> -> memref<1x128xi32, #tpu.memory_space<vmem>>
      %dma_wait3A_485 = tpu.memref_squeeze %dma_wait3A_484 : memref<1x128xi32, #tpu.memory_space<vmem>> -> memref<128xi32, #tpu.memory_space<vmem>>
      %dma_wait3A_486 = arith.constant 0 : i32
      %dma_wait3A_487 = tpu.memref_slice %arg8[%dma_wait3A_486] : memref<10000xf32, #tpu.memory_space<vmem_shared>> -> memref<10000xf32, #tpu.memory_space<vmem_shared>>
      tpu.wait_indirect_dma semaphore(%arg9 : memref<!tpu.dma_semaphore, #tpu.memory_space<semaphore_mem>>) src(%arg6 : memref<128xf32, #tpu.memory_space<vmem>>) dst(%dma_wait3A_487 : memref<10000xf32, #tpu.memory_space<vmem_shared>>)
      %mul3A_488 = arith.constant 13 : i32
      %mul3A_489 = arith.muli %scan3A_309, %mul3A_488 : i32
      %add3A_490 = arith.constant 7 : i32
      %add3A_491 = arith.addi %mul3A_489, %add3A_490 : i32
      %dma_wait3A_492 = arith.constant 0 : i32
      %dma_wait3A_493 = tpu.memref_slice %arg4[%add3A_491, %dma_wait3A_492] : memref<78x128xi32, #tpu.memory_space<vmem>> -> memref<1x128xi32, #tpu.memory_space<vmem>>
      %dma_wait3A_494 = tpu.memref_squeeze %dma_wait3A_493 : memref<1x128xi32, #tpu.memory_space<vmem>> -> memref<128xi32, #tpu.memory_space<vmem>>
      %dma_wait3A_495 = arith.constant 0 : i32
      %dma_wait3A_496 = tpu.memref_slice %arg8[%dma_wait3A_495] : memref<10000xf32, #tpu.memory_space<vmem_shared>> -> memref<10000xf32, #tpu.memory_space<vmem_shared>>
      tpu.wait_indirect_dma semaphore(%arg9 : memref<!tpu.dma_semaphore, #tpu.memory_space<semaphore_mem>>) src(%arg6 : memref<128xf32, #tpu.memory_space<vmem>>) dst(%dma_wait3A_496 : memref<10000xf32, #tpu.memory_space<vmem_shared>>)
      %mul3A_497 = arith.constant 13 : i32
      %mul3A_498 = arith.muli %scan3A_309, %mul3A_497 : i32
      %add3A_499 = arith.constant 8 : i32
      %add3A_500 = arith.addi %mul3A_498, %add3A_499 : i32
      %dma_wait3A_501 = arith.constant 0 : i32
      %dma_wait3A_502 = tpu.memref_slice %arg4[%add3A_500, %dma_wait3A_501] : memref<78x128xi32, #tpu.memory_space<vmem>> -> memref<1x128xi32, #tpu.memory_space<vmem>>
      %dma_wait3A_503 = tpu.memref_squeeze %dma_wait3A_502 : memref<1x128xi32, #tpu.memory_space<vmem>> -> memref<128xi32, #tpu.memory_space<vmem>>
      %dma_wait3A_504 = arith.constant 0 : i32
      %dma_wait3A_505 = tpu.memref_slice %arg8[%dma_wait3A_504] : memref<10000xf32, #tpu.memory_space<vmem_shared>> -> memref<10000xf32, #tpu.memory_space<vmem_shared>>
      tpu.wait_indirect_dma semaphore(%arg9 : memref<!tpu.dma_semaphore, #tpu.memory_space<semaphore_mem>>) src(%arg6 : memref<128xf32, #tpu.memory_space<vmem>>) dst(%dma_wait3A_505 : memref<10000xf32, #tpu.memory_space<vmem_shared>>)
      %mul3A_506 = arith.constant 13 : i32
      %mul3A_507 = arith.muli %scan3A_309, %mul3A_506 : i32
      %add3A_508 = arith.constant 9 : i32
      %add3A_509 = arith.addi %mul3A_507, %add3A_508 : i32
      %dma_wait3A_510 = arith.constant 0 : i32
      %dma_wait3A_511 = tpu.memref_slice %arg4[%add3A_509, %dma_wait3A_510] : memref<78x128xi32, #tpu.memory_space<vmem>> -> memref<1x128xi32, #tpu.memory_space<vmem>>
      %dma_wait3A_512 = tpu.memref_squeeze %dma_wait3A_511 : memref<1x128xi32, #tpu.memory_space<vmem>> -> memref<128xi32, #tpu.memory_space<vmem>>
      %dma_wait3A_513 = arith.constant 0 : i32
      %dma_wait3A_514 = tpu.memref_slice %arg8[%dma_wait3A_513] : memref<10000xf32, #tpu.memory_space<vmem_shared>> -> memref<10000xf32, #tpu.memory_space<vmem_shared>>
      tpu.wait_indirect_dma semaphore(%arg9 : memref<!tpu.dma_semaphore, #tpu.memory_space<semaphore_mem>>) src(%arg6 : memref<128xf32, #tpu.memory_space<vmem>>) dst(%dma_wait3A_514 : memref<10000xf32, #tpu.memory_space<vmem_shared>>)
      %mul3A_515 = arith.constant 13 : i32
      %mul3A_516 = arith.muli %scan3A_309, %mul3A_515 : i32
      %add3A_517 = arith.constant 10 : i32
      %add3A_518 = arith.addi %mul3A_516, %add3A_517 : i32
      %dma_wait3A_519 = arith.constant 0 : i32
      %dma_wait3A_520 = tpu.memref_slice %arg4[%add3A_518, %dma_wait3A_519] : memref<78x128xi32, #tpu.memory_space<vmem>> -> memref<1x128xi32, #tpu.memory_space<vmem>>
      %dma_wait3A_521 = tpu.memref_squeeze %dma_wait3A_520 : memref<1x128xi32, #tpu.memory_space<vmem>> -> memref<128xi32, #tpu.memory_space<vmem>>
      %dma_wait3A_522 = arith.constant 0 : i32
      %dma_wait3A_523 = tpu.memref_slice %arg8[%dma_wait3A_522] : memref<10000xf32, #tpu.memory_space<vmem_shared>> -> memref<10000xf32, #tpu.memory_space<vmem_shared>>
      tpu.wait_indirect_dma semaphore(%arg9 : memref<!tpu.dma_semaphore, #tpu.memory_space<semaphore_mem>>) src(%arg6 : memref<128xf32, #tpu.memory_space<vmem>>) dst(%dma_wait3A_523 : memref<10000xf32, #tpu.memory_space<vmem_shared>>)
      %mul3A_524 = arith.constant 13 : i32
      %mul3A_525 = arith.muli %scan3A_309, %mul3A_524 : i32
      %add3A_526 = arith.constant 11 : i32
      %add3A_527 = arith.addi %mul3A_525, %add3A_526 : i32
      %dma_wait3A_528 = arith.constant 0 : i32
      %dma_wait3A_529 = tpu.memref_slice %arg4[%add3A_527, %dma_wait3A_528] : memref<78x128xi32, #tpu.memory_space<vmem>> -> memref<1x128xi32, #tpu.memory_space<vmem>>
      %dma_wait3A_530 = tpu.memref_squeeze %dma_wait3A_529 : memref<1x128xi32, #tpu.memory_space<vmem>> -> memref<128xi32, #tpu.memory_space<vmem>>
      %dma_wait3A_531 = arith.constant 0 : i32
      %dma_wait3A_532 = tpu.memref_slice %arg8[%dma_wait3A_531] : memref<10000xf32, #tpu.memory_space<vmem_shared>> -> memref<10000xf32, #tpu.memory_space<vmem_shared>>
      tpu.wait_indirect_dma semaphore(%arg9 : memref<!tpu.dma_semaphore, #tpu.memory_space<semaphore_mem>>) src(%arg6 : memref<128xf32, #tpu.memory_space<vmem>>) dst(%dma_wait3A_532 : memref<10000xf32, #tpu.memory_space<vmem_shared>>)
      %mul3A_533 = arith.constant 13 : i32
      %mul3A_534 = arith.muli %scan3A_309, %mul3A_533 : i32
      %add3A_535 = arith.constant 12 : i32
      %add3A_536 = arith.addi %mul3A_534, %add3A_535 : i32
      %dma_wait3A_537 = arith.constant 0 : i32
      %dma_wait3A_538 = tpu.memref_slice %arg4[%add3A_536, %dma_wait3A_537] : memref<78x128xi32, #tpu.memory_space<vmem>> -> memref<1x128xi32, #tpu.memory_space<vmem>>
      %dma_wait3A_539 = tpu.memref_squeeze %dma_wait3A_538 : memref<1x128xi32, #tpu.memory_space<vmem>> -> memref<128xi32, #tpu.memory_space<vmem>>
      %dma_wait3A_540 = arith.constant 0 : i32
      %dma_wait3A_541 = tpu.memref_slice %arg8[%dma_wait3A_540] : memref<10000xf32, #tpu.memory_space<vmem_shared>> -> memref<10000xf32, #tpu.memory_space<vmem_shared>>
      tpu.wait_indirect_dma semaphore(%arg9 : memref<!tpu.dma_semaphore, #tpu.memory_space<semaphore_mem>>) src(%arg6 : memref<128xf32, #tpu.memory_space<vmem>>) dst(%dma_wait3A_541 : memref<10000xf32, #tpu.memory_space<vmem_shared>>)
    }
    %scan3A_291 = arith.constant 6 : i32
    %lt3A = arith.constant 4 : i32
    %lt3A_292 = arith.cmpi slt, %add3A, %lt3A : i32
    %convert_element_type3A_293 = arith.extui %lt3A_292 : i1 to i32
    %cond3A_294 = arith.constant 0 : i32
    %cond3A_295 = arith.cmpi ne, %convert_element_type3A_293, %cond3A_294 : i32
    scf.if %cond3A_295 {
      %add3A_309 = arith.constant 2496 : i32
      %add3A_310 = arith.addi %add3A_309, %add3A : i32
      %run_scoped3A_311 = arith.constant 0 : i32
      "tpu.region"() ({
        %run_scoped3A_312 = tpu.sem_alloc : memref<!tpu.dma_semaphore, #tpu.memory_space<semaphore_mem>>
        %dma_start3A = arith.constant 0 : i32
        %dma_start3A_313 = tpu.memref_slice %arg2[%run_scoped3A_311, %add3A_310, %dma_start3A] : memref<2x2500x128xi32, #tpu.memory_space<hbm>> -> memref<1x1x128xi32, #tpu.memory_space<hbm>>
        %dma_start3A_314 = tpu.memref_squeeze %dma_start3A_313 : memref<1x1x128xi32, #tpu.memory_space<hbm>> -> memref<128xi32, #tpu.memory_space<hbm>>
        %dma_start3A_315 = arith.constant 0 : i32
        %dma_start3A_316 = tpu.memref_slice %arg2[%run_scoped3A_311, %add3A_310, %dma_start3A_315] : memref<2x2500x128xi32, #tpu.memory_space<hbm>> -> memref<1x1x128xi32, #tpu.memory_space<hbm>>
        %dma_start3A_317 = tpu.memref_squeeze %dma_start3A_316 : memref<1x1x128xi32, #tpu.memory_space<hbm>> -> memref<128xi32, #tpu.memory_space<hbm>>
        tpu.enqueue_dma source(%dma_start3A_317 : memref<128xi32, #tpu.memory_space<hbm>>) target(%arg5 : memref<128xi32, #tpu.memory_space<vmem>>) target_semaphore(%run_scoped3A_312 : memref<!tpu.dma_semaphore, #tpu.memory_space<semaphore_mem>>)
        %dma_wait3A = arith.constant 0 : i32
        %dma_wait3A_318 = tpu.memref_slice %arg2[%run_scoped3A_311, %add3A_310, %dma_wait3A] : memref<2x2500x128xi32, #tpu.memory_space<hbm>> -> memref<1x1x128xi32, #tpu.memory_space<hbm>>
        %dma_wait3A_319 = tpu.memref_squeeze %dma_wait3A_318 : memref<1x1x128xi32, #tpu.memory_space<hbm>> -> memref<128xi32, #tpu.memory_space<hbm>>
        %dma_wait3A_320 = arith.constant 0 : i32
        %dma_wait3A_321 = tpu.memref_slice %arg2[%run_scoped3A_311, %add3A_310, %dma_wait3A_320] : memref<2x2500x128xi32, #tpu.memory_space<hbm>> -> memref<1x1x128xi32, #tpu.memory_space<hbm>>
        %dma_wait3A_322 = tpu.memref_squeeze %dma_wait3A_321 : memref<1x1x128xi32, #tpu.memory_space<hbm>> -> memref<128xi32, #tpu.memory_space<hbm>>
        tpu.wait_dma2 semaphore(%run_scoped3A_312 : memref<!tpu.dma_semaphore, #tpu.memory_space<semaphore_mem>>) src(%dma_wait3A_322 : memref<128xi32, #tpu.memory_space<hbm>>) dst(%arg5 : memref<128xi32, #tpu.memory_space<vmem>>)
        tpu.yield
      }) : () -> ()
      "tpu.region"() ({
        %run_scoped3A_312 = tpu.sem_alloc : memref<!tpu.dma_semaphore, #tpu.memory_space<semaphore_mem>>
        %dma_start3A = arith.constant 0 : i32
        %dma_start3A_313 = tpu.memref_slice %arg8[%dma_start3A] : memref<10000xf32, #tpu.memory_space<vmem_shared>> -> memref<10000xf32, #tpu.memory_space<vmem_shared>>
        tpu.enqueue_indirect_dma source(%arg6 : memref<128xf32, #tpu.memory_space<vmem>>) target(%dma_start3A_313 : memref<10000xf32, #tpu.memory_space<vmem_shared>>) offsets(%arg5 : memref<128xi32, #tpu.memory_space<vmem>>) semaphore(%run_scoped3A_312 : memref<!tpu.dma_semaphore, #tpu.memory_space<semaphore_mem>>) {add = true}
        %dma_wait3A = arith.constant 0 : i32
        %dma_wait3A_314 = tpu.memref_slice %arg8[%dma_wait3A] : memref<10000xf32, #tpu.memory_space<vmem_shared>> -> memref<10000xf32, #tpu.memory_space<vmem_shared>>
        tpu.wait_indirect_dma semaphore(%run_scoped3A_312 : memref<!tpu.dma_semaphore, #tpu.memory_space<semaphore_mem>>) src(%arg6 : memref<128xf32, #tpu.memory_space<vmem>>) dst(%dma_wait3A_314 : memref<10000xf32, #tpu.memory_space<vmem_shared>>)
        tpu.yield
      }) : () -> ()
    } else {
    }
    %barrier3A_296 = arith.constant 0 : index
    tpu.barrier barrier_id(%barrier3A_296)
    %mul3A_297 = arith.constant 624 : i32
    %mul3A_298 = arith.muli %arg1, %mul3A_297 : i32
    "tpu.region"() ({
      %run_scoped3A_309 = tpu.sem_alloc : memref<!tpu.dma_semaphore, #tpu.memory_space<semaphore_mem>>
      %dma_start3A = tpu.memref_slice %arg8[%mul3A_298] : memref<10000xf32, #tpu.memory_space<vmem_shared>> -> memref<624xf32, #tpu.memory_space<vmem_shared>>
      %dma_start3A_310 = tpu.memref_slice %arg8[%mul3A_298] : memref<10000xf32, #tpu.memory_space<vmem_shared>> -> memref<624xf32, #tpu.memory_space<vmem_shared>>
      tpu.enqueue_dma source(%dma_start3A_310 : memref<624xf32, #tpu.memory_space<vmem_shared>>) target(%arg7 : memref<624xf32, #tpu.memory_space<vmem>>) target_semaphore(%run_scoped3A_309 : memref<!tpu.dma_semaphore, #tpu.memory_space<semaphore_mem>>)
      %dma_wait3A = tpu.memref_slice %arg8[%mul3A_298] : memref<10000xf32, #tpu.memory_space<vmem_shared>> -> memref<624xf32, #tpu.memory_space<vmem_shared>>
      %dma_wait3A_311 = tpu.memref_slice %arg8[%mul3A_298] : memref<10000xf32, #tpu.memory_space<vmem_shared>> -> memref<624xf32, #tpu.memory_space<vmem_shared>>
      tpu.wait_dma2 semaphore(%run_scoped3A_309 : memref<!tpu.dma_semaphore, #tpu.memory_space<semaphore_mem>>) src(%dma_wait3A_311 : memref<624xf32, #tpu.memory_space<vmem_shared>>) dst(%arg7 : memref<624xf32, #tpu.memory_space<vmem>>)
      tpu.yield
    }) : () -> ()
    %mul3A_299 = arith.constant 10000 : i32
    %mul3A_300 = arith.muli %arg0, %mul3A_299 : i32
    %mul3A_301 = arith.constant 624 : i32
    %mul3A_302 = arith.muli %arg1, %mul3A_301 : i32
    %add3A_303 = arith.addi %mul3A_300, %mul3A_302 : i32
    "tpu.region"() ({
      %run_scoped3A_309 = tpu.sem_alloc : memref<!tpu.dma_semaphore, #tpu.memory_space<semaphore_mem>>
      %dma_start3A = tpu.memref_slice %arg3[%add3A_303] : memref<20000xf32, #tpu.memory_space<hbm>> -> memref<624xf32, #tpu.memory_space<hbm>>
      %dma_start3A_310 = tpu.memref_slice %arg3[%add3A_303] : memref<20000xf32, #tpu.memory_space<hbm>> -> memref<624xf32, #tpu.memory_space<hbm>>
      tpu.enqueue_dma source(%arg7 : memref<624xf32, #tpu.memory_space<vmem>>) target(%dma_start3A_310 : memref<624xf32, #tpu.memory_space<hbm>>) target_semaphore(%run_scoped3A_309 : memref<!tpu.dma_semaphore, #tpu.memory_space<semaphore_mem>>)
      %dma_wait3A = tpu.memref_slice %arg3[%add3A_303] : memref<20000xf32, #tpu.memory_space<hbm>> -> memref<624xf32, #tpu.memory_space<hbm>>
      %dma_wait3A_311 = tpu.memref_slice %arg3[%add3A_303] : memref<20000xf32, #tpu.memory_space<hbm>> -> memref<624xf32, #tpu.memory_space<hbm>>
      tpu.wait_dma2 semaphore(%run_scoped3A_309 : memref<!tpu.dma_semaphore, #tpu.memory_space<semaphore_mem>>) src(%arg7 : memref<624xf32, #tpu.memory_space<vmem>>) dst(%dma_wait3A_311 : memref<624xf32, #tpu.memory_space<hbm>>)
      tpu.yield
    }) : () -> ()
    %eq3A_304 = arith.constant 0 : i32
    %eq3A_305 = arith.cmpi eq, %arg1, %eq3A_304 : i32
    %convert_element_type3A_306 = arith.extui %eq3A_305 : i1 to i32
    %cond3A_307 = arith.constant 0 : i32
    %cond3A_308 = arith.cmpi ne, %convert_element_type3A_306, %cond3A_307 : i32
    scf.if %cond3A_308 {
      "tpu.region"() ({
        %run_scoped3A_313 = tpu.sem_alloc : memref<!tpu.dma_semaphore, #tpu.memory_space<semaphore_mem>>
        %dma_start3A = arith.constant 0 : i32
        %dma_start3A_314 = tpu.memref_slice %arg7[%dma_start3A] : memref<624xf32, #tpu.memory_space<vmem>> -> memref<16xf32, #tpu.memory_space<vmem>>
        %dma_start3A_315 = arith.constant 9984 : i32
        %dma_start3A_316 = tpu.memref_slice %arg8[%dma_start3A_315] : memref<10000xf32, #tpu.memory_space<vmem_shared>> -> memref<16xf32, #tpu.memory_space<vmem_shared>>
        %dma_start3A_317 = arith.constant 0 : i32
        %dma_start3A_318 = tpu.memref_slice %arg7[%dma_start3A_317] : memref<624xf32, #tpu.memory_space<vmem>> -> memref<16xf32, #tpu.memory_space<vmem>>
        %dma_start3A_319 = arith.constant 9984 : i32
        %dma_start3A_320 = tpu.memref_slice %arg8[%dma_start3A_319] : memref<10000xf32, #tpu.memory_space<vmem_shared>> -> memref<16xf32, #tpu.memory_space<vmem_shared>>
        tpu.enqueue_dma source(%dma_start3A_320 : memref<16xf32, #tpu.memory_space<vmem_shared>>) target(%dma_start3A_318 : memref<16xf32, #tpu.memory_space<vmem>>) target_semaphore(%run_scoped3A_313 : memref<!tpu.dma_semaphore, #tpu.memory_space<semaphore_mem>>)
        %dma_wait3A = arith.constant 0 : i32
        %dma_wait3A_321 = tpu.memref_slice %arg7[%dma_wait3A] : memref<624xf32, #tpu.memory_space<vmem>> -> memref<16xf32, #tpu.memory_space<vmem>>
        %dma_wait3A_322 = arith.constant 9984 : i32
        %dma_wait3A_323 = tpu.memref_slice %arg8[%dma_wait3A_322] : memref<10000xf32, #tpu.memory_space<vmem_shared>> -> memref<16xf32, #tpu.memory_space<vmem_shared>>
        %dma_wait3A_324 = arith.constant 0 : i32
        %dma_wait3A_325 = tpu.memref_slice %arg7[%dma_wait3A_324] : memref<624xf32, #tpu.memory_space<vmem>> -> memref<16xf32, #tpu.memory_space<vmem>>
        %dma_wait3A_326 = arith.constant 9984 : i32
        %dma_wait3A_327 = tpu.memref_slice %arg8[%dma_wait3A_326] : memref<10000xf32, #tpu.memory_space<vmem_shared>> -> memref<16xf32, #tpu.memory_space<vmem_shared>>
        tpu.wait_dma2 semaphore(%run_scoped3A_313 : memref<!tpu.dma_semaphore, #tpu.memory_space<semaphore_mem>>) src(%dma_wait3A_327 : memref<16xf32, #tpu.memory_space<vmem_shared>>) dst(%dma_wait3A_325 : memref<16xf32, #tpu.memory_space<vmem>>)
        tpu.yield
      }) : () -> ()
      %mul3A_309 = arith.constant 10000 : i32
      %mul3A_310 = arith.muli %arg0, %mul3A_309 : i32
      %add3A_311 = arith.constant 9984 : i32
      %add3A_312 = arith.addi %mul3A_310, %add3A_311 : i32
      "tpu.region"() ({
        %run_scoped3A_313 = tpu.sem_alloc : memref<!tpu.dma_semaphore, #tpu.memory_space<semaphore_mem>>
        %dma_start3A = arith.constant 0 : i32
        %dma_start3A_314 = tpu.memref_slice %arg7[%dma_start3A] : memref<624xf32, #tpu.memory_space<vmem>> -> memref<16xf32, #tpu.memory_space<vmem>>
        %dma_start3A_315 = tpu.memref_slice %arg3[%add3A_312] : memref<20000xf32, #tpu.memory_space<hbm>> -> memref<16xf32, #tpu.memory_space<hbm>>
        %dma_start3A_316 = tpu.memref_slice %arg3[%add3A_312] : memref<20000xf32, #tpu.memory_space<hbm>> -> memref<16xf32, #tpu.memory_space<hbm>>
        %dma_start3A_317 = arith.constant 0 : i32
        %dma_start3A_318 = tpu.memref_slice %arg7[%dma_start3A_317] : memref<624xf32, #tpu.memory_space<vmem>> -> memref<16xf32, #tpu.memory_space<vmem>>
        tpu.enqueue_dma source(%dma_start3A_318 : memref<16xf32, #tpu.memory_space<vmem>>) target(%dma_start3A_316 : memref<16xf32, #tpu.memory_space<hbm>>) target_semaphore(%run_scoped3A_313 : memref<!tpu.dma_semaphore, #tpu.memory_space<semaphore_mem>>)
        %dma_wait3A = arith.constant 0 : i32
        %dma_wait3A_319 = tpu.memref_slice %arg7[%dma_wait3A] : memref<624xf32, #tpu.memory_space<vmem>> -> memref<16xf32, #tpu.memory_space<vmem>>
        %dma_wait3A_320 = tpu.memref_slice %arg3[%add3A_312] : memref<20000xf32, #tpu.memory_space<hbm>> -> memref<16xf32, #tpu.memory_space<hbm>>
        %dma_wait3A_321 = tpu.memref_slice %arg3[%add3A_312] : memref<20000xf32, #tpu.memory_space<hbm>> -> memref<16xf32, #tpu.memory_space<hbm>>
        %dma_wait3A_322 = arith.constant 0 : i32
        %dma_wait3A_323 = tpu.memref_slice %arg7[%dma_wait3A_322] : memref<624xf32, #tpu.memory_space<vmem>> -> memref<16xf32, #tpu.memory_space<vmem>>
        tpu.wait_dma2 semaphore(%run_scoped3A_313 : memref<!tpu.dma_semaphore, #tpu.memory_space<semaphore_mem>>) src(%dma_wait3A_323 : memref<16xf32, #tpu.memory_space<vmem>>) dst(%dma_wait3A_321 : memref<16xf32, #tpu.memory_space<hbm>>)
        tpu.yield
      }) : () -> ()
    } else {
    }
    return
  }
}

#map = affine_map<(d0, d1) -> (0, 0, 0)>
#map1 = affine_map<(d0, d1) -> (0, 0)>
module attributes {stable_mosaic.version = 14 : i64} {
  func.func @_edge_kernel(%arg0: i32, %arg1: i32, %arg2: memref<2x2500x128xi32, #tpu.memory_space<hbm>>, %arg3: memref<10000x64xf32, #tpu.memory_space<hbm>>, %arg4: memref<10000x64xf32, #tpu.memory_space<hbm>>, %arg5: memref<156x64xf32, #tpu.memory_space<hbm>>, %arg6: memref<2x10000x64xf32, #tpu.memory_space<hbm>>, %arg7: memref<156x128xi32, #tpu.memory_space<vmem>>, %arg8: memref<156x128xi32, #tpu.memory_space<vmem>>, %arg9: memref<128x64xf32, #tpu.memory_space<vmem>>, %arg10: memref<128x64xf32, #tpu.memory_space<vmem>>, %arg11: memref<128xi32, #tpu.memory_space<vmem>>, %arg12: memref<128xi32, #tpu.memory_space<vmem>>, %arg13: memref<156x64xf32, #tpu.memory_space<vmem>>, %arg14: memref<10000x64xf32, #tpu.memory_space<vmem_shared>>, %arg15: memref<!tpu.dma_semaphore, #tpu.memory_space<semaphore_mem>>, %arg16: memref<!tpu.dma_semaphore, #tpu.memory_space<semaphore_mem>>, %arg17: memref<!tpu.dma_semaphore, #tpu.memory_space<semaphore_mem>>, %arg18: memref<!tpu.dma_semaphore, #tpu.memory_space<semaphore_mem>>) attributes {dimension_semantics = [#tpu.dimension_semantics<core_parallel>, #tpu.dimension_semantics<subcore_parallel>], iteration_bounds = array<i64: 2, 16>, scalar_prefetch = 0 : i64, scratch_operands = 12 : i64, tpu.core_type = #tpu.core_type<sc_vector_subcore>, window_params = [{transform_indices = #map}, {transform_indices = #map1}, {transform_indices = #map1}, {transform_indices = #map1}, {transform_indices = #map}]} {
    "tpu.region"() ({
      %run_scoped3A_93 = tpu.sem_alloc : memref<!tpu.dma_semaphore, #tpu.memory_space<semaphore_mem>>
      tpu.enqueue_dma source(%arg5 : memref<156x64xf32, #tpu.memory_space<hbm>>) target(%arg13 : memref<156x64xf32, #tpu.memory_space<vmem>>) target_semaphore(%run_scoped3A_93 : memref<!tpu.dma_semaphore, #tpu.memory_space<semaphore_mem>>)
      tpu.wait_dma2 semaphore(%run_scoped3A_93 : memref<!tpu.dma_semaphore, #tpu.memory_space<semaphore_mem>>) src(%arg5 : memref<156x64xf32, #tpu.memory_space<hbm>>) dst(%arg13 : memref<156x64xf32, #tpu.memory_space<vmem>>)
      tpu.yield
    }) : () -> ()
    %mul3A = arith.constant 624 : i32
    %mul3A_0 = arith.muli %arg1, %mul3A : i32
    %add3A = arith.constant 0 : i32
    %add3A_1 = arith.addi %mul3A_0, %add3A : i32
    "tpu.region"() ({
      %run_scoped3A_93 = tpu.sem_alloc : memref<!tpu.dma_semaphore, #tpu.memory_space<semaphore_mem>>
      %dma_start3A = arith.constant 0 : i32
      %dma_start3A_94 = tpu.memref_slice %arg14[%add3A_1, %dma_start3A] : memref<10000x64xf32, #tpu.memory_space<vmem_shared>> -> memref<156x64xf32, #tpu.memory_space<vmem_shared>>
      %dma_start3A_95 = arith.constant 0 : i32
      %dma_start3A_96 = tpu.memref_slice %arg14[%add3A_1, %dma_start3A_95] : memref<10000x64xf32, #tpu.memory_space<vmem_shared>> -> memref<156x64xf32, #tpu.memory_space<vmem_shared>>
      tpu.enqueue_dma source(%arg13 : memref<156x64xf32, #tpu.memory_space<vmem>>) target(%dma_start3A_96 : memref<156x64xf32, #tpu.memory_space<vmem_shared>>) target_semaphore(%run_scoped3A_93 : memref<!tpu.dma_semaphore, #tpu.memory_space<semaphore_mem>>)
      %dma_wait3A_97 = arith.constant 0 : i32
      %dma_wait3A_98 = tpu.memref_slice %arg14[%add3A_1, %dma_wait3A_97] : memref<10000x64xf32, #tpu.memory_space<vmem_shared>> -> memref<156x64xf32, #tpu.memory_space<vmem_shared>>
      %dma_wait3A_99 = arith.constant 0 : i32
      %dma_wait3A_100 = tpu.memref_slice %arg14[%add3A_1, %dma_wait3A_99] : memref<10000x64xf32, #tpu.memory_space<vmem_shared>> -> memref<156x64xf32, #tpu.memory_space<vmem_shared>>
      tpu.wait_dma2 semaphore(%run_scoped3A_93 : memref<!tpu.dma_semaphore, #tpu.memory_space<semaphore_mem>>) src(%arg13 : memref<156x64xf32, #tpu.memory_space<vmem>>) dst(%dma_wait3A_100 : memref<156x64xf32, #tpu.memory_space<vmem_shared>>)
      tpu.yield
    }) : () -> ()
    %mul3A_2 = arith.constant 624 : i32
    %mul3A_3 = arith.muli %arg1, %mul3A_2 : i32
    %add3A_4 = arith.constant 156 : i32
    %add3A_5 = arith.addi %mul3A_3, %add3A_4 : i32
    "tpu.region"() ({
      %run_scoped3A_93 = tpu.sem_alloc : memref<!tpu.dma_semaphore, #tpu.memory_space<semaphore_mem>>
      %dma_start3A = arith.constant 0 : i32
      %dma_start3A_94 = tpu.memref_slice %arg14[%add3A_5, %dma_start3A] : memref<10000x64xf32, #tpu.memory_space<vmem_shared>> -> memref<156x64xf32, #tpu.memory_space<vmem_shared>>
      %dma_start3A_95 = arith.constant 0 : i32
      %dma_start3A_96 = tpu.memref_slice %arg14[%add3A_5, %dma_start3A_95] : memref<10000x64xf32, #tpu.memory_space<vmem_shared>> -> memref<156x64xf32, #tpu.memory_space<vmem_shared>>
      tpu.enqueue_dma source(%arg13 : memref<156x64xf32, #tpu.memory_space<vmem>>) target(%dma_start3A_96 : memref<156x64xf32, #tpu.memory_space<vmem_shared>>) target_semaphore(%run_scoped3A_93 : memref<!tpu.dma_semaphore, #tpu.memory_space<semaphore_mem>>)
      %dma_wait3A_97 = arith.constant 0 : i32
      %dma_wait3A_98 = tpu.memref_slice %arg14[%add3A_5, %dma_wait3A_97] : memref<10000x64xf32, #tpu.memory_space<vmem_shared>> -> memref<156x64xf32, #tpu.memory_space<vmem_shared>>
      %dma_wait3A_99 = arith.constant 0 : i32
      %dma_wait3A_100 = tpu.memref_slice %arg14[%add3A_5, %dma_wait3A_99] : memref<10000x64xf32, #tpu.memory_space<vmem_shared>> -> memref<156x64xf32, #tpu.memory_space<vmem_shared>>
      tpu.wait_dma2 semaphore(%run_scoped3A_93 : memref<!tpu.dma_semaphore, #tpu.memory_space<semaphore_mem>>) src(%arg13 : memref<156x64xf32, #tpu.memory_space<vmem>>) dst(%dma_wait3A_100 : memref<156x64xf32, #tpu.memory_space<vmem_shared>>)
      tpu.yield
    }) : () -> ()
    %mul3A_6 = arith.constant 624 : i32
    %mul3A_7 = arith.muli %arg1, %mul3A_6 : i32
    %add3A_8 = arith.constant 312 : i32
    %add3A_9 = arith.addi %mul3A_7, %add3A_8 : i32
    "tpu.region"() ({
      %run_scoped3A_93 = tpu.sem_alloc : memref<!tpu.dma_semaphore, #tpu.memory_space<semaphore_mem>>
      %dma_start3A = arith.constant 0 : i32
      %dma_start3A_94 = tpu.memref_slice %arg14[%add3A_9, %dma_start3A] : memref<10000x64xf32, #tpu.memory_space<vmem_shared>> -> memref<156x64xf32, #tpu.memory_space<vmem_shared>>
      %dma_start3A_95 = arith.constant 0 : i32
      %dma_start3A_96 = tpu.memref_slice %arg14[%add3A_9, %dma_start3A_95] : memref<10000x64xf32, #tpu.memory_space<vmem_shared>> -> memref<156x64xf32, #tpu.memory_space<vmem_shared>>
      tpu.enqueue_dma source(%arg13 : memref<156x64xf32, #tpu.memory_space<vmem>>) target(%dma_start3A_96 : memref<156x64xf32, #tpu.memory_space<vmem_shared>>) target_semaphore(%run_scoped3A_93 : memref<!tpu.dma_semaphore, #tpu.memory_space<semaphore_mem>>)
      %dma_wait3A_97 = arith.constant 0 : i32
      %dma_wait3A_98 = tpu.memref_slice %arg14[%add3A_9, %dma_wait3A_97] : memref<10000x64xf32, #tpu.memory_space<vmem_shared>> -> memref<156x64xf32, #tpu.memory_space<vmem_shared>>
      %dma_wait3A_99 = arith.constant 0 : i32
      %dma_wait3A_100 = tpu.memref_slice %arg14[%add3A_9, %dma_wait3A_99] : memref<10000x64xf32, #tpu.memory_space<vmem_shared>> -> memref<156x64xf32, #tpu.memory_space<vmem_shared>>
      tpu.wait_dma2 semaphore(%run_scoped3A_93 : memref<!tpu.dma_semaphore, #tpu.memory_space<semaphore_mem>>) src(%arg13 : memref<156x64xf32, #tpu.memory_space<vmem>>) dst(%dma_wait3A_100 : memref<156x64xf32, #tpu.memory_space<vmem_shared>>)
      tpu.yield
    }) : () -> ()
    %mul3A_10 = arith.constant 624 : i32
    %mul3A_11 = arith.muli %arg1, %mul3A_10 : i32
    %add3A_12 = arith.constant 468 : i32
    %add3A_13 = arith.addi %mul3A_11, %add3A_12 : i32
    "tpu.region"() ({
      %run_scoped3A_93 = tpu.sem_alloc : memref<!tpu.dma_semaphore, #tpu.memory_space<semaphore_mem>>
      %dma_start3A = arith.constant 0 : i32
      %dma_start3A_94 = tpu.memref_slice %arg14[%add3A_13, %dma_start3A] : memref<10000x64xf32, #tpu.memory_space<vmem_shared>> -> memref<156x64xf32, #tpu.memory_space<vmem_shared>>
      %dma_start3A_95 = arith.constant 0 : i32
      %dma_start3A_96 = tpu.memref_slice %arg14[%add3A_13, %dma_start3A_95] : memref<10000x64xf32, #tpu.memory_space<vmem_shared>> -> memref<156x64xf32, #tpu.memory_space<vmem_shared>>
      tpu.enqueue_dma source(%arg13 : memref<156x64xf32, #tpu.memory_space<vmem>>) target(%dma_start3A_96 : memref<156x64xf32, #tpu.memory_space<vmem_shared>>) target_semaphore(%run_scoped3A_93 : memref<!tpu.dma_semaphore, #tpu.memory_space<semaphore_mem>>)
      %dma_wait3A_97 = arith.constant 0 : i32
      %dma_wait3A_98 = tpu.memref_slice %arg14[%add3A_13, %dma_wait3A_97] : memref<10000x64xf32, #tpu.memory_space<vmem_shared>> -> memref<156x64xf32, #tpu.memory_space<vmem_shared>>
      %dma_wait3A_99 = arith.constant 0 : i32
      %dma_wait3A_100 = tpu.memref_slice %arg14[%add3A_13, %dma_wait3A_99] : memref<10000x64xf32, #tpu.memory_space<vmem_shared>> -> memref<156x64xf32, #tpu.memory_space<vmem_shared>>
      tpu.wait_dma2 semaphore(%run_scoped3A_93 : memref<!tpu.dma_semaphore, #tpu.memory_space<semaphore_mem>>) src(%arg13 : memref<156x64xf32, #tpu.memory_space<vmem>>) dst(%dma_wait3A_100 : memref<156x64xf32, #tpu.memory_space<vmem_shared>>)
      tpu.yield
    }) : () -> ()
    %eq3A = arith.constant 0 : i32
    %eq3A_14 = arith.cmpi eq, %arg1, %eq3A : i32
    %convert_element_type3A = arith.extui %eq3A_14 : i1 to i32
    %cond3A = arith.constant 0 : i32
    %cond3A_15 = arith.cmpi ne, %convert_element_type3A, %cond3A : i32
    scf.if %cond3A_15 {
      "tpu.region"() ({
        %run_scoped3A_93 = tpu.sem_alloc : memref<!tpu.dma_semaphore, #tpu.memory_space<semaphore_mem>>
        %dma_start3A = arith.constant 0 : i32
        %dma_start3A_94 = arith.constant 0 : i32
        %dma_start3A_95 = tpu.memref_slice %arg13[%dma_start3A, %dma_start3A_94] : memref<156x64xf32, #tpu.memory_space<vmem>> -> memref<16x64xf32, #tpu.memory_space<vmem>>
        %dma_start3A_96 = arith.constant 9984 : i32
        %dma_start3A_97 = arith.constant 0 : i32
        %dma_start3A_98 = tpu.memref_slice %arg14[%dma_start3A_96, %dma_start3A_97] : memref<10000x64xf32, #tpu.memory_space<vmem_shared>> -> memref<16x64xf32, #tpu.memory_space<vmem_shared>>
        %dma_start3A_99 = arith.constant 9984 : i32
        %dma_start3A_100 = arith.constant 0 : i32
        %dma_start3A_101 = tpu.memref_slice %arg14[%dma_start3A_99, %dma_start3A_100] : memref<10000x64xf32, #tpu.memory_space<vmem_shared>> -> memref<16x64xf32, #tpu.memory_space<vmem_shared>>
        %dma_start3A_102 = arith.constant 0 : i32
        %dma_start3A_103 = arith.constant 0 : i32
        %dma_start3A_104 = tpu.memref_slice %arg13[%dma_start3A_102, %dma_start3A_103] : memref<156x64xf32, #tpu.memory_space<vmem>> -> memref<16x64xf32, #tpu.memory_space<vmem>>
        tpu.enqueue_dma source(%dma_start3A_104 : memref<16x64xf32, #tpu.memory_space<vmem>>) target(%dma_start3A_101 : memref<16x64xf32, #tpu.memory_space<vmem_shared>>) target_semaphore(%run_scoped3A_93 : memref<!tpu.dma_semaphore, #tpu.memory_space<semaphore_mem>>)
        %dma_wait3A_105 = arith.constant 0 : i32
        %dma_wait3A_106 = arith.constant 0 : i32
        %dma_wait3A_107 = tpu.memref_slice %arg13[%dma_wait3A_105, %dma_wait3A_106] : memref<156x64xf32, #tpu.memory_space<vmem>> -> memref<16x64xf32, #tpu.memory_space<vmem>>
        %dma_wait3A_108 = arith.constant 9984 : i32
        %dma_wait3A_109 = arith.constant 0 : i32
        %dma_wait3A_110 = tpu.memref_slice %arg14[%dma_wait3A_108, %dma_wait3A_109] : memref<10000x64xf32, #tpu.memory_space<vmem_shared>> -> memref<16x64xf32, #tpu.memory_space<vmem_shared>>
        %dma_wait3A_111 = arith.constant 9984 : i32
        %dma_wait3A_112 = arith.constant 0 : i32
        %dma_wait3A_113 = tpu.memref_slice %arg14[%dma_wait3A_111, %dma_wait3A_112] : memref<10000x64xf32, #tpu.memory_space<vmem_shared>> -> memref<16x64xf32, #tpu.memory_space<vmem_shared>>
        %dma_wait3A_114 = arith.constant 0 : i32
        %dma_wait3A_115 = arith.constant 0 : i32
        %dma_wait3A_116 = tpu.memref_slice %arg13[%dma_wait3A_114, %dma_wait3A_115] : memref<156x64xf32, #tpu.memory_space<vmem>> -> memref<16x64xf32, #tpu.memory_space<vmem>>
        tpu.wait_dma2 semaphore(%run_scoped3A_93 : memref<!tpu.dma_semaphore, #tpu.memory_space<semaphore_mem>>) src(%dma_wait3A_116 : memref<16x64xf32, #tpu.memory_space<vmem>>) dst(%dma_wait3A_113 : memref<16x64xf32, #tpu.memory_space<vmem_shared>>)
        tpu.yield
      }) : () -> ()
    } else {
    }
    %mul3A_16 = arith.constant 156 : i32
    %mul3A_17 = arith.muli %arg1, %mul3A_16 : i32
    %run_scoped3A = arith.constant 1 : i32
    "tpu.region"() ({
      %run_scoped3A_93 = tpu.sem_alloc : memref<!tpu.dma_semaphore, #tpu.memory_space<semaphore_mem>>
      %dma_start3A = arith.constant 0 : i32
      %dma_start3A_94 = tpu.memref_slice %arg2[%run_scoped3A, %mul3A_17, %dma_start3A] : memref<2x2500x128xi32, #tpu.memory_space<hbm>> -> memref<1x156x128xi32, #tpu.memory_space<hbm>>
      %dma_start3A_95 = tpu.memref_squeeze %dma_start3A_94 : memref<1x156x128xi32, #tpu.memory_space<hbm>> -> memref<156x128xi32, #tpu.memory_space<hbm>>
      %dma_start3A_96 = arith.constant 0 : i32
      %dma_start3A_97 = tpu.memref_slice %arg2[%run_scoped3A, %mul3A_17, %dma_start3A_96] : memref<2x2500x128xi32, #tpu.memory_space<hbm>> -> memref<1x156x128xi32, #tpu.memory_space<hbm>>
      %dma_start3A_98 = tpu.memref_squeeze %dma_start3A_97 : memref<1x156x128xi32, #tpu.memory_space<hbm>> -> memref<156x128xi32, #tpu.memory_space<hbm>>
      tpu.enqueue_dma source(%dma_start3A_98 : memref<156x128xi32, #tpu.memory_space<hbm>>) target(%arg7 : memref<156x128xi32, #tpu.memory_space<vmem>>) target_semaphore(%run_scoped3A_93 : memref<!tpu.dma_semaphore, #tpu.memory_space<semaphore_mem>>)
      %dma_wait3A_99 = arith.constant 0 : i32
      %dma_wait3A_100 = tpu.memref_slice %arg2[%run_scoped3A, %mul3A_17, %dma_wait3A_99] : memref<2x2500x128xi32, #tpu.memory_space<hbm>> -> memref<1x156x128xi32, #tpu.memory_space<hbm>>
      %dma_wait3A_101 = tpu.memref_squeeze %dma_wait3A_100 : memref<1x156x128xi32, #tpu.memory_space<hbm>> -> memref<156x128xi32, #tpu.memory_space<hbm>>
      %dma_wait3A_102 = arith.constant 0 : i32
      %dma_wait3A_103 = tpu.memref_slice %arg2[%run_scoped3A, %mul3A_17, %dma_wait3A_102] : memref<2x2500x128xi32, #tpu.memory_space<hbm>> -> memref<1x156x128xi32, #tpu.memory_space<hbm>>
      %dma_wait3A_104 = tpu.memref_squeeze %dma_wait3A_103 : memref<1x156x128xi32, #tpu.memory_space<hbm>> -> memref<156x128xi32, #tpu.memory_space<hbm>>
      tpu.wait_dma2 semaphore(%run_scoped3A_93 : memref<!tpu.dma_semaphore, #tpu.memory_space<semaphore_mem>>) src(%dma_wait3A_104 : memref<156x128xi32, #tpu.memory_space<hbm>>) dst(%arg7 : memref<156x128xi32, #tpu.memory_space<vmem>>)
      tpu.yield
    }) : () -> ()
    %mul3A_18 = arith.constant 156 : i32
    %mul3A_19 = arith.muli %arg1, %mul3A_18 : i32
    %run_scoped3A_20 = arith.constant 0 : i32
    "tpu.region"() ({
      %run_scoped3A_93 = tpu.sem_alloc : memref<!tpu.dma_semaphore, #tpu.memory_space<semaphore_mem>>
      %dma_start3A = arith.constant 0 : i32
      %dma_start3A_94 = tpu.memref_slice %arg2[%run_scoped3A_20, %mul3A_19, %dma_start3A] : memref<2x2500x128xi32, #tpu.memory_space<hbm>> -> memref<1x156x128xi32, #tpu.memory_space<hbm>>
      %dma_start3A_95 = tpu.memref_squeeze %dma_start3A_94 : memref<1x156x128xi32, #tpu.memory_space<hbm>> -> memref<156x128xi32, #tpu.memory_space<hbm>>
      %dma_start3A_96 = arith.constant 0 : i32
      %dma_start3A_97 = tpu.memref_slice %arg2[%run_scoped3A_20, %mul3A_19, %dma_start3A_96] : memref<2x2500x128xi32, #tpu.memory_space<hbm>> -> memref<1x156x128xi32, #tpu.memory_space<hbm>>
      %dma_start3A_98 = tpu.memref_squeeze %dma_start3A_97 : memref<1x156x128xi32, #tpu.memory_space<hbm>> -> memref<156x128xi32, #tpu.memory_space<hbm>>
      tpu.enqueue_dma source(%dma_start3A_98 : memref<156x128xi32, #tpu.memory_space<hbm>>) target(%arg8 : memref<156x128xi32, #tpu.memory_space<vmem>>) target_semaphore(%run_scoped3A_93 : memref<!tpu.dma_semaphore, #tpu.memory_space<semaphore_mem>>)
      %dma_wait3A_99 = arith.constant 0 : i32
      %dma_wait3A_100 = tpu.memref_slice %arg2[%run_scoped3A_20, %mul3A_19, %dma_wait3A_99] : memref<2x2500x128xi32, #tpu.memory_space<hbm>> -> memref<1x156x128xi32, #tpu.memory_space<hbm>>
      %dma_wait3A_101 = tpu.memref_squeeze %dma_wait3A_100 : memref<1x156x128xi32, #tpu.memory_space<hbm>> -> memref<156x128xi32, #tpu.memory_space<hbm>>
      %dma_wait3A_102 = arith.constant 0 : i32
      %dma_wait3A_103 = tpu.memref_slice %arg2[%run_scoped3A_20, %mul3A_19, %dma_wait3A_102] : memref<2x2500x128xi32, #tpu.memory_space<hbm>> -> memref<1x156x128xi32, #tpu.memory_space<hbm>>
      %dma_wait3A_104 = tpu.memref_squeeze %dma_wait3A_103 : memref<1x156x128xi32, #tpu.memory_space<hbm>> -> memref<156x128xi32, #tpu.memory_space<hbm>>
      tpu.wait_dma2 semaphore(%run_scoped3A_93 : memref<!tpu.dma_semaphore, #tpu.memory_space<semaphore_mem>>) src(%dma_wait3A_104 : memref<156x128xi32, #tpu.memory_space<hbm>>) dst(%arg8 : memref<156x128xi32, #tpu.memory_space<vmem>>)
      tpu.yield
    }) : () -> ()
    %barrier3A = arith.constant 0 : index
    tpu.barrier barrier_id(%barrier3A)
    %eq3A_21 = arith.constant 0 : i32
    %eq3A_22 = arith.cmpi eq, %arg0, %eq3A_21 : i32
    %convert_element_type3A_23 = arith.extui %eq3A_22 : i1 to i32
    %cond3A_24 = arith.constant 0 : i32
    %cond3A_25 = arith.constant 0 : i32
    %cond3A_26 = arith.cmpi ne, %convert_element_type3A_23, %cond3A_25 : i32
    scf.if %cond3A_26 {
      %dma_start3A = arith.constant 0 : i32
      %dma_start3A_93 = tpu.memref_slice %arg7[%cond3A_24, %dma_start3A] : memref<156x128xi32, #tpu.memory_space<vmem>> -> memref<1x128xi32, #tpu.memory_space<vmem>>
      %dma_start3A_94 = tpu.memref_squeeze %dma_start3A_93 : memref<1x128xi32, #tpu.memory_space<vmem>> -> memref<128xi32, #tpu.memory_space<vmem>>
      %dma_start3A_95 = arith.constant 0 : i32
      %dma_start3A_96 = arith.constant 0 : i32
      %dma_start3A_97 = tpu.memref_slice %arg3[%dma_start3A_95, %dma_start3A_96] : memref<10000x64xf32, #tpu.memory_space<hbm>> -> memref<10000x64xf32, #tpu.memory_space<hbm>>
      tpu.enqueue_indirect_dma source(%dma_start3A_97 : memref<10000x64xf32, #tpu.memory_space<hbm>>) target(%arg9 : memref<128x64xf32, #tpu.memory_space<vmem>>) offsets(%dma_start3A_94 : memref<128xi32, #tpu.memory_space<vmem>>) semaphore(%arg15 : memref<!tpu.dma_semaphore, #tpu.memory_space<semaphore_mem>>)
    } else {
    }
    %eq3A_27 = arith.constant 1 : i32
    %eq3A_28 = arith.cmpi eq, %arg0, %eq3A_27 : i32
    %convert_element_type3A_29 = arith.extui %eq3A_28 : i1 to i32
    %cond3A_30 = arith.constant 0 : i32
    %cond3A_31 = arith.constant 0 : i32
    %cond3A_32 = arith.cmpi ne, %convert_element_type3A_29, %cond3A_31 : i32
    scf.if %cond3A_32 {
      %dma_start3A = arith.constant 0 : i32
      %dma_start3A_93 = tpu.memref_slice %arg7[%cond3A_30, %dma_start3A] : memref<156x128xi32, #tpu.memory_space<vmem>> -> memref<1x128xi32, #tpu.memory_space<vmem>>
      %dma_start3A_94 = tpu.memref_squeeze %dma_start3A_93 : memref<1x128xi32, #tpu.memory_space<vmem>> -> memref<128xi32, #tpu.memory_space<vmem>>
      %dma_start3A_95 = arith.constant 0 : i32
      %dma_start3A_96 = arith.constant 0 : i32
      %dma_start3A_97 = tpu.memref_slice %arg4[%dma_start3A_95, %dma_start3A_96] : memref<10000x64xf32, #tpu.memory_space<hbm>> -> memref<10000x64xf32, #tpu.memory_space<hbm>>
      tpu.enqueue_indirect_dma source(%dma_start3A_97 : memref<10000x64xf32, #tpu.memory_space<hbm>>) target(%arg9 : memref<128x64xf32, #tpu.memory_space<vmem>>) offsets(%dma_start3A_94 : memref<128xi32, #tpu.memory_space<vmem>>) semaphore(%arg15 : memref<!tpu.dma_semaphore, #tpu.memory_space<semaphore_mem>>)
    } else {
    }
    %scan3A = arith.constant 0 : i32
    %scan3A_33 = arith.constant 0 : i32
    %scan3A_34 = arith.constant 78 : i32
    %scan3A_35 = arith.addi %scan3A_33, %scan3A_34 : i32
    %scan3A_36 = arith.constant 1 : i32
    scf.for %scan3A_93 = %scan3A_33 to %scan3A_35 step %scan3A_36  : i32 {
      %mul3A_94 = arith.constant 2 : i32
      %mul3A_95 = arith.muli %mul3A_94, %scan3A_93 : i32
      %add3A_96 = arith.constant 1 : i32
      %add3A_97 = arith.addi %mul3A_95, %add3A_96 : i32
      %lt3A_98 = arith.constant 156 : i32
      %lt3A_99 = arith.cmpi slt, %add3A_97, %lt3A_98 : i32
      %convert_element_type3A_100 = arith.extui %lt3A_99 : i1 to i32
      %cond3A_101 = arith.constant 0 : i32
      %cond3A_102 = arith.cmpi ne, %convert_element_type3A_100, %cond3A_101 : i32
      scf.if %cond3A_102 {
        %ge3A = arith.constant 1 : i32
        %ge3A_145 = arith.cmpi sge, %mul3A_95, %ge3A : i32
        %convert_element_type3A_146 = arith.extui %ge3A_145 : i1 to i32
        %cond3A_147 = arith.constant 0 : i32
        %cond3A_148 = arith.cmpi ne, %convert_element_type3A_146, %cond3A_147 : i32
        scf.if %cond3A_148 {
          %sub3A = arith.constant 1 : i32
          %sub3A_161 = arith.subi %mul3A_95, %sub3A : i32
          %dma_wait3A_162 = arith.constant 0 : i32
          %dma_wait3A_163 = tpu.memref_slice %arg8[%sub3A_161, %dma_wait3A_162] : memref<156x128xi32, #tpu.memory_space<vmem>> -> memref<1x128xi32, #tpu.memory_space<vmem>>
          %dma_wait3A_164 = tpu.memref_squeeze %dma_wait3A_163 : memref<1x128xi32, #tpu.memory_space<vmem>> -> memref<128xi32, #tpu.memory_space<vmem>>
          %dma_wait3A_165 = arith.constant 0 : i32
          %dma_wait3A_166 = arith.constant 0 : i32
          %dma_wait3A_167 = tpu.memref_slice %arg14[%dma_wait3A_165, %dma_wait3A_166] : memref<10000x64xf32, #tpu.memory_space<vmem_shared>> -> memref<10000x64xf32, #tpu.memory_space<vmem_shared>>
          tpu.wait_indirect_dma semaphore(%arg18 : memref<!tpu.dma_semaphore, #tpu.memory_space<semaphore_mem>>) src(%arg10 : memref<128x64xf32, #tpu.memory_space<vmem>>) dst(%dma_wait3A_167 : memref<10000x64xf32, #tpu.memory_space<vmem_shared>>)
        } else {
        }
        %add3A_149 = arith.constant 1 : i32
        %add3A_150 = arith.addi %mul3A_95, %add3A_149 : i32
        %eq3A_151 = arith.constant 0 : i32
        %eq3A_152 = arith.cmpi eq, %arg0, %eq3A_151 : i32
        %convert_element_type3A_153 = arith.extui %eq3A_152 : i1 to i32
        %cond3A_154 = arith.constant 0 : i32
        %cond3A_155 = arith.cmpi ne, %convert_element_type3A_153, %cond3A_154 : i32
        scf.if %cond3A_155 {
          %dma_start3A_161 = arith.constant 0 : i32
          %dma_start3A_162 = tpu.memref_slice %arg7[%add3A_150, %dma_start3A_161] : memref<156x128xi32, #tpu.memory_space<vmem>> -> memref<1x128xi32, #tpu.memory_space<vmem>>
          %dma_start3A_163 = tpu.memref_squeeze %dma_start3A_162 : memref<1x128xi32, #tpu.memory_space<vmem>> -> memref<128xi32, #tpu.memory_space<vmem>>
          %dma_start3A_164 = arith.constant 0 : i32
          %dma_start3A_165 = arith.constant 0 : i32
          %dma_start3A_166 = tpu.memref_slice %arg3[%dma_start3A_164, %dma_start3A_165] : memref<10000x64xf32, #tpu.memory_space<hbm>> -> memref<10000x64xf32, #tpu.memory_space<hbm>>
          tpu.enqueue_indirect_dma source(%dma_start3A_166 : memref<10000x64xf32, #tpu.memory_space<hbm>>) target(%arg10 : memref<128x64xf32, #tpu.memory_space<vmem>>) offsets(%dma_start3A_163 : memref<128xi32, #tpu.memory_space<vmem>>) semaphore(%arg16 : memref<!tpu.dma_semaphore, #tpu.memory_space<semaphore_mem>>)
        } else {
        }
        %eq3A_156 = arith.constant 1 : i32
        %eq3A_157 = arith.cmpi eq, %arg0, %eq3A_156 : i32
        %convert_element_type3A_158 = arith.extui %eq3A_157 : i1 to i32
        %cond3A_159 = arith.constant 0 : i32
        %cond3A_160 = arith.cmpi ne, %convert_element_type3A_158, %cond3A_159 : i32
        scf.if %cond3A_160 {
          %dma_start3A_161 = arith.constant 0 : i32
          %dma_start3A_162 = tpu.memref_slice %arg7[%add3A_150, %dma_start3A_161] : memref<156x128xi32, #tpu.memory_space<vmem>> -> memref<1x128xi32, #tpu.memory_space<vmem>>
          %dma_start3A_163 = tpu.memref_squeeze %dma_start3A_162 : memref<1x128xi32, #tpu.memory_space<vmem>> -> memref<128xi32, #tpu.memory_space<vmem>>
          %dma_start3A_164 = arith.constant 0 : i32
          %dma_start3A_165 = arith.constant 0 : i32
          %dma_start3A_166 = tpu.memref_slice %arg4[%dma_start3A_164, %dma_start3A_165] : memref<10000x64xf32, #tpu.memory_space<hbm>> -> memref<10000x64xf32, #tpu.memory_space<hbm>>
          tpu.enqueue_indirect_dma source(%dma_start3A_166 : memref<10000x64xf32, #tpu.memory_space<hbm>>) target(%arg10 : memref<128x64xf32, #tpu.memory_space<vmem>>) offsets(%dma_start3A_163 : memref<128xi32, #tpu.memory_space<vmem>>) semaphore(%arg16 : memref<!tpu.dma_semaphore, #tpu.memory_space<semaphore_mem>>)
        } else {
        }
      } else {
      }
      %eq3A_103 = arith.constant 0 : i32
      %eq3A_104 = arith.cmpi eq, %arg0, %eq3A_103 : i32
      %convert_element_type3A_105 = arith.extui %eq3A_104 : i1 to i32
      %cond3A_106 = arith.constant 0 : i32
      %cond3A_107 = arith.cmpi ne, %convert_element_type3A_105, %cond3A_106 : i32
      scf.if %cond3A_107 {
        %dma_wait3A_145 = arith.constant 0 : i32
        %dma_wait3A_146 = tpu.memref_slice %arg7[%mul3A_95, %dma_wait3A_145] : memref<156x128xi32, #tpu.memory_space<vmem>> -> memref<1x128xi32, #tpu.memory_space<vmem>>
        %dma_wait3A_147 = tpu.memref_squeeze %dma_wait3A_146 : memref<1x128xi32, #tpu.memory_space<vmem>> -> memref<128xi32, #tpu.memory_space<vmem>>
        %dma_wait3A_148 = arith.constant 0 : i32
        %dma_wait3A_149 = arith.constant 0 : i32
        %dma_wait3A_150 = tpu.memref_slice %arg3[%dma_wait3A_148, %dma_wait3A_149] : memref<10000x64xf32, #tpu.memory_space<hbm>> -> memref<10000x64xf32, #tpu.memory_space<hbm>>
        tpu.wait_indirect_dma semaphore(%arg15 : memref<!tpu.dma_semaphore, #tpu.memory_space<semaphore_mem>>) src(%dma_wait3A_150 : memref<10000x64xf32, #tpu.memory_space<hbm>>) dst(%arg9 : memref<128x64xf32, #tpu.memory_space<vmem>>)
      } else {
      }
      %eq3A_108 = arith.constant 1 : i32
      %eq3A_109 = arith.cmpi eq, %arg0, %eq3A_108 : i32
      %convert_element_type3A_110 = arith.extui %eq3A_109 : i1 to i32
      %cond3A_111 = arith.constant 0 : i32
      %cond3A_112 = arith.cmpi ne, %convert_element_type3A_110, %cond3A_111 : i32
      scf.if %cond3A_112 {
        %dma_wait3A_145 = arith.constant 0 : i32
        %dma_wait3A_146 = tpu.memref_slice %arg7[%mul3A_95, %dma_wait3A_145] : memref<156x128xi32, #tpu.memory_space<vmem>> -> memref<1x128xi32, #tpu.memory_space<vmem>>
        %dma_wait3A_147 = tpu.memref_squeeze %dma_wait3A_146 : memref<1x128xi32, #tpu.memory_space<vmem>> -> memref<128xi32, #tpu.memory_space<vmem>>
        %dma_wait3A_148 = arith.constant 0 : i32
        %dma_wait3A_149 = arith.constant 0 : i32
        %dma_wait3A_150 = tpu.memref_slice %arg4[%dma_wait3A_148, %dma_wait3A_149] : memref<10000x64xf32, #tpu.memory_space<hbm>> -> memref<10000x64xf32, #tpu.memory_space<hbm>>
        tpu.wait_indirect_dma semaphore(%arg15 : memref<!tpu.dma_semaphore, #tpu.memory_space<semaphore_mem>>) src(%dma_wait3A_150 : memref<10000x64xf32, #tpu.memory_space<hbm>>) dst(%arg9 : memref<128x64xf32, #tpu.memory_space<vmem>>)
      } else {
      }
      %dma_start3A = arith.constant 0 : i32
      %dma_start3A_113 = tpu.memref_slice %arg8[%mul3A_95, %dma_start3A] : memref<156x128xi32, #tpu.memory_space<vmem>> -> memref<1x128xi32, #tpu.memory_space<vmem>>
      %dma_start3A_114 = tpu.memref_squeeze %dma_start3A_113 : memref<1x128xi32, #tpu.memory_space<vmem>> -> memref<128xi32, #tpu.memory_space<vmem>>
      %dma_start3A_115 = arith.constant 0 : i32
      %dma_start3A_116 = arith.constant 0 : i32
      %dma_start3A_117 = tpu.memref_slice %arg14[%dma_start3A_115, %dma_start3A_116] : memref<10000x64xf32, #tpu.memory_space<vmem_shared>> -> memref<10000x64xf32, #tpu.memory_space<vmem_shared>>
      tpu.enqueue_indirect_dma source(%arg9 : memref<128x64xf32, #tpu.memory_space<vmem>>) target(%dma_start3A_117 : memref<10000x64xf32, #tpu.memory_space<vmem_shared>>) offsets(%dma_start3A_114 : memref<128xi32, #tpu.memory_space<vmem>>) semaphore(%arg17 : memref<!tpu.dma_semaphore, #tpu.memory_space<semaphore_mem>>) {add = true}
      %mul3A_118 = arith.constant 2 : i32
      %mul3A_119 = arith.muli %mul3A_118, %scan3A_93 : i32
      %add3A_120 = arith.constant 1 : i32
      %add3A_121 = arith.addi %mul3A_119, %add3A_120 : i32
      %add3A_122 = arith.constant 1 : i32
      %add3A_123 = arith.addi %add3A_121, %add3A_122 : i32
      %lt3A_124 = arith.constant 156 : i32
      %lt3A_125 = arith.cmpi slt, %add3A_123, %lt3A_124 : i32
      %convert_element_type3A_126 = arith.extui %lt3A_125 : i1 to i32
      %cond3A_127 = arith.constant 0 : i32
      %cond3A_128 = arith.cmpi ne, %convert_element_type3A_126, %cond3A_127 : i32
      scf.if %cond3A_128 {
        %ge3A = arith.constant 1 : i32
        %ge3A_145 = arith.cmpi sge, %add3A_121, %ge3A : i32
        %convert_element_type3A_146 = arith.extui %ge3A_145 : i1 to i32
        %cond3A_147 = arith.constant 0 : i32
        %cond3A_148 = arith.cmpi ne, %convert_element_type3A_146, %cond3A_147 : i32
        scf.if %cond3A_148 {
          %sub3A = arith.constant 1 : i32
          %sub3A_161 = arith.subi %add3A_121, %sub3A : i32
          %dma_wait3A_162 = arith.constant 0 : i32
          %dma_wait3A_163 = tpu.memref_slice %arg8[%sub3A_161, %dma_wait3A_162] : memref<156x128xi32, #tpu.memory_space<vmem>> -> memref<1x128xi32, #tpu.memory_space<vmem>>
          %dma_wait3A_164 = tpu.memref_squeeze %dma_wait3A_163 : memref<1x128xi32, #tpu.memory_space<vmem>> -> memref<128xi32, #tpu.memory_space<vmem>>
          %dma_wait3A_165 = arith.constant 0 : i32
          %dma_wait3A_166 = arith.constant 0 : i32
          %dma_wait3A_167 = tpu.memref_slice %arg14[%dma_wait3A_165, %dma_wait3A_166] : memref<10000x64xf32, #tpu.memory_space<vmem_shared>> -> memref<10000x64xf32, #tpu.memory_space<vmem_shared>>
          tpu.wait_indirect_dma semaphore(%arg17 : memref<!tpu.dma_semaphore, #tpu.memory_space<semaphore_mem>>) src(%arg9 : memref<128x64xf32, #tpu.memory_space<vmem>>) dst(%dma_wait3A_167 : memref<10000x64xf32, #tpu.memory_space<vmem_shared>>)
        } else {
        }
        %add3A_149 = arith.constant 1 : i32
        %add3A_150 = arith.addi %add3A_121, %add3A_149 : i32
        %eq3A_151 = arith.constant 0 : i32
        %eq3A_152 = arith.cmpi eq, %arg0, %eq3A_151 : i32
        %convert_element_type3A_153 = arith.extui %eq3A_152 : i1 to i32
        %cond3A_154 = arith.constant 0 : i32
        %cond3A_155 = arith.cmpi ne, %convert_element_type3A_153, %cond3A_154 : i32
        scf.if %cond3A_155 {
          %dma_start3A_161 = arith.constant 0 : i32
          %dma_start3A_162 = tpu.memref_slice %arg7[%add3A_150, %dma_start3A_161] : memref<156x128xi32, #tpu.memory_space<vmem>> -> memref<1x128xi32, #tpu.memory_space<vmem>>
          %dma_start3A_163 = tpu.memref_squeeze %dma_start3A_162 : memref<1x128xi32, #tpu.memory_space<vmem>> -> memref<128xi32, #tpu.memory_space<vmem>>
          %dma_start3A_164 = arith.constant 0 : i32
          %dma_start3A_165 = arith.constant 0 : i32
          %dma_start3A_166 = tpu.memref_slice %arg3[%dma_start3A_164, %dma_start3A_165] : memref<10000x64xf32, #tpu.memory_space<hbm>> -> memref<10000x64xf32, #tpu.memory_space<hbm>>
          tpu.enqueue_indirect_dma source(%dma_start3A_166 : memref<10000x64xf32, #tpu.memory_space<hbm>>) target(%arg9 : memref<128x64xf32, #tpu.memory_space<vmem>>) offsets(%dma_start3A_163 : memref<128xi32, #tpu.memory_space<vmem>>) semaphore(%arg15 : memref<!tpu.dma_semaphore, #tpu.memory_space<semaphore_mem>>)
        } else {
        }
        %eq3A_156 = arith.constant 1 : i32
        %eq3A_157 = arith.cmpi eq, %arg0, %eq3A_156 : i32
        %convert_element_type3A_158 = arith.extui %eq3A_157 : i1 to i32
        %cond3A_159 = arith.constant 0 : i32
        %cond3A_160 = arith.cmpi ne, %convert_element_type3A_158, %cond3A_159 : i32
        scf.if %cond3A_160 {
          %dma_start3A_161 = arith.constant 0 : i32
          %dma_start3A_162 = tpu.memref_slice %arg7[%add3A_150, %dma_start3A_161] : memref<156x128xi32, #tpu.memory_space<vmem>> -> memref<1x128xi32, #tpu.memory_space<vmem>>
          %dma_start3A_163 = tpu.memref_squeeze %dma_start3A_162 : memref<1x128xi32, #tpu.memory_space<vmem>> -> memref<128xi32, #tpu.memory_space<vmem>>
          %dma_start3A_164 = arith.constant 0 : i32
          %dma_start3A_165 = arith.constant 0 : i32
          %dma_start3A_166 = tpu.memref_slice %arg4[%dma_start3A_164, %dma_start3A_165] : memref<10000x64xf32, #tpu.memory_space<hbm>> -> memref<10000x64xf32, #tpu.memory_space<hbm>>
          tpu.enqueue_indirect_dma source(%dma_start3A_166 : memref<10000x64xf32, #tpu.memory_space<hbm>>) target(%arg9 : memref<128x64xf32, #tpu.memory_space<vmem>>) offsets(%dma_start3A_163 : memref<128xi32, #tpu.memory_space<vmem>>) semaphore(%arg15 : memref<!tpu.dma_semaphore, #tpu.memory_space<semaphore_mem>>)
        } else {
        }
      } else {
      }
      %eq3A_129 = arith.constant 0 : i32
      %eq3A_130 = arith.cmpi eq, %arg0, %eq3A_129 : i32
      %convert_element_type3A_131 = arith.extui %eq3A_130 : i1 to i32
      %cond3A_132 = arith.constant 0 : i32
      %cond3A_133 = arith.cmpi ne, %convert_element_type3A_131, %cond3A_132 : i32
      scf.if %cond3A_133 {
        %dma_wait3A_145 = arith.constant 0 : i32
        %dma_wait3A_146 = tpu.memref_slice %arg7[%add3A_121, %dma_wait3A_145] : memref<156x128xi32, #tpu.memory_space<vmem>> -> memref<1x128xi32, #tpu.memory_space<vmem>>
        %dma_wait3A_147 = tpu.memref_squeeze %dma_wait3A_146 : memref<1x128xi32, #tpu.memory_space<vmem>> -> memref<128xi32, #tpu.memory_space<vmem>>
        %dma_wait3A_148 = arith.constant 0 : i32
        %dma_wait3A_149 = arith.constant 0 : i32
        %dma_wait3A_150 = tpu.memref_slice %arg3[%dma_wait3A_148, %dma_wait3A_149] : memref<10000x64xf32, #tpu.memory_space<hbm>> -> memref<10000x64xf32, #tpu.memory_space<hbm>>
        tpu.wait_indirect_dma semaphore(%arg16 : memref<!tpu.dma_semaphore, #tpu.memory_space<semaphore_mem>>) src(%dma_wait3A_150 : memref<10000x64xf32, #tpu.memory_space<hbm>>) dst(%arg10 : memref<128x64xf32, #tpu.memory_space<vmem>>)
      } else {
      }
      %eq3A_134 = arith.constant 1 : i32
      %eq3A_135 = arith.cmpi eq, %arg0, %eq3A_134 : i32
      %convert_element_type3A_136 = arith.extui %eq3A_135 : i1 to i32
      %cond3A_137 = arith.constant 0 : i32
      %cond3A_138 = arith.cmpi ne, %convert_element_type3A_136, %cond3A_137 : i32
      scf.if %cond3A_138 {
        %dma_wait3A_145 = arith.constant 0 : i32
        %dma_wait3A_146 = tpu.memref_slice %arg7[%add3A_121, %dma_wait3A_145] : memref<156x128xi32, #tpu.memory_space<vmem>> -> memref<1x128xi32, #tpu.memory_space<vmem>>
        %dma_wait3A_147 = tpu.memref_squeeze %dma_wait3A_146 : memref<1x128xi32, #tpu.memory_space<vmem>> -> memref<128xi32, #tpu.memory_space<vmem>>
        %dma_wait3A_148 = arith.constant 0 : i32
        %dma_wait3A_149 = arith.constant 0 : i32
        %dma_wait3A_150 = tpu.memref_slice %arg4[%dma_wait3A_148, %dma_wait3A_149] : memref<10000x64xf32, #tpu.memory_space<hbm>> -> memref<10000x64xf32, #tpu.memory_space<hbm>>
        tpu.wait_indirect_dma semaphore(%arg16 : memref<!tpu.dma_semaphore, #tpu.memory_space<semaphore_mem>>) src(%dma_wait3A_150 : memref<10000x64xf32, #tpu.memory_space<hbm>>) dst(%arg10 : memref<128x64xf32, #tpu.memory_space<vmem>>)
      } else {
      }
      %dma_start3A_139 = arith.constant 0 : i32
      %dma_start3A_140 = tpu.memref_slice %arg8[%add3A_121, %dma_start3A_139] : memref<156x128xi32, #tpu.memory_space<vmem>> -> memref<1x128xi32, #tpu.memory_space<vmem>>
      %dma_start3A_141 = tpu.memref_squeeze %dma_start3A_140 : memref<1x128xi32, #tpu.memory_space<vmem>> -> memref<128xi32, #tpu.memory_space<vmem>>
      %dma_start3A_142 = arith.constant 0 : i32
      %dma_start3A_143 = arith.constant 0 : i32
      %dma_start3A_144 = tpu.memref_slice %arg14[%dma_start3A_142, %dma_start3A_143] : memref<10000x64xf32, #tpu.memory_space<vmem_shared>> -> memref<10000x64xf32, #tpu.memory_space<vmem_shared>>
      tpu.enqueue_indirect_dma source(%arg10 : memref<128x64xf32, #tpu.memory_space<vmem>>) target(%dma_start3A_144 : memref<10000x64xf32, #tpu.memory_space<vmem_shared>>) offsets(%dma_start3A_141 : memref<128xi32, #tpu.memory_space<vmem>>) semaphore(%arg18 : memref<!tpu.dma_semaphore, #tpu.memory_space<semaphore_mem>>) {add = true}
    }
    %scan3A_37 = arith.constant 78 : i32
    %dma_wait3A = arith.constant 154 : i32
    %dma_wait3A_38 = arith.constant 0 : i32
    %dma_wait3A_39 = tpu.memref_slice %arg8[%dma_wait3A, %dma_wait3A_38] : memref<156x128xi32, #tpu.memory_space<vmem>> -> memref<1x128xi32, #tpu.memory_space<vmem>>
    %dma_wait3A_40 = tpu.memref_squeeze %dma_wait3A_39 : memref<1x128xi32, #tpu.memory_space<vmem>> -> memref<128xi32, #tpu.memory_space<vmem>>
    %dma_wait3A_41 = arith.constant 0 : i32
    %dma_wait3A_42 = arith.constant 0 : i32
    %dma_wait3A_43 = tpu.memref_slice %arg14[%dma_wait3A_41, %dma_wait3A_42] : memref<10000x64xf32, #tpu.memory_space<vmem_shared>> -> memref<10000x64xf32, #tpu.memory_space<vmem_shared>>
    tpu.wait_indirect_dma semaphore(%arg17 : memref<!tpu.dma_semaphore, #tpu.memory_space<semaphore_mem>>) src(%arg9 : memref<128x64xf32, #tpu.memory_space<vmem>>) dst(%dma_wait3A_43 : memref<10000x64xf32, #tpu.memory_space<vmem_shared>>)
    %dma_wait3A_44 = arith.constant 155 : i32
    %dma_wait3A_45 = arith.constant 0 : i32
    %dma_wait3A_46 = tpu.memref_slice %arg8[%dma_wait3A_44, %dma_wait3A_45] : memref<156x128xi32, #tpu.memory_space<vmem>> -> memref<1x128xi32, #tpu.memory_space<vmem>>
    %dma_wait3A_47 = tpu.memref_squeeze %dma_wait3A_46 : memref<1x128xi32, #tpu.memory_space<vmem>> -> memref<128xi32, #tpu.memory_space<vmem>>
    %dma_wait3A_48 = arith.constant 0 : i32
    %dma_wait3A_49 = arith.constant 0 : i32
    %dma_wait3A_50 = tpu.memref_slice %arg14[%dma_wait3A_48, %dma_wait3A_49] : memref<10000x64xf32, #tpu.memory_space<vmem_shared>> -> memref<10000x64xf32, #tpu.memory_space<vmem_shared>>
    tpu.wait_indirect_dma semaphore(%arg18 : memref<!tpu.dma_semaphore, #tpu.memory_space<semaphore_mem>>) src(%arg10 : memref<128x64xf32, #tpu.memory_space<vmem>>) dst(%dma_wait3A_50 : memref<10000x64xf32, #tpu.memory_space<vmem_shared>>)
    %lt3A = arith.constant 4 : i32
    %lt3A_51 = arith.cmpi slt, %arg1, %lt3A : i32
    %convert_element_type3A_52 = arith.extui %lt3A_51 : i1 to i32
    %cond3A_53 = arith.constant 0 : i32
    %cond3A_54 = arith.cmpi ne, %convert_element_type3A_52, %cond3A_53 : i32
    scf.if %cond3A_54 {
      %add3A_93 = arith.constant 2496 : i32
      %add3A_94 = arith.addi %add3A_93, %arg1 : i32
      %run_scoped3A_95 = arith.constant 1 : i32
      "tpu.region"() ({
        %run_scoped3A_117 = tpu.sem_alloc : memref<!tpu.dma_semaphore, #tpu.memory_space<semaphore_mem>>
        %dma_start3A = arith.constant 0 : i32
        %dma_start3A_118 = tpu.memref_slice %arg2[%run_scoped3A_95, %add3A_94, %dma_start3A] : memref<2x2500x128xi32, #tpu.memory_space<hbm>> -> memref<1x1x128xi32, #tpu.memory_space<hbm>>
        %dma_start3A_119 = tpu.memref_squeeze %dma_start3A_118 : memref<1x1x128xi32, #tpu.memory_space<hbm>> -> memref<128xi32, #tpu.memory_space<hbm>>
        %dma_start3A_120 = arith.constant 0 : i32
        %dma_start3A_121 = tpu.memref_slice %arg2[%run_scoped3A_95, %add3A_94, %dma_start3A_120] : memref<2x2500x128xi32, #tpu.memory_space<hbm>> -> memref<1x1x128xi32, #tpu.memory_space<hbm>>
        %dma_start3A_122 = tpu.memref_squeeze %dma_start3A_121 : memref<1x1x128xi32, #tpu.memory_space<hbm>> -> memref<128xi32, #tpu.memory_space<hbm>>
        tpu.enqueue_dma source(%dma_start3A_122 : memref<128xi32, #tpu.memory_space<hbm>>) target(%arg11 : memref<128xi32, #tpu.memory_space<vmem>>) target_semaphore(%run_scoped3A_117 : memref<!tpu.dma_semaphore, #tpu.memory_space<semaphore_mem>>)
        %dma_wait3A_123 = arith.constant 0 : i32
        %dma_wait3A_124 = tpu.memref_slice %arg2[%run_scoped3A_95, %add3A_94, %dma_wait3A_123] : memref<2x2500x128xi32, #tpu.memory_space<hbm>> -> memref<1x1x128xi32, #tpu.memory_space<hbm>>
        %dma_wait3A_125 = tpu.memref_squeeze %dma_wait3A_124 : memref<1x1x128xi32, #tpu.memory_space<hbm>> -> memref<128xi32, #tpu.memory_space<hbm>>
        %dma_wait3A_126 = arith.constant 0 : i32
        %dma_wait3A_127 = tpu.memref_slice %arg2[%run_scoped3A_95, %add3A_94, %dma_wait3A_126] : memref<2x2500x128xi32, #tpu.memory_space<hbm>> -> memref<1x1x128xi32, #tpu.memory_space<hbm>>
        %dma_wait3A_128 = tpu.memref_squeeze %dma_wait3A_127 : memref<1x1x128xi32, #tpu.memory_space<hbm>> -> memref<128xi32, #tpu.memory_space<hbm>>
        tpu.wait_dma2 semaphore(%run_scoped3A_117 : memref<!tpu.dma_semaphore, #tpu.memory_space<semaphore_mem>>) src(%dma_wait3A_128 : memref<128xi32, #tpu.memory_space<hbm>>) dst(%arg11 : memref<128xi32, #tpu.memory_space<vmem>>)
        tpu.yield
      }) : () -> ()
      %run_scoped3A_96 = arith.constant 0 : i32
      "tpu.region"() ({
        %run_scoped3A_117 = tpu.sem_alloc : memref<!tpu.dma_semaphore, #tpu.memory_space<semaphore_mem>>
        %dma_start3A = arith.constant 0 : i32
        %dma_start3A_118 = tpu.memref_slice %arg2[%run_scoped3A_96, %add3A_94, %dma_start3A] : memref<2x2500x128xi32, #tpu.memory_space<hbm>> -> memref<1x1x128xi32, #tpu.memory_space<hbm>>
        %dma_start3A_119 = tpu.memref_squeeze %dma_start3A_118 : memref<1x1x128xi32, #tpu.memory_space<hbm>> -> memref<128xi32, #tpu.memory_space<hbm>>
        %dma_start3A_120 = arith.constant 0 : i32
        %dma_start3A_121 = tpu.memref_slice %arg2[%run_scoped3A_96, %add3A_94, %dma_start3A_120] : memref<2x2500x128xi32, #tpu.memory_space<hbm>> -> memref<1x1x128xi32, #tpu.memory_space<hbm>>
        %dma_start3A_122 = tpu.memref_squeeze %dma_start3A_121 : memref<1x1x128xi32, #tpu.memory_space<hbm>> -> memref<128xi32, #tpu.memory_space<hbm>>
        tpu.enqueue_dma source(%dma_start3A_122 : memref<128xi32, #tpu.memory_space<hbm>>) target(%arg12 : memref<128xi32, #tpu.memory_space<vmem>>) target_semaphore(%run_scoped3A_117 : memref<!tpu.dma_semaphore, #tpu.memory_space<semaphore_mem>>)
        %dma_wait3A_123 = arith.constant 0 : i32
        %dma_wait3A_124 = tpu.memref_slice %arg2[%run_scoped3A_96, %add3A_94, %dma_wait3A_123] : memref<2x2500x128xi32, #tpu.memory_space<hbm>> -> memref<1x1x128xi32, #tpu.memory_space<hbm>>
        %dma_wait3A_125 = tpu.memref_squeeze %dma_wait3A_124 : memref<1x1x128xi32, #tpu.memory_space<hbm>> -> memref<128xi32, #tpu.memory_space<hbm>>
        %dma_wait3A_126 = arith.constant 0 : i32
        %dma_wait3A_127 = tpu.memref_slice %arg2[%run_scoped3A_96, %add3A_94, %dma_wait3A_126] : memref<2x2500x128xi32, #tpu.memory_space<hbm>> -> memref<1x1x128xi32, #tpu.memory_space<hbm>>
        %dma_wait3A_128 = tpu.memref_squeeze %dma_wait3A_127 : memref<1x1x128xi32, #tpu.memory_space<hbm>> -> memref<128xi32, #tpu.memory_space<hbm>>
        tpu.wait_dma2 semaphore(%run_scoped3A_117 : memref<!tpu.dma_semaphore, #tpu.memory_space<semaphore_mem>>) src(%dma_wait3A_128 : memref<128xi32, #tpu.memory_space<hbm>>) dst(%arg12 : memref<128xi32, #tpu.memory_space<vmem>>)
        tpu.yield
      }) : () -> ()
      %eq3A_97 = arith.constant 0 : i32
      %eq3A_98 = arith.cmpi eq, %arg0, %eq3A_97 : i32
      %convert_element_type3A_99 = arith.extui %eq3A_98 : i1 to i32
      %cond3A_100 = arith.constant 0 : i32
      %cond3A_101 = arith.cmpi ne, %convert_element_type3A_99, %cond3A_100 : i32
      scf.if %cond3A_101 {
        %dma_start3A = arith.constant 0 : i32
        %dma_start3A_117 = arith.constant 0 : i32
        %dma_start3A_118 = tpu.memref_slice %arg3[%dma_start3A, %dma_start3A_117] : memref<10000x64xf32, #tpu.memory_space<hbm>> -> memref<10000x64xf32, #tpu.memory_space<hbm>>
        tpu.enqueue_indirect_dma source(%dma_start3A_118 : memref<10000x64xf32, #tpu.memory_space<hbm>>) target(%arg9 : memref<128x64xf32, #tpu.memory_space<vmem>>) offsets(%arg11 : memref<128xi32, #tpu.memory_space<vmem>>) semaphore(%arg15 : memref<!tpu.dma_semaphore, #tpu.memory_space<semaphore_mem>>)
      } else {
      }
      %eq3A_102 = arith.constant 1 : i32
      %eq3A_103 = arith.cmpi eq, %arg0, %eq3A_102 : i32
      %convert_element_type3A_104 = arith.extui %eq3A_103 : i1 to i32
      %cond3A_105 = arith.constant 0 : i32
      %cond3A_106 = arith.cmpi ne, %convert_element_type3A_104, %cond3A_105 : i32
      scf.if %cond3A_106 {
        %dma_start3A = arith.constant 0 : i32
        %dma_start3A_117 = arith.constant 0 : i32
        %dma_start3A_118 = tpu.memref_slice %arg4[%dma_start3A, %dma_start3A_117] : memref<10000x64xf32, #tpu.memory_space<hbm>> -> memref<10000x64xf32, #tpu.memory_space<hbm>>
        tpu.enqueue_indirect_dma source(%dma_start3A_118 : memref<10000x64xf32, #tpu.memory_space<hbm>>) target(%arg9 : memref<128x64xf32, #tpu.memory_space<vmem>>) offsets(%arg11 : memref<128xi32, #tpu.memory_space<vmem>>) semaphore(%arg15 : memref<!tpu.dma_semaphore, #tpu.memory_space<semaphore_mem>>)
      } else {
      }
      %eq3A_107 = arith.constant 0 : i32
      %eq3A_108 = arith.cmpi eq, %arg0, %eq3A_107 : i32
      %convert_element_type3A_109 = arith.extui %eq3A_108 : i1 to i32
      %cond3A_110 = arith.constant 0 : i32
      %cond3A_111 = arith.cmpi ne, %convert_element_type3A_109, %cond3A_110 : i32
      scf.if %cond3A_111 {
        %dma_wait3A_117 = arith.constant 0 : i32
        %dma_wait3A_118 = arith.constant 0 : i32
        %dma_wait3A_119 = tpu.memref_slice %arg3[%dma_wait3A_117, %dma_wait3A_118] : memref<10000x64xf32, #tpu.memory_space<hbm>> -> memref<10000x64xf32, #tpu.memory_space<hbm>>
        tpu.wait_indirect_dma semaphore(%arg15 : memref<!tpu.dma_semaphore, #tpu.memory_space<semaphore_mem>>) src(%dma_wait3A_119 : memref<10000x64xf32, #tpu.memory_space<hbm>>) dst(%arg9 : memref<128x64xf32, #tpu.memory_space<vmem>>)
      } else {
      }
      %eq3A_112 = arith.constant 1 : i32
      %eq3A_113 = arith.cmpi eq, %arg0, %eq3A_112 : i32
      %convert_element_type3A_114 = arith.extui %eq3A_113 : i1 to i32
      %cond3A_115 = arith.constant 0 : i32
      %cond3A_116 = arith.cmpi ne, %convert_element_type3A_114, %cond3A_115 : i32
      scf.if %cond3A_116 {
        %dma_wait3A_117 = arith.constant 0 : i32
        %dma_wait3A_118 = arith.constant 0 : i32
        %dma_wait3A_119 = tpu.memref_slice %arg4[%dma_wait3A_117, %dma_wait3A_118] : memref<10000x64xf32, #tpu.memory_space<hbm>> -> memref<10000x64xf32, #tpu.memory_space<hbm>>
        tpu.wait_indirect_dma semaphore(%arg15 : memref<!tpu.dma_semaphore, #tpu.memory_space<semaphore_mem>>) src(%dma_wait3A_119 : memref<10000x64xf32, #tpu.memory_space<hbm>>) dst(%arg9 : memref<128x64xf32, #tpu.memory_space<vmem>>)
      } else {
      }
      "tpu.region"() ({
        %run_scoped3A_117 = tpu.sem_alloc : memref<!tpu.dma_semaphore, #tpu.memory_space<semaphore_mem>>
        %dma_start3A = arith.constant 0 : i32
        %dma_start3A_118 = arith.constant 0 : i32
        %dma_start3A_119 = tpu.memref_slice %arg14[%dma_start3A, %dma_start3A_118] : memref<10000x64xf32, #tpu.memory_space<vmem_shared>> -> memref<10000x64xf32, #tpu.memory_space<vmem_shared>>
        tpu.enqueue_indirect_dma source(%arg9 : memref<128x64xf32, #tpu.memory_space<vmem>>) target(%dma_start3A_119 : memref<10000x64xf32, #tpu.memory_space<vmem_shared>>) offsets(%arg12 : memref<128xi32, #tpu.memory_space<vmem>>) semaphore(%run_scoped3A_117 : memref<!tpu.dma_semaphore, #tpu.memory_space<semaphore_mem>>) {add = true}
        %dma_wait3A_120 = arith.constant 0 : i32
        %dma_wait3A_121 = arith.constant 0 : i32
        %dma_wait3A_122 = tpu.memref_slice %arg14[%dma_wait3A_120, %dma_wait3A_121] : memref<10000x64xf32, #tpu.memory_space<vmem_shared>> -> memref<10000x64xf32, #tpu.memory_space<vmem_shared>>
        tpu.wait_indirect_dma semaphore(%run_scoped3A_117 : memref<!tpu.dma_semaphore, #tpu.memory_space<semaphore_mem>>) src(%arg9 : memref<128x64xf32, #tpu.memory_space<vmem>>) dst(%dma_wait3A_122 : memref<10000x64xf32, #tpu.memory_space<vmem_shared>>)
        tpu.yield
      }) : () -> ()
    } else {
    }
    %barrier3A_55 = arith.constant 0 : index
    tpu.barrier barrier_id(%barrier3A_55)
    %mul3A_56 = arith.constant 624 : i32
    %mul3A_57 = arith.muli %arg1, %mul3A_56 : i32
    %add3A_58 = arith.constant 0 : i32
    %add3A_59 = arith.addi %mul3A_57, %add3A_58 : i32
    "tpu.region"() ({
      %run_scoped3A_93 = tpu.sem_alloc : memref<!tpu.dma_semaphore, #tpu.memory_space<semaphore_mem>>
      %dma_start3A = arith.constant 0 : i32
      %dma_start3A_94 = tpu.memref_slice %arg14[%add3A_59, %dma_start3A] : memref<10000x64xf32, #tpu.memory_space<vmem_shared>> -> memref<156x64xf32, #tpu.memory_space<vmem_shared>>
      %dma_start3A_95 = arith.constant 0 : i32
      %dma_start3A_96 = tpu.memref_slice %arg14[%add3A_59, %dma_start3A_95] : memref<10000x64xf32, #tpu.memory_space<vmem_shared>> -> memref<156x64xf32, #tpu.memory_space<vmem_shared>>
      tpu.enqueue_dma source(%dma_start3A_96 : memref<156x64xf32, #tpu.memory_space<vmem_shared>>) target(%arg13 : memref<156x64xf32, #tpu.memory_space<vmem>>) target_semaphore(%run_scoped3A_93 : memref<!tpu.dma_semaphore, #tpu.memory_space<semaphore_mem>>)
      %dma_wait3A_97 = arith.constant 0 : i32
      %dma_wait3A_98 = tpu.memref_slice %arg14[%add3A_59, %dma_wait3A_97] : memref<10000x64xf32, #tpu.memory_space<vmem_shared>> -> memref<156x64xf32, #tpu.memory_space<vmem_shared>>
      %dma_wait3A_99 = arith.constant 0 : i32
      %dma_wait3A_100 = tpu.memref_slice %arg14[%add3A_59, %dma_wait3A_99] : memref<10000x64xf32, #tpu.memory_space<vmem_shared>> -> memref<156x64xf32, #tpu.memory_space<vmem_shared>>
      tpu.wait_dma2 semaphore(%run_scoped3A_93 : memref<!tpu.dma_semaphore, #tpu.memory_space<semaphore_mem>>) src(%dma_wait3A_100 : memref<156x64xf32, #tpu.memory_space<vmem_shared>>) dst(%arg13 : memref<156x64xf32, #tpu.memory_space<vmem>>)
      tpu.yield
    }) : () -> ()
    %mul3A_60 = arith.constant 624 : i32
    %mul3A_61 = arith.muli %arg1, %mul3A_60 : i32
    %add3A_62 = arith.constant 0 : i32
    %add3A_63 = arith.addi %mul3A_61, %add3A_62 : i32
    "tpu.region"() ({
      %run_scoped3A_93 = tpu.sem_alloc : memref<!tpu.dma_semaphore, #tpu.memory_space<semaphore_mem>>
      %dma_start3A = arith.constant 0 : i32
      %dma_start3A_94 = tpu.memref_slice %arg6[%arg0, %add3A_63, %dma_start3A] : memref<2x10000x64xf32, #tpu.memory_space<hbm>> -> memref<1x156x64xf32, #tpu.memory_space<hbm>>
      %dma_start3A_95 = tpu.memref_squeeze %dma_start3A_94 : memref<1x156x64xf32, #tpu.memory_space<hbm>> -> memref<156x64xf32, #tpu.memory_space<hbm>>
      %dma_start3A_96 = arith.constant 0 : i32
      %dma_start3A_97 = tpu.memref_slice %arg6[%arg0, %add3A_63, %dma_start3A_96] : memref<2x10000x64xf32, #tpu.memory_space<hbm>> -> memref<1x156x64xf32, #tpu.memory_space<hbm>>
      %dma_start3A_98 = tpu.memref_squeeze %dma_start3A_97 : memref<1x156x64xf32, #tpu.memory_space<hbm>> -> memref<156x64xf32, #tpu.memory_space<hbm>>
      tpu.enqueue_dma source(%arg13 : memref<156x64xf32, #tpu.memory_space<vmem>>) target(%dma_start3A_98 : memref<156x64xf32, #tpu.memory_space<hbm>>) target_semaphore(%run_scoped3A_93 : memref<!tpu.dma_semaphore, #tpu.memory_space<semaphore_mem>>)
      %dma_wait3A_99 = arith.constant 0 : i32
      %dma_wait3A_100 = tpu.memref_slice %arg6[%arg0, %add3A_63, %dma_wait3A_99] : memref<2x10000x64xf32, #tpu.memory_space<hbm>> -> memref<1x156x64xf32, #tpu.memory_space<hbm>>
      %dma_wait3A_101 = tpu.memref_squeeze %dma_wait3A_100 : memref<1x156x64xf32, #tpu.memory_space<hbm>> -> memref<156x64xf32, #tpu.memory_space<hbm>>
      %dma_wait3A_102 = arith.constant 0 : i32
      %dma_wait3A_103 = tpu.memref_slice %arg6[%arg0, %add3A_63, %dma_wait3A_102] : memref<2x10000x64xf32, #tpu.memory_space<hbm>> -> memref<1x156x64xf32, #tpu.memory_space<hbm>>
      %dma_wait3A_104 = tpu.memref_squeeze %dma_wait3A_103 : memref<1x156x64xf32, #tpu.memory_space<hbm>> -> memref<156x64xf32, #tpu.memory_space<hbm>>
      tpu.wait_dma2 semaphore(%run_scoped3A_93 : memref<!tpu.dma_semaphore, #tpu.memory_space<semaphore_mem>>) src(%arg13 : memref<156x64xf32, #tpu.memory_space<vmem>>) dst(%dma_wait3A_104 : memref<156x64xf32, #tpu.memory_space<hbm>>)
      tpu.yield
    }) : () -> ()
    %mul3A_64 = arith.constant 624 : i32
    %mul3A_65 = arith.muli %arg1, %mul3A_64 : i32
    %add3A_66 = arith.constant 156 : i32
    %add3A_67 = arith.addi %mul3A_65, %add3A_66 : i32
    "tpu.region"() ({
      %run_scoped3A_93 = tpu.sem_alloc : memref<!tpu.dma_semaphore, #tpu.memory_space<semaphore_mem>>
      %dma_start3A = arith.constant 0 : i32
      %dma_start3A_94 = tpu.memref_slice %arg14[%add3A_67, %dma_start3A] : memref<10000x64xf32, #tpu.memory_space<vmem_shared>> -> memref<156x64xf32, #tpu.memory_space<vmem_shared>>
      %dma_start3A_95 = arith.constant 0 : i32
      %dma_start3A_96 = tpu.memref_slice %arg14[%add3A_67, %dma_start3A_95] : memref<10000x64xf32, #tpu.memory_space<vmem_shared>> -> memref<156x64xf32, #tpu.memory_space<vmem_shared>>
      tpu.enqueue_dma source(%dma_start3A_96 : memref<156x64xf32, #tpu.memory_space<vmem_shared>>) target(%arg13 : memref<156x64xf32, #tpu.memory_space<vmem>>) target_semaphore(%run_scoped3A_93 : memref<!tpu.dma_semaphore, #tpu.memory_space<semaphore_mem>>)
      %dma_wait3A_97 = arith.constant 0 : i32
      %dma_wait3A_98 = tpu.memref_slice %arg14[%add3A_67, %dma_wait3A_97] : memref<10000x64xf32, #tpu.memory_space<vmem_shared>> -> memref<156x64xf32, #tpu.memory_space<vmem_shared>>
      %dma_wait3A_99 = arith.constant 0 : i32
      %dma_wait3A_100 = tpu.memref_slice %arg14[%add3A_67, %dma_wait3A_99] : memref<10000x64xf32, #tpu.memory_space<vmem_shared>> -> memref<156x64xf32, #tpu.memory_space<vmem_shared>>
      tpu.wait_dma2 semaphore(%run_scoped3A_93 : memref<!tpu.dma_semaphore, #tpu.memory_space<semaphore_mem>>) src(%dma_wait3A_100 : memref<156x64xf32, #tpu.memory_space<vmem_shared>>) dst(%arg13 : memref<156x64xf32, #tpu.memory_space<vmem>>)
      tpu.yield
    }) : () -> ()
    %mul3A_68 = arith.constant 624 : i32
    %mul3A_69 = arith.muli %arg1, %mul3A_68 : i32
    %add3A_70 = arith.constant 156 : i32
    %add3A_71 = arith.addi %mul3A_69, %add3A_70 : i32
    "tpu.region"() ({
      %run_scoped3A_93 = tpu.sem_alloc : memref<!tpu.dma_semaphore, #tpu.memory_space<semaphore_mem>>
      %dma_start3A = arith.constant 0 : i32
      %dma_start3A_94 = tpu.memref_slice %arg6[%arg0, %add3A_71, %dma_start3A] : memref<2x10000x64xf32, #tpu.memory_space<hbm>> -> memref<1x156x64xf32, #tpu.memory_space<hbm>>
      %dma_start3A_95 = tpu.memref_squeeze %dma_start3A_94 : memref<1x156x64xf32, #tpu.memory_space<hbm>> -> memref<156x64xf32, #tpu.memory_space<hbm>>
      %dma_start3A_96 = arith.constant 0 : i32
      %dma_start3A_97 = tpu.memref_slice %arg6[%arg0, %add3A_71, %dma_start3A_96] : memref<2x10000x64xf32, #tpu.memory_space<hbm>> -> memref<1x156x64xf32, #tpu.memory_space<hbm>>
      %dma_start3A_98 = tpu.memref_squeeze %dma_start3A_97 : memref<1x156x64xf32, #tpu.memory_space<hbm>> -> memref<156x64xf32, #tpu.memory_space<hbm>>
      tpu.enqueue_dma source(%arg13 : memref<156x64xf32, #tpu.memory_space<vmem>>) target(%dma_start3A_98 : memref<156x64xf32, #tpu.memory_space<hbm>>) target_semaphore(%run_scoped3A_93 : memref<!tpu.dma_semaphore, #tpu.memory_space<semaphore_mem>>)
      %dma_wait3A_99 = arith.constant 0 : i32
      %dma_wait3A_100 = tpu.memref_slice %arg6[%arg0, %add3A_71, %dma_wait3A_99] : memref<2x10000x64xf32, #tpu.memory_space<hbm>> -> memref<1x156x64xf32, #tpu.memory_space<hbm>>
      %dma_wait3A_101 = tpu.memref_squeeze %dma_wait3A_100 : memref<1x156x64xf32, #tpu.memory_space<hbm>> -> memref<156x64xf32, #tpu.memory_space<hbm>>
      %dma_wait3A_102 = arith.constant 0 : i32
      %dma_wait3A_103 = tpu.memref_slice %arg6[%arg0, %add3A_71, %dma_wait3A_102] : memref<2x10000x64xf32, #tpu.memory_space<hbm>> -> memref<1x156x64xf32, #tpu.memory_space<hbm>>
      %dma_wait3A_104 = tpu.memref_squeeze %dma_wait3A_103 : memref<1x156x64xf32, #tpu.memory_space<hbm>> -> memref<156x64xf32, #tpu.memory_space<hbm>>
      tpu.wait_dma2 semaphore(%run_scoped3A_93 : memref<!tpu.dma_semaphore, #tpu.memory_space<semaphore_mem>>) src(%arg13 : memref<156x64xf32, #tpu.memory_space<vmem>>) dst(%dma_wait3A_104 : memref<156x64xf32, #tpu.memory_space<hbm>>)
      tpu.yield
    }) : () -> ()
    %mul3A_72 = arith.constant 624 : i32
    %mul3A_73 = arith.muli %arg1, %mul3A_72 : i32
    %add3A_74 = arith.constant 312 : i32
    %add3A_75 = arith.addi %mul3A_73, %add3A_74 : i32
    "tpu.region"() ({
      %run_scoped3A_93 = tpu.sem_alloc : memref<!tpu.dma_semaphore, #tpu.memory_space<semaphore_mem>>
      %dma_start3A = arith.constant 0 : i32
      %dma_start3A_94 = tpu.memref_slice %arg14[%add3A_75, %dma_start3A] : memref<10000x64xf32, #tpu.memory_space<vmem_shared>> -> memref<156x64xf32, #tpu.memory_space<vmem_shared>>
      %dma_start3A_95 = arith.constant 0 : i32
      %dma_start3A_96 = tpu.memref_slice %arg14[%add3A_75, %dma_start3A_95] : memref<10000x64xf32, #tpu.memory_space<vmem_shared>> -> memref<156x64xf32, #tpu.memory_space<vmem_shared>>
      tpu.enqueue_dma source(%dma_start3A_96 : memref<156x64xf32, #tpu.memory_space<vmem_shared>>) target(%arg13 : memref<156x64xf32, #tpu.memory_space<vmem>>) target_semaphore(%run_scoped3A_93 : memref<!tpu.dma_semaphore, #tpu.memory_space<semaphore_mem>>)
      %dma_wait3A_97 = arith.constant 0 : i32
      %dma_wait3A_98 = tpu.memref_slice %arg14[%add3A_75, %dma_wait3A_97] : memref<10000x64xf32, #tpu.memory_space<vmem_shared>> -> memref<156x64xf32, #tpu.memory_space<vmem_shared>>
      %dma_wait3A_99 = arith.constant 0 : i32
      %dma_wait3A_100 = tpu.memref_slice %arg14[%add3A_75, %dma_wait3A_99] : memref<10000x64xf32, #tpu.memory_space<vmem_shared>> -> memref<156x64xf32, #tpu.memory_space<vmem_shared>>
      tpu.wait_dma2 semaphore(%run_scoped3A_93 : memref<!tpu.dma_semaphore, #tpu.memory_space<semaphore_mem>>) src(%dma_wait3A_100 : memref<156x64xf32, #tpu.memory_space<vmem_shared>>) dst(%arg13 : memref<156x64xf32, #tpu.memory_space<vmem>>)
      tpu.yield
    }) : () -> ()
    %mul3A_76 = arith.constant 624 : i32
    %mul3A_77 = arith.muli %arg1, %mul3A_76 : i32
    %add3A_78 = arith.constant 312 : i32
    %add3A_79 = arith.addi %mul3A_77, %add3A_78 : i32
    "tpu.region"() ({
      %run_scoped3A_93 = tpu.sem_alloc : memref<!tpu.dma_semaphore, #tpu.memory_space<semaphore_mem>>
      %dma_start3A = arith.constant 0 : i32
      %dma_start3A_94 = tpu.memref_slice %arg6[%arg0, %add3A_79, %dma_start3A] : memref<2x10000x64xf32, #tpu.memory_space<hbm>> -> memref<1x156x64xf32, #tpu.memory_space<hbm>>
      %dma_start3A_95 = tpu.memref_squeeze %dma_start3A_94 : memref<1x156x64xf32, #tpu.memory_space<hbm>> -> memref<156x64xf32, #tpu.memory_space<hbm>>
      %dma_start3A_96 = arith.constant 0 : i32
      %dma_start3A_97 = tpu.memref_slice %arg6[%arg0, %add3A_79, %dma_start3A_96] : memref<2x10000x64xf32, #tpu.memory_space<hbm>> -> memref<1x156x64xf32, #tpu.memory_space<hbm>>
      %dma_start3A_98 = tpu.memref_squeeze %dma_start3A_97 : memref<1x156x64xf32, #tpu.memory_space<hbm>> -> memref<156x64xf32, #tpu.memory_space<hbm>>
      tpu.enqueue_dma source(%arg13 : memref<156x64xf32, #tpu.memory_space<vmem>>) target(%dma_start3A_98 : memref<156x64xf32, #tpu.memory_space<hbm>>) target_semaphore(%run_scoped3A_93 : memref<!tpu.dma_semaphore, #tpu.memory_space<semaphore_mem>>)
      %dma_wait3A_99 = arith.constant 0 : i32
      %dma_wait3A_100 = tpu.memref_slice %arg6[%arg0, %add3A_79, %dma_wait3A_99] : memref<2x10000x64xf32, #tpu.memory_space<hbm>> -> memref<1x156x64xf32, #tpu.memory_space<hbm>>
      %dma_wait3A_101 = tpu.memref_squeeze %dma_wait3A_100 : memref<1x156x64xf32, #tpu.memory_space<hbm>> -> memref<156x64xf32, #tpu.memory_space<hbm>>
      %dma_wait3A_102 = arith.constant 0 : i32
      %dma_wait3A_103 = tpu.memref_slice %arg6[%arg0, %add3A_79, %dma_wait3A_102] : memref<2x10000x64xf32, #tpu.memory_space<hbm>> -> memref<1x156x64xf32, #tpu.memory_space<hbm>>
      %dma_wait3A_104 = tpu.memref_squeeze %dma_wait3A_103 : memref<1x156x64xf32, #tpu.memory_space<hbm>> -> memref<156x64xf32, #tpu.memory_space<hbm>>
      tpu.wait_dma2 semaphore(%run_scoped3A_93 : memref<!tpu.dma_semaphore, #tpu.memory_space<semaphore_mem>>) src(%arg13 : memref<156x64xf32, #tpu.memory_space<vmem>>) dst(%dma_wait3A_104 : memref<156x64xf32, #tpu.memory_space<hbm>>)
      tpu.yield
    }) : () -> ()
    %mul3A_80 = arith.constant 624 : i32
    %mul3A_81 = arith.muli %arg1, %mul3A_80 : i32
    %add3A_82 = arith.constant 468 : i32
    %add3A_83 = arith.addi %mul3A_81, %add3A_82 : i32
    "tpu.region"() ({
      %run_scoped3A_93 = tpu.sem_alloc : memref<!tpu.dma_semaphore, #tpu.memory_space<semaphore_mem>>
      %dma_start3A = arith.constant 0 : i32
      %dma_start3A_94 = tpu.memref_slice %arg14[%add3A_83, %dma_start3A] : memref<10000x64xf32, #tpu.memory_space<vmem_shared>> -> memref<156x64xf32, #tpu.memory_space<vmem_shared>>
      %dma_start3A_95 = arith.constant 0 : i32
      %dma_start3A_96 = tpu.memref_slice %arg14[%add3A_83, %dma_start3A_95] : memref<10000x64xf32, #tpu.memory_space<vmem_shared>> -> memref<156x64xf32, #tpu.memory_space<vmem_shared>>
      tpu.enqueue_dma source(%dma_start3A_96 : memref<156x64xf32, #tpu.memory_space<vmem_shared>>) target(%arg13 : memref<156x64xf32, #tpu.memory_space<vmem>>) target_semaphore(%run_scoped3A_93 : memref<!tpu.dma_semaphore, #tpu.memory_space<semaphore_mem>>)
      %dma_wait3A_97 = arith.constant 0 : i32
      %dma_wait3A_98 = tpu.memref_slice %arg14[%add3A_83, %dma_wait3A_97] : memref<10000x64xf32, #tpu.memory_space<vmem_shared>> -> memref<156x64xf32, #tpu.memory_space<vmem_shared>>
      %dma_wait3A_99 = arith.constant 0 : i32
      %dma_wait3A_100 = tpu.memref_slice %arg14[%add3A_83, %dma_wait3A_99] : memref<10000x64xf32, #tpu.memory_space<vmem_shared>> -> memref<156x64xf32, #tpu.memory_space<vmem_shared>>
      tpu.wait_dma2 semaphore(%run_scoped3A_93 : memref<!tpu.dma_semaphore, #tpu.memory_space<semaphore_mem>>) src(%dma_wait3A_100 : memref<156x64xf32, #tpu.memory_space<vmem_shared>>) dst(%arg13 : memref<156x64xf32, #tpu.memory_space<vmem>>)
      tpu.yield
    }) : () -> ()
    %mul3A_84 = arith.constant 624 : i32
    %mul3A_85 = arith.muli %arg1, %mul3A_84 : i32
    %add3A_86 = arith.constant 468 : i32
    %add3A_87 = arith.addi %mul3A_85, %add3A_86 : i32
    "tpu.region"() ({
      %run_scoped3A_93 = tpu.sem_alloc : memref<!tpu.dma_semaphore, #tpu.memory_space<semaphore_mem>>
      %dma_start3A = arith.constant 0 : i32
      %dma_start3A_94 = tpu.memref_slice %arg6[%arg0, %add3A_87, %dma_start3A] : memref<2x10000x64xf32, #tpu.memory_space<hbm>> -> memref<1x156x64xf32, #tpu.memory_space<hbm>>
      %dma_start3A_95 = tpu.memref_squeeze %dma_start3A_94 : memref<1x156x64xf32, #tpu.memory_space<hbm>> -> memref<156x64xf32, #tpu.memory_space<hbm>>
      %dma_start3A_96 = arith.constant 0 : i32
      %dma_start3A_97 = tpu.memref_slice %arg6[%arg0, %add3A_87, %dma_start3A_96] : memref<2x10000x64xf32, #tpu.memory_space<hbm>> -> memref<1x156x64xf32, #tpu.memory_space<hbm>>
      %dma_start3A_98 = tpu.memref_squeeze %dma_start3A_97 : memref<1x156x64xf32, #tpu.memory_space<hbm>> -> memref<156x64xf32, #tpu.memory_space<hbm>>
      tpu.enqueue_dma source(%arg13 : memref<156x64xf32, #tpu.memory_space<vmem>>) target(%dma_start3A_98 : memref<156x64xf32, #tpu.memory_space<hbm>>) target_semaphore(%run_scoped3A_93 : memref<!tpu.dma_semaphore, #tpu.memory_space<semaphore_mem>>)
      %dma_wait3A_99 = arith.constant 0 : i32
      %dma_wait3A_100 = tpu.memref_slice %arg6[%arg0, %add3A_87, %dma_wait3A_99] : memref<2x10000x64xf32, #tpu.memory_space<hbm>> -> memref<1x156x64xf32, #tpu.memory_space<hbm>>
      %dma_wait3A_101 = tpu.memref_squeeze %dma_wait3A_100 : memref<1x156x64xf32, #tpu.memory_space<hbm>> -> memref<156x64xf32, #tpu.memory_space<hbm>>
      %dma_wait3A_102 = arith.constant 0 : i32
      %dma_wait3A_103 = tpu.memref_slice %arg6[%arg0, %add3A_87, %dma_wait3A_102] : memref<2x10000x64xf32, #tpu.memory_space<hbm>> -> memref<1x156x64xf32, #tpu.memory_space<hbm>>
      %dma_wait3A_104 = tpu.memref_squeeze %dma_wait3A_103 : memref<1x156x64xf32, #tpu.memory_space<hbm>> -> memref<156x64xf32, #tpu.memory_space<hbm>>
      tpu.wait_dma2 semaphore(%run_scoped3A_93 : memref<!tpu.dma_semaphore, #tpu.memory_space<semaphore_mem>>) src(%arg13 : memref<156x64xf32, #tpu.memory_space<vmem>>) dst(%dma_wait3A_104 : memref<156x64xf32, #tpu.memory_space<hbm>>)
      tpu.yield
    }) : () -> ()
    %eq3A_88 = arith.constant 0 : i32
    %eq3A_89 = arith.cmpi eq, %arg1, %eq3A_88 : i32
    %convert_element_type3A_90 = arith.extui %eq3A_89 : i1 to i32
    %cond3A_91 = arith.constant 0 : i32
    %cond3A_92 = arith.cmpi ne, %convert_element_type3A_90, %cond3A_91 : i32
    scf.if %cond3A_92 {
      "tpu.region"() ({
        %run_scoped3A_93 = tpu.sem_alloc : memref<!tpu.dma_semaphore, #tpu.memory_space<semaphore_mem>>
        %dma_start3A = arith.constant 0 : i32
        %dma_start3A_94 = arith.constant 0 : i32
        %dma_start3A_95 = tpu.memref_slice %arg13[%dma_start3A, %dma_start3A_94] : memref<156x64xf32, #tpu.memory_space<vmem>> -> memref<16x64xf32, #tpu.memory_space<vmem>>
        %dma_start3A_96 = arith.constant 9984 : i32
        %dma_start3A_97 = arith.constant 0 : i32
        %dma_start3A_98 = tpu.memref_slice %arg14[%dma_start3A_96, %dma_start3A_97] : memref<10000x64xf32, #tpu.memory_space<vmem_shared>> -> memref<16x64xf32, #tpu.memory_space<vmem_shared>>
        %dma_start3A_99 = arith.constant 0 : i32
        %dma_start3A_100 = arith.constant 0 : i32
        %dma_start3A_101 = tpu.memref_slice %arg13[%dma_start3A_99, %dma_start3A_100] : memref<156x64xf32, #tpu.memory_space<vmem>> -> memref<16x64xf32, #tpu.memory_space<vmem>>
        %dma_start3A_102 = arith.constant 9984 : i32
        %dma_start3A_103 = arith.constant 0 : i32
        %dma_start3A_104 = tpu.memref_slice %arg14[%dma_start3A_102, %dma_start3A_103] : memref<10000x64xf32, #tpu.memory_space<vmem_shared>> -> memref<16x64xf32, #tpu.memory_space<vmem_shared>>
        tpu.enqueue_dma source(%dma_start3A_104 : memref<16x64xf32, #tpu.memory_space<vmem_shared>>) target(%dma_start3A_101 : memref<16x64xf32, #tpu.memory_space<vmem>>) target_semaphore(%run_scoped3A_93 : memref<!tpu.dma_semaphore, #tpu.memory_space<semaphore_mem>>)
        %dma_wait3A_105 = arith.constant 0 : i32
        %dma_wait3A_106 = arith.constant 0 : i32
        %dma_wait3A_107 = tpu.memref_slice %arg13[%dma_wait3A_105, %dma_wait3A_106] : memref<156x64xf32, #tpu.memory_space<vmem>> -> memref<16x64xf32, #tpu.memory_space<vmem>>
        %dma_wait3A_108 = arith.constant 9984 : i32
        %dma_wait3A_109 = arith.constant 0 : i32
        %dma_wait3A_110 = tpu.memref_slice %arg14[%dma_wait3A_108, %dma_wait3A_109] : memref<10000x64xf32, #tpu.memory_space<vmem_shared>> -> memref<16x64xf32, #tpu.memory_space<vmem_shared>>
        %dma_wait3A_111 = arith.constant 0 : i32
        %dma_wait3A_112 = arith.constant 0 : i32
        %dma_wait3A_113 = tpu.memref_slice %arg13[%dma_wait3A_111, %dma_wait3A_112] : memref<156x64xf32, #tpu.memory_space<vmem>> -> memref<16x64xf32, #tpu.memory_space<vmem>>
        %dma_wait3A_114 = arith.constant 9984 : i32
        %dma_wait3A_115 = arith.constant 0 : i32
        %dma_wait3A_116 = tpu.memref_slice %arg14[%dma_wait3A_114, %dma_wait3A_115] : memref<10000x64xf32, #tpu.memory_space<vmem_shared>> -> memref<16x64xf32, #tpu.memory_space<vmem_shared>>
        tpu.wait_dma2 semaphore(%run_scoped3A_93 : memref<!tpu.dma_semaphore, #tpu.memory_space<semaphore_mem>>) src(%dma_wait3A_116 : memref<16x64xf32, #tpu.memory_space<vmem_shared>>) dst(%dma_wait3A_113 : memref<16x64xf32, #tpu.memory_space<vmem>>)
        tpu.yield
      }) : () -> ()
      "tpu.region"() ({
        %run_scoped3A_93 = tpu.sem_alloc : memref<!tpu.dma_semaphore, #tpu.memory_space<semaphore_mem>>
        %dma_start3A = arith.constant 0 : i32
        %dma_start3A_94 = arith.constant 0 : i32
        %dma_start3A_95 = tpu.memref_slice %arg13[%dma_start3A, %dma_start3A_94] : memref<156x64xf32, #tpu.memory_space<vmem>> -> memref<16x64xf32, #tpu.memory_space<vmem>>
        %dma_start3A_96 = arith.constant 9984 : i32
        %dma_start3A_97 = arith.constant 0 : i32
        %dma_start3A_98 = tpu.memref_slice %arg6[%arg0, %dma_start3A_96, %dma_start3A_97] : memref<2x10000x64xf32, #tpu.memory_space<hbm>> -> memref<1x16x64xf32, #tpu.memory_space<hbm>>
        %dma_start3A_99 = tpu.memref_squeeze %dma_start3A_98 : memref<1x16x64xf32, #tpu.memory_space<hbm>> -> memref<16x64xf32, #tpu.memory_space<hbm>>
        %dma_start3A_100 = arith.constant 9984 : i32
        %dma_start3A_101 = arith.constant 0 : i32
        %dma_start3A_102 = tpu.memref_slice %arg6[%arg0, %dma_start3A_100, %dma_start3A_101] : memref<2x10000x64xf32, #tpu.memory_space<hbm>> -> memref<1x16x64xf32, #tpu.memory_space<hbm>>
        %dma_start3A_103 = tpu.memref_squeeze %dma_start3A_102 : memref<1x16x64xf32, #tpu.memory_space<hbm>> -> memref<16x64xf32, #tpu.memory_space<hbm>>
        %dma_start3A_104 = arith.constant 0 : i32
        %dma_start3A_105 = arith.constant 0 : i32
        %dma_start3A_106 = tpu.memref_slice %arg13[%dma_start3A_104, %dma_start3A_105] : memref<156x64xf32, #tpu.memory_space<vmem>> -> memref<16x64xf32, #tpu.memory_space<vmem>>
        tpu.enqueue_dma source(%dma_start3A_106 : memref<16x64xf32, #tpu.memory_space<vmem>>) target(%dma_start3A_103 : memref<16x64xf32, #tpu.memory_space<hbm>>) target_semaphore(%run_scoped3A_93 : memref<!tpu.dma_semaphore, #tpu.memory_space<semaphore_mem>>)
        %dma_wait3A_107 = arith.constant 0 : i32
        %dma_wait3A_108 = arith.constant 0 : i32
        %dma_wait3A_109 = tpu.memref_slice %arg13[%dma_wait3A_107, %dma_wait3A_108] : memref<156x64xf32, #tpu.memory_space<vmem>> -> memref<16x64xf32, #tpu.memory_space<vmem>>
        %dma_wait3A_110 = arith.constant 9984 : i32
        %dma_wait3A_111 = arith.constant 0 : i32
        %dma_wait3A_112 = tpu.memref_slice %arg6[%arg0, %dma_wait3A_110, %dma_wait3A_111] : memref<2x10000x64xf32, #tpu.memory_space<hbm>> -> memref<1x16x64xf32, #tpu.memory_space<hbm>>
        %dma_wait3A_113 = tpu.memref_squeeze %dma_wait3A_112 : memref<1x16x64xf32, #tpu.memory_space<hbm>> -> memref<16x64xf32, #tpu.memory_space<hbm>>
        %dma_wait3A_114 = arith.constant 9984 : i32
        %dma_wait3A_115 = arith.constant 0 : i32
        %dma_wait3A_116 = tpu.memref_slice %arg6[%arg0, %dma_wait3A_114, %dma_wait3A_115] : memref<2x10000x64xf32, #tpu.memory_space<hbm>> -> memref<1x16x64xf32, #tpu.memory_space<hbm>>
        %dma_wait3A_117 = tpu.memref_squeeze %dma_wait3A_116 : memref<1x16x64xf32, #tpu.memory_space<hbm>> -> memref<16x64xf32, #tpu.memory_space<hbm>>
        %dma_wait3A_118 = arith.constant 0 : i32
        %dma_wait3A_119 = arith.constant 0 : i32
        %dma_wait3A_120 = tpu.memref_slice %arg13[%dma_wait3A_118, %dma_wait3A_119] : memref<156x64xf32, #tpu.memory_space<vmem>> -> memref<16x64xf32, #tpu.memory_space<vmem>>
        tpu.wait_dma2 semaphore(%run_scoped3A_93 : memref<!tpu.dma_semaphore, #tpu.memory_space<semaphore_mem>>) src(%dma_wait3A_120 : memref<16x64xf32, #tpu.memory_space<vmem>>) dst(%dma_wait3A_117 : memref<16x64xf32, #tpu.memory_space<hbm>>)
        tpu.yield
      }) : () -> ()
    } else {
    }
    return
  }
}

module attributes {stable_mosaic.version = 14 : i64} {
  func.func @_y_body(%arg0: i32, %arg1: memref<2000x128xf32, #tpu.memory_space<vmem>>, %arg2: memref<128x128xf32, #tpu.memory_space<vmem>>, %arg3: memref<2x2000x1xf32, #tpu.memory_space<vmem>>, %arg4: memref<2000x64xf32, #tpu.memory_space<vmem>>, %arg5: memref<2000x64xf32, #tpu.memory_space<vmem>>) attributes {dimension_semantics = [#tpu.dimension_semantics<arbitrary>], iteration_bounds = array<i64: 5>, scalar_prefetch = 0 : i64, scratch_operands = 0 : i64, tpu.core_type = #tpu.core_type<tc>, window_params = [{transform_indices = @transform_0, window_bounds = array<i64: 2000, 128>}, {pipeline_mode = #tpu.pipeline_mode<synchronous>, transform_indices = @transform_1, window_bounds = array<i64: 128, 128>}, {transform_indices = @transform_2, window_bounds = array<i64: 2, 2000, 1>}, {transform_indices = @transform_3, window_bounds = array<i64: 2000, 64>}, {transform_indices = @transform_4, window_bounds = array<i64: 2000, 64>}]} {
    %get3A = arith.constant 0 : index
    %get3A_0 = arith.constant 0 : index
    %get3A_1 = arith.constant 0 : index
    %get3A_2 = vector.load %arg3[%get3A, %get3A_0, %get3A_1] : memref<2x2000x1xf32, #tpu.memory_space<vmem>>, vector<1x2000x1xf32>
    %get3A_3 = vector.shape_cast %get3A_2 : vector<1x2000x1xf32> to vector<2000x1xf32>
    %get3A_4 = arith.constant 1 : index
    %get3A_5 = arith.constant 0 : index
    %get3A_6 = arith.constant 0 : index
    %get3A_7 = vector.load %arg3[%get3A_4, %get3A_5, %get3A_6] : memref<2x2000x1xf32, #tpu.memory_space<vmem>>, vector<1x2000x1xf32>
    %get3A_8 = vector.shape_cast %get3A_7 : vector<1x2000x1xf32> to vector<2000x1xf32>
    %add3A = arith.addf %get3A_3, %get3A_8 : vector<2000x1xf32>
    %max3A = arith.constant 1.000000e+00 : f32
    %max3A_9 = vector.broadcast %max3A : f32 to vector<2000x1xf32>
    %max3A_10 = arith.maximumf %add3A, %max3A_9 : vector<2000x1xf32>
    %rsqrt3A = math.rsqrt %max3A_10 : vector<2000x1xf32>
    %get3A_11 = arith.constant 0 : index
    %get3A_12 = arith.constant 0 : index
    %get3A_13 = vector.load %arg1[%get3A_11, %get3A_12] : memref<2000x128xf32, #tpu.memory_space<vmem>>, vector<2000x128xf32>
    %get3A_14 = arith.constant 0 : index
    %get3A_15 = arith.constant 0 : index
    %get3A_16 = vector.load %arg2[%get3A_14, %get3A_15] : memref<128x128xf32, #tpu.memory_space<vmem>>, vector<128x128xf32>
    %dot_general3A = arith.constant dense<0.000000e+00> : vector<2000x128xf32>
    %dot_general3A_17 = tpu.matmul %get3A_13, %get3A_16, %dot_general3A {dimension_numbers = #tpu.dot_dimension_numbers<[1], [0], [0], [1], [0, 0, 1, 1], [], []>, transpose_lhs_hint = false} : vector<2000x128xf32>, vector<128x128xf32>, vector<2000x128xf32> -> vector<2000x128xf32>
    %mul3A = vector.broadcast %rsqrt3A : vector<2000x1xf32> to vector<2000x128xf32>
    %mul3A_18 = arith.mulf %dot_general3A_17, %mul3A : vector<2000x128xf32>
    %slice3A = vector.extract_strided_slice %mul3A_18 {offsets = [0, 0], sizes = [2000, 64], strides = [1, 1]} : vector<2000x128xf32> to vector<2000x64xf32>
    %swap3A = arith.constant 0 : index
    %swap3A_19 = arith.constant 0 : index
    %swap3A_20 = vector.load %arg4[%swap3A, %swap3A_19] : memref<2000x64xf32, #tpu.memory_space<vmem>>, vector<2000x64xf32>
    tpu.vector_store %arg4[%swap3A, %swap3A_19], %slice3A {strides = array<i32>} : memref<2000x64xf32, #tpu.memory_space<vmem>>, vector<2000x64xf32>,
    %slice3A_21 = vector.extract_strided_slice %mul3A_18 {offsets = [0, 64], sizes = [2000, 64], strides = [1, 1]} : vector<2000x128xf32> to vector<2000x64xf32>
    %swap3A_22 = arith.constant 0 : index
    %swap3A_23 = arith.constant 0 : index
    %swap3A_24 = vector.load %arg5[%swap3A_22, %swap3A_23] : memref<2000x64xf32, #tpu.memory_space<vmem>>, vector<2000x64xf32>
    tpu.vector_store %arg5[%swap3A_22, %swap3A_23], %slice3A_21 {strides = array<i32>} : memref<2000x64xf32, #tpu.memory_space<vmem>>, vector<2000x64xf32>,
    return
  }
  func.func @transform_0(%arg0: i32) -> (i32, i32) {
    %c0_i32 = arith.constant 0 : i32
    %c0_i32_0 = arith.constant 0 : i32
    return %arg0, %c0_i32 : i32, i32
  }
  func.func @transform_1(%arg0: i32) -> (i32, i32) {
    %c0_i32 = arith.constant 0 : i32
    %c0_i32_0 = arith.constant 0 : i32
    %c0_i32_1 = arith.constant 0 : i32
    return %c0_i32, %c0_i32_0 : i32, i32
  }
  func.func @transform_2(%arg0: i32) -> (i32, i32, i32) {
    %c0_i32 = arith.constant 0 : i32
    %c0_i32_0 = arith.constant 0 : i32
    %c0_i32_1 = arith.constant 0 : i32
    return %c0_i32, %arg0, %c0_i32_0 : i32, i32, i32
  }
  func.func @transform_3(%arg0: i32) -> (i32, i32) {
    %c0_i32 = arith.constant 0 : i32
    %c0_i32_0 = arith.constant 0 : i32
    return %arg0, %c0_i32 : i32, i32
  }
  func.func @transform_4(%arg0: i32) -> (i32, i32) {
    %c0_i32 = arith.constant 0 : i32
    %c0_i32_0 = arith.constant 0 : i32
    return %arg0, %c0_i32 : i32, i32
  }
}

module attributes {stable_mosaic.version = 14 : i64} {
  func.func @_out_body(%arg0: i32, %arg1: memref<2x2000x64xf32, #tpu.memory_space<vmem>>, %arg2: memref<2x2000x1xf32, #tpu.memory_space<vmem>>, %arg3: memref<2000x128xf32, #tpu.memory_space<vmem>>) attributes {dimension_semantics = [#tpu.dimension_semantics<arbitrary>], iteration_bounds = array<i64: 5>, scalar_prefetch = 0 : i64, scratch_operands = 0 : i64, tpu.core_type = #tpu.core_type<tc>, window_params = [{transform_indices = @transform_0, window_bounds = array<i64: 2, 2000, 64>}, {transform_indices = @transform_1, window_bounds = array<i64: 2, 2000, 1>}, {transform_indices = @transform_2, window_bounds = array<i64: 2000, 128>}]} {
    %get3A = arith.constant 0 : index
    %get3A_0 = arith.constant 0 : index
    %get3A_1 = arith.constant 0 : index
    %get3A_2 = vector.load %arg2[%get3A, %get3A_0, %get3A_1] : memref<2x2000x1xf32, #tpu.memory_space<vmem>>, vector<1x2000x1xf32>
    %get3A_3 = vector.shape_cast %get3A_2 : vector<1x2000x1xf32> to vector<2000x1xf32>
    %get3A_4 = arith.constant 1 : index
    %get3A_5 = arith.constant 0 : index
    %get3A_6 = arith.constant 0 : index
    %get3A_7 = vector.load %arg2[%get3A_4, %get3A_5, %get3A_6] : memref<2x2000x1xf32, #tpu.memory_space<vmem>>, vector<1x2000x1xf32>
    %get3A_8 = vector.shape_cast %get3A_7 : vector<1x2000x1xf32> to vector<2000x1xf32>
    %add3A = arith.addf %get3A_3, %get3A_8 : vector<2000x1xf32>
    %max3A = arith.constant 1.000000e+00 : f32
    %max3A_9 = vector.broadcast %max3A : f32 to vector<2000x1xf32>
    %max3A_10 = arith.maximumf %add3A, %max3A_9 : vector<2000x1xf32>
    %rsqrt3A = math.rsqrt %max3A_10 : vector<2000x1xf32>
    %get3A_11 = arith.constant 0 : index
    %get3A_12 = arith.constant 0 : index
    %get3A_13 = arith.constant 0 : index
    %get3A_14 = vector.load %arg1[%get3A_11, %get3A_12, %get3A_13] : memref<2x2000x64xf32, #tpu.memory_space<vmem>>, vector<1x2000x64xf32>
    %get3A_15 = vector.shape_cast %get3A_14 : vector<1x2000x64xf32> to vector<2000x64xf32>
    %get3A_16 = arith.constant 1 : index
    %get3A_17 = arith.constant 0 : index
    %get3A_18 = arith.constant 0 : index
    %get3A_19 = vector.load %arg1[%get3A_16, %get3A_17, %get3A_18] : memref<2x2000x64xf32, #tpu.memory_space<vmem>>, vector<1x2000x64xf32>
    %get3A_20 = vector.shape_cast %get3A_19 : vector<1x2000x64xf32> to vector<2000x64xf32>
    %concatenate3A = tpu.concatenate %get3A_15, %get3A_20 in 1 : vector<2000x64xf32>, vector<2000x64xf32> -> vector<2000x128xf32>
    %mul3A = vector.broadcast %rsqrt3A : vector<2000x1xf32> to vector<2000x128xf32>
    %mul3A_21 = arith.mulf %concatenate3A, %mul3A : vector<2000x128xf32>
    %swap3A = arith.constant 0 : index
    %swap3A_22 = arith.constant 0 : index
    %swap3A_23 = vector.load %arg3[%swap3A, %swap3A_22] : memref<2000x128xf32, #tpu.memory_space<vmem>>, vector<2000x128xf32>
    tpu.vector_store %arg3[%swap3A, %swap3A_22], %mul3A_21 {strides = array<i32>} : memref<2000x128xf32, #tpu.memory_space<vmem>>, vector<2000x128xf32>,
    return
  }
  func.func @transform_0(%arg0: i32) -> (i32, i32, i32) {
    %c0_i32 = arith.constant 0 : i32
    %c0_i32_0 = arith.constant 0 : i32
    %c0_i32_1 = arith.constant 0 : i32
    return %c0_i32, %arg0, %c0_i32_0 : i32, i32, i32
  }
  func.func @transform_1(%arg0: i32) -> (i32, i32, i32) {
    %c0_i32 = arith.constant 0 : i32
    %c0_i32_0 = arith.constant 0 : i32
    %c0_i32_1 = arith.constant 0 : i32
    return %c0_i32, %arg0, %c0_i32_0 : i32, i32, i32
  }
  func.func @transform_2(%arg0: i32) -> (i32, i32) {
    %c0_i32 = arith.constant 0 : i32
    %c0_i32_0 = arith.constant 0 : i32
    return %arg0, %c0_i32 : i32, i32
  }
}

</mosaic_0001>

<sc_bundles>
// kernel: kernel.6.cloned.1.call-start
scs
__scs_entry_jumppad:
0x0: {  	(pc) =	sbr.rel $0x88, $3  }
0x1: {  	(tag) =	ssettag $0x0;
	lr =	simm.s32 $0x1  }
0x2: {  	[smem:$0x3F9E] =	sst lr;
	_ =	strace $0xD0000000  }
0x3: {  	_ = 	snop  }
0x4: {  	_ = 	snop  }
0x5: {  	_ = 	snop  }
0x6: {  	_ = 	snop  }
0x7: {  	_ = 	snop  }
__scs_overlays_trampoline_lowered:
0x8: {  	[smem:$0x3FAD] =	sst s0  }
0x9: {  	[smem:$0x3FAE] =	sst s1  }
0xa: {  	[smem:$0x3FAF] =	sst s2  }
0xb: {  	[smem:$0x3FB0] =	sst s3  }
0xc: {  	[smem:$0x3FB1] =	sst s4  }
0xd: {  	[smem:$0x3FB2] =	sst s5  }
0xe: {  	[smem:$0x3FB3] =	sst s6  }
0xf: {  	[smem:$0x3FB4] =	sst s7  }
0x10: {  	[smem:$0x3FB5] =	sst s8  }
0x11: {  	[smem:$0x3FB6] =	sst s9;
	s0 =	simm.s32 @!p0 $0x0  }
0x12: {  	s1 =	sld [smem:$0x3F9C];
	s0 =	simm.s32 @p0 $0x1  }
0x13: {  	[smem:$0x3FB7] =	sst s0;
	s0 =	simm.s32 @!p1 $0x0  }
0x14: {  	s2 =	sld [smem:$0x3F9B];
	s0 =	simm.s32 @p1 $0x1  }
0x15: {  	[smem:$0x3FB8] =	sst s0;
	s0 =	simm.s32 @!p2 $0x0  }
0x16: {  	s3 =	sld [smem:$0x3FDB];
	s0 =	simm.s32 @p2 $0x1  }
0x17: {  	s4 =	simm.s32 $0x1BF5;
	[smem:$0x3FBA] =	sst s0  }
0x18: {  	s0 =	sld [smem:$0x3F9D];
	_ =	swait.ge [sflag:s4], $0x0  }
0x19: {  	s7 =	sld [smem:$0x3F9E]  }
0x1a: {  	s8 =	sadd.s32 $0xFFFFE003, lr  }
0x1b: {  	s9 =	sadd.s32 $0xFFFFFEF7, lr;
	s5 =	simm.s32 $0xFFFFFFFF;
	p2 =	slt.u32 s8, $0xFFFFF086  }
0x1c: {  	p1 =	slt.u32 s9, $0xF7A;
	s5 =	simm.s32 @!p2 $0x0  }
0x1d: {  	s5 =	simm.s32 @p1 $0x1;
	p0 =	seq.s32 s7, s2  }
0x1e: {  	s7 =	smul.u32 @!p0 $0xF7A, s2;
	p2 =	seq.s32 @!p0 s5, $0x0  }
0x1f: {  	s9 =	smul.u32 $0xF7A, s1;
	s8 =	simm.s32 @!p0 $0x1BF5;
	p2 =	por !p2, p0  }
0x20: {  	[sflag:s8] =	ssyncset.s32 @!p0 $0xFFFFF086;
	s6 =	sadd.s32 @!p0 s3, s7;
	s7 =	simm.s32 @!p0 $0x108  }
0x21: {  	s3 =	sadd.s32 s3, s9;
	s6 =	sadd.s32 @!p0 $0x88, s6;
	s7 =	simm.s32 @p2 $0x1082  }
0x22: {  	[simem:s7], [sflag:s8] =	dma.local @!p0 [hbm:s6], $0xF7A  }
0x23: {  	s9 =	sor.u32 $0xD0000000, s2;
	s6 =	simm.s32 $0x108;
	_ =	swait.ge @!p0 [sflag:s8], $0x0  }
0x24: {  	s3 =	sadd.s32 $0x88, s3;
	s6 =	simm.s32 @!p1 $0x1082;
	[sflag:s4] =	ssyncset.s32 $0xFFFFF086  }
0x25: {  	[simem:s6], [sflag:s4] =	dma.local [hbm:s3], $0xF7A  }
0x26: {  	[smem:$0x3F9E] =	sst s1;
	(tag) =	ssettag s2;
	_ =	strace s9  }
0x27: {  	s1 =	sld [smem:$0x3FAE]  }
0x28: {  	s2 =	sld [smem:$0x3FAF]  }
0x29: {  	s4 =	sld [smem:$0x3FB1]  }
0x2a: {  	p0 =	seq.s32 s5, $0x0;
	s5 =	sld [smem:$0x3FB2]  }
0x2b: {  	s6 =	sld [smem:$0x3FB3]  }
0x2c: {  	s7 =	sld [smem:$0x3FB4]  }
0x2d: {  	s3 =	simm.s32 $0x108;
	s8 =	sld [smem:$0x3FB5]  }
0x2e: {  	s3 =	simm.s32 @!p0 $0x1082;
	s9 =	sld [smem:$0x3FB6]  }
0x2f: {  	lr =	sadd.s32 s0, s3;
	s0 =	sld [smem:$0x3FAD]  }
0x30: {  	s3 =	sld [smem:$0x3FB0]  }
0x31: {  	[smem:$0x3FB9] =	sst s10  }
0x32: {  	s10 =	sld [smem:$0x3FB7];
	_ =	sdelay $0x3  }
0x33: {  	p0 =	seq.s32 s10, $0x1;
	s10 =	sld [smem:$0x3FB9];
	_ =	sdelay $0x3  }
0x34: {  	[smem:$0x3FB9] =	sst s10  }
0x35: {  	s10 =	sld [smem:$0x3FB8];
	_ =	sdelay $0x3  }
0x36: {  	p1 =	seq.s32 s10, $0x1;
	s10 =	sld [smem:$0x3FB9];
	_ =	sdelay $0x3  }
0x37: {  	[smem:$0x3FB9] =	sst s10  }
0x38: {  	s10 =	sld [smem:$0x3FBA]  }
0x39: {  	_ = 	snop;
	(pc) =	sbr.ind lr, $3  }
0x3a: {  	_ = 	snop  }
0x3b: {  	_ = 	snop  }
0x3c: {  	p2 =	seq.s32 s10, $0x1;
	s10 =	sld [smem:$0x3FB9]  }
0x3d: {  	_ =	shalt  }
0x3e: {  	_ =	shalt  }
0x3f: {  	_ =	shalt  }
0x40: {  	_ =	shalt  }
0x41: {  	_ =	shalt  }
0x42: {  	_ =	shalt  }
0x43: {  	_ =	shalt  }
0x44: {  	_ =	shalt  }
0x45: {  	_ =	shalt  }
0x46: {  	_ =	shalt  }
0x47: {  	_ =	shalt  }
0x48: {  	_ =	shalt  }
0x49: {  	_ =	shalt  }
0x4a: {  	_ =	shalt  }
0x4b: {  	_ =	shalt  }
0x4c: {  	_ =	shalt  }
0x4d: {  	_ =	shalt  }
0x4e: {  	_ =	shalt  }
0x4f: {  	_ =	shalt  }
0x50: {  	_ =	shalt  }
0x51: {  	_ =	shalt  }
0x52: {  	_ =	shalt  }
0x53: {  	_ =	shalt  }
0x54: {  	_ =	shalt  }
0x55: {  	_ =	shalt  }
0x56: {  	_ =	shalt  }
0x57: {  	_ =	shalt  }
0x58: {  	_ =	shalt  }
0x59: {  	_ =	shalt  }
0x5a: {  	_ =	shalt  }
0x5b: {  	_ =	shalt  }
0x5c: {  	_ =	shalt  }
0x5d: {  	_ =	shalt  }
0x5e: {  	_ =	shalt  }
0x5f: {  	_ =	shalt  }
0x60: {  	_ =	shalt  }
0x61: {  	_ =	shalt  }
0x62: {  	_ =	shalt  }
0x63: {  	_ =	shalt  }
0x64: {  	_ =	shalt  }
0x65: {  	_ =	shalt  }
0x66: {  	_ =	shalt  }
0x67: {  	_ =	shalt  }
0x68: {  	_ =	shalt  }
0x69: {  	_ =	shalt  }
0x6a: {  	_ =	shalt  }
0x6b: {  	_ =	shalt  }
0x6c: {  	_ =	shalt  }
0x6d: {  	_ =	shalt  }
0x6e: {  	_ =	shalt  }
0x6f: {  	_ =	shalt  }
0x70: {  	_ =	shalt  }
0x71: {  	_ =	shalt  }
0x72: {  	_ =	shalt  }
0x73: {  	_ =	shalt  }
0x74: {  	_ =	shalt  }
0x75: {  	_ =	shalt  }
0x76: {  	_ =	shalt  }
0x77: {  	_ =	shalt  }
0x78: {  	_ =	shalt  }
0x79: {  	_ =	shalt  }
0x7a: {  	_ =	shalt  }
0x7b: {  	_ =	shalt  }
0x7c: {  	_ =	shalt  }
0x7d: {  	_ =	shalt  }
0x7e: {  	_ =	shalt  }
0x7f: {  	_ =	shalt  }
0x80: {  	_ =	shalt  }
0x81: {  	_ =	shalt  }
0x82: {  	_ =	shalt  }
0x83: {  	_ =	shalt  }
0x84: {  	_ =	shalt  }
0x85: {  	_ =	shalt  }
0x86: {  	_ =	shalt  }
0x87: {  	_ =	shalt  }
.Lfunc_end0:
.L_simem_size_0:
called_computation_lowered:
.L_overlay_start_0:
0x88: {  	s2 =	sld [smem:$0x3FD9]  }
0x89: {  	s3 =	sld [smem:$0x3FFE];
	_ =	sdelay $0x1  }
0x8a: {  	s1 =	srdreg.scid  }
0x8b: {  	s0 =	sand.u32 $0x1, s1  }
0x8c: {  	s17 =	sshll.u32 s0, $0xA;
	s2 =	sadd.s32 s3, s2  }
0x8d: {  	s2 =	sadd.s32 s2, s17  }
0x8e: {  	[smem:$0x3FC5] =	sst s2  }
0x8f: {  	_ = 	snop  }
0x90: {  	s2 =	sld [smem:$0x3FD0];
	(tm) =	ssettm $0x1  }
0x91: {  	s18 =	sld [smem:$0x3FFB];
	_ =	sdelay $0x3  }
0x92: {  	_ =	strace s18  }
0x93: {  	s3 =	sld [smem:$0x3FFC];
	_ =	sdelay $0x3  }
0x94: {  	_ =	strace s3  }
0x95: {  	s3 =	sld [smem:$0x3FFD];
	_ =	sdelay $0x3  }
0x96: {  	_ =	strace s3  }
0x97: {  	_ =	strace $0x8FFFFFFF  }
0x98: {  	s19 =	sld [smem:$0x3FDB];
	_ =	sdelay $0x1  }
0x99: {  	s4 =	simm.s32 $_scs_section_size  }
0x9a: {  	s5 =	simm.s32 $_size__tile_overlayer_lowered;
	s6 =	simm.s32 $_tile_overlayer_lowered  }
0x9b: {  	s22 =	simm.s32 $0x1BFF;
	s21 =	sshll.u32 s6, $0x1;
	s3 =	sadd.s32 s4, s19  }
0x9c: {  	s7 =	simm.s32 $0x0;
	s20 =	sshll.u32 s5, $0x1;
	s5 =	sadd.s32 s21, s3  }
0x9d: {  	[timem:s7], [sflag:s22] =	dma.local [hbm:s5], s20  }
0x9e: {  	_ =	swait.ge [sflag:s22], s20  }
0x9f: {  	s4 =	ssub.s32 $0x0, s20;
	[sflag:s22] =	ssyncset.done $0x0  }
0xa0: {  	[sflag:s22] =	ssyncadd.s32 s4;
	_ =	sdelay $0x1  }
0xa1: {  	s23 =	simm.s32 $0x1B8B  }
0xa2: {  	_ =	swait.ge [sflag:s23], $0x1  }
0xa3: {  	[sflag:s23] =	ssyncset.done $0x0  }
0xa4: {  	s25 =	simm.s32 $0x1B8E;
	s24 =	sld [smem:$0x3FFE];
	[sflag:s23] =	ssyncadd.s32 $0xFFFFFFFF  }
0xa5: {  	s26 =	simm.s32 $execute0_lowered;
	[smem:$0x3FD2] =	sst s25  }
0xa6: {  	s5 =	sshll.u32 s26, $0x1;
	_ =	strace $0x80000046;
	[dreg:$0x1] =	wrdreg $0xFFFFFFFF  }
0xa7: {  	s28 =	simm.s32 $_size_execute0_lowered;
	s3 =	sadd.s32 s3, s5;
	[dreg:$0x0] =	wrdreg $0x0  }
0xa8: {  	s5 =	sshll.u32 s28, $0x1;
	[dreg:$0x2] =	wrdreg s3  }
0xa9: {  	[dreg:$0x3] =	wrdreg s5  }
0xaa: {  	[dreg:$0x4] =	wrdreg $0xC0  }
0xab: {  	_ =	task [dreg:s7], $0x5FFFF  }
0xac: {  	[dreg:$0x1] =	wrdreg $0xFFFFFFFF  }
0xad: {  	[dreg:$0x0] =	wrdreg $0x60  }
0xae: {  	[dreg:$0x2] =	wrdreg s24  }
0xaf: {  	[dreg:$0x3] =	wrdreg s2  }
0xb0: {  	[dreg:$0x4] =	wrdreg $0x2A700  }
0xb1: {  	[dreg:$0x5] =	wrdreg $0x9  }
0xb2: {  	_ =	task.clear_ibuf [dreg:s7], $0x6FFFF;
	_ =	strace $0x90000046  }
0xb3: {  	s29 =	simm.s32 $0x9;
	_ =	strace $0x80000048  }
0xb4: {  	_ =	swait.ge [sflag:s29], $0x1  }
0xb5: {  	[sflag:s29] =	ssyncadd.s32 $0xFFFFFFFF  }
0xb6: {  	_ =	strace $0x90000048  }
0xb7: {  	_ =	sfence  }
0xb8: {  	s30 =	sld [smem:$0x0];
	_ =	sdelay $0x2  }
0xb9: {  	s31 =	sshll.u32 s1, $0xD;
	s1 =	sshrl.u32 s1, $0x2  }
0xba: {  	s3 =	sand.u32 $0x4000, s31;
	s1 =	sadd.s32 s1, s30  }
0xbb: {  	s0 =	sor.u32 s3, s0;
	s1 =	sshll.u32 s1, $0x11  }
0xbc: {  	s0 =	sor.u32 s1, s0  }
0xbd: {  	s0 =	sadd.s32 $0x8F2B, s0  }
0xbe: {  	[sflag:s0] =	ssyncadd.remote.s32 $0x1  }
0xbf: {  	_ =	sfence.sel $0xFFFF  }
0xc0: {  	[dreg:$0x0] =	wrdreg $0xFFFFFFFF;
	(pc) =	sbr.abs _section_cstart, $3  }
0xc1: {  	[dreg:$0x1] =	wrdreg $0xFFFFFFFF  }
0xc2: {  	_ =	task.clear_ibuf [dreg:s7], $0x2FFFF;
	_ =	strace $0x9FFFFFFF  }
0xc3: {  	(tm) =	ssettm $0x7FFFFFFF  }
tec
execute0_lowered:
.L_overlay_start_1:
0x0: {  	(tag) =	ssettag $0x1  }
0x1: {  	s3 =	rddreg [dreg:$0x0]  }
0x2: {  	s7 =	rddreg [dreg:$0x1]  }
0x3: {  	s1 =	rddreg [dreg:$0x2]  }
0x4: {  	s0 =	rddreg [dreg:$0x3]  }
0x5: {  	s2 =	simm.s32 $0x0;
	s4 =	srdreg.scid;
	s15 =	stileid.u32  }
0x6: {  	s13 =	simm.s32 $0x2780;
	s14 =	simm.s32 $0x1;
	[smem:$0x7FF] =	sst s2  }
0x7: {  	s4 =	sand.u32 $0x1, s4;
	s5 =	sshll.u32 s15, $0x1;
	s9 =	smul.u32 $0x270, s15  }
0x8: {  	s11 =	sadd.s32 $0x2000, s3;
	p0 =	sne.s32 s15, $0x0;
	p1 =	sgt.u32 s15, $0x1  }
0x9: {  	s15 =	simm.s32 $0x0;
	s6 =	ssub.s32 $0x2, s4;
	s8 =	sor.u32 s4, s5  }
0xa: {  	_ =	strace $0x80000047;
	s30 =	smul.u32 $0x2710, s4;
	s4 =	sadd.s32 $0x2700, s1  }
0xb: {  	s29 =	sshrl.u32 s6, $0x1;
	s10 =	smul.u32 $0x4E0, s8;
	s3 =	sadd.s32 s9, s1  }
0xc: {  	s8 =	sshll.u32 s8, $0x4;
	s12 =	ssub.s32 s6, s29;
	s9 =	sadd.s32 s9, s30  }
0xd: {  	s6 =	sshrl.u32 s30, $0x3;
	s8 =	sadd.s32 s8, s11;
	s5 =	sadd.s32 s11, s10  }
0xe: {  	s9 =	sshrl.u32 s9, $0x3;
	s31 =	sadd.s32 s7, s6;
	s6 =	sadd.s32 $0x9C00, s8  }
0xf: {  	s10 =	simm.s32 $0x2800;
	s11 =	simm.s32 $0x2;
	s7 =	sadd.s32 s7, s9  }
0x10: {  	v0 =	vimm.f32 $0.0e+00;
	v1 =	vimm.f32 $1.000000000e+00;
	s8 =	sadd.s32 $0x4E0, s31;
	s9 =	smax.u32 s12, $0x1;
	s12 =	simm.s32 $0x80  }
.LBB2_1:
0x11: {  	[tilespmem:$0x2800] =	vst v0  }
0x12: {  	[tilespmem:$0x2810] =	vst v0  }
0x13: {  	[tilespmem:$0x2820] =	vst v0  }
0x14: {  	[tilespmem:$0x2830] =	vst v0  }
0x15: {  	[tilespmem:$0x2840] =	vst v0  }
0x16: {  	[tilespmem:$0x2850] =	vst v0  }
0x17: {  	[tilespmem:$0x2860] =	vst v0  }
0x18: {  	[tilespmem:$0x2870] =	vst v0  }
0x19: {  	[tilespmem:$0x2880] =	vst v0  }
0x1a: {  	[tilespmem:$0x2890] =	vst v0  }
0x1b: {  	[tilespmem:$0x28A0] =	vst v0  }
0x1c: {  	[tilespmem:$0x28B0] =	vst v0  }
0x1d: {  	[tilespmem:$0x28C0] =	vst v0  }
0x1e: {  	[tilespmem:$0x28D0] =	vst v0  }
0x1f: {  	[tilespmem:$0x28E0] =	vst v0  }
0x20: {  	[tilespmem:$0x28F0] =	vst v0  }
0x21: {  	[tilespmem:$0x2900] =	vst v0  }
0x22: {  	[tilespmem:$0x2910] =	vst v0  }
0x23: {  	[tilespmem:$0x2920] =	vst v0  }
0x24: {  	[tilespmem:$0x2930] =	vst v0  }
0x25: {  	[tilespmem:$0x2940] =	vst v0  }
0x26: {  	[tilespmem:$0x2950] =	vst v0  }
0x27: {  	[tilespmem:$0x2960] =	vst v0  }
0x28: {  	[tilespmem:$0x2970] =	vst v0  }
0x29: {  	[tilespmem:$0x2980] =	vst v0  }
0x2a: {  	[tilespmem:$0x2990] =	vst v0  }
0x2b: {  	[tilespmem:$0x29A0] =	vst v0  }
0x2c: {  	[tilespmem:$0x29B0] =	vst v0  }
0x2d: {  	[tilespmem:$0x29C0] =	vst v0  }
0x2e: {  	[tilespmem:$0x29D0] =	vst v0  }
0x2f: {  	[tilespmem:$0x29E0] =	vst v0  }
0x30: {  	[tilespmem:$0x29F0] =	vst v0  }
0x31: {  	[tilespmem:$0x2A00] =	vst v0  }
0x32: {  	[tilespmem:$0x2A10] =	vst v0  }
0x33: {  	[tilespmem:$0x2A20] =	vst v0  }
0x34: {  	[tilespmem:$0x2A30] =	vst v0  }
0x35: {  	[tilespmem:$0x2A40] =	vst v0  }
0x36: {  	[tilespmem:$0x2A50] =	vst v0  }
0x37: {  	[tilespmem:$0x2A60] =	vst v0  }
0x38: {  	[spmem:s3] =	stream.linear.scatter [tilespmem:s10], [sflag:$0x2], $0x270, $0x38;
	[tilespmem:$0x2CE8] =	vst v63  }
0x39: {  	_ =	swait.ge [sflag:s11], $0x270  }
0x3a: {  	[sflag:s11] =	ssyncset.done $0x0  }
0x3b: {  	s16 =	simm.s32 @!p0 $0x2800;
	[sflag:s11] =	ssyncadd.s32 $0xFFFFFD90  }
0x3c: {  	[spmem:s4] =	stream.linear.scatter @!p0 [tilespmem:s16], [sflag:$0x2], $0x10, $0x38;
	[tilespmem:$0x2CE8] =	vst v63  }
0x3d: {  	s16 =	simm.s32 @!p0 $0x2  }
0x3e: {  	_ =	swait.ge @!p0 [sflag:s16], $0x10  }
0x3f: {  	[sflag:s16] =	ssyncset.done @!p0 $0x0  }
0x40: {  	[sflag:s16] =	ssyncadd.s32 @!p0 $0xFFFFFFF0  }
0x41: {  	[tilespmem:$0x2780] =	vst v1  }
0x42: {  	[tilespmem:$0x2790] =	vst v1  }
0x43: {  	[tilespmem:$0x27A0] =	vst v1  }
0x44: {  	[tilespmem:$0x27B0] =	vst v1  }
0x45: {  	[tilespmem:$0x27C0] =	vst v1  }
0x46: {  	[tilespmem:$0x27D0] =	vst v1  }
0x47: {  	[tilespmem:$0x27E0] =	vst v1  }
0x48: {  	[tilespmem:$0x27F0] =	vst v1  }
0x49: {  	[bflag:$0x0] =	sbarrier.arrive $0xFFFF  }
0x4a: {  	[tilespmem:s2], [sflag:$0x2] =	stream.linear.gather [hbm4b:s5+s2], $0x2700, $0x38;
	[tilespmem:$0x2CE8] =	vst v63  }
0x4b: {  	_ =	swait.ge [sflag:s11], $0x2700  }
0x4c: {  	[sflag:s11] =	ssyncset.done $0x0  }
0x4d: {  	s18 =	simm.s32 $0x0;
	[sflag:s11] =	ssyncadd.s32 $0xFFFFD900  }
0x4e: {  	[spmem:s1] =	stream.indirect.scatter.add.f32 [tilespmem:s13], [sflag:$0x1], $0x1, s18, s12, $0xb8;
	[tilespmem:$0x2CE8] =	vst v63  }
0x4f: {  	s19 =	simm.s32 $0x80  }
0x50: {  	[spmem:s1] =	stream.indirect.scatter.add.f32 [tilespmem:s13], [sflag:$0x1], $0x1, s19, s12, $0xb8;
	[tilespmem:$0x2CE8] =	vst v63  }
0x51: {  	s20 =	simm.s32 $0x100  }
0x52: {  	[spmem:s1] =	stream.indirect.scatter.add.f32 [tilespmem:s13], [sflag:$0x1], $0x1, s20, s12, $0xb8;
	[tilespmem:$0x2CE8] =	vst v63  }
0x53: {  	s21 =	simm.s32 $0x180  }
0x54: {  	[spmem:s1] =	stream.indirect.scatter.add.f32 [tilespmem:s13], [sflag:$0x1], $0x1, s21, s12, $0xb8;
	[tilespmem:$0x2CE8] =	vst v63  }
0x55: {  	s22 =	simm.s32 $0x200  }
0x56: {  	[spmem:s1] =	stream.indirect.scatter.add.f32 [tilespmem:s13], [sflag:$0x1], $0x1, s22, s12, $0xb8;
	[tilespmem:$0x2CE8] =	vst v63  }
0x57: {  	s23 =	simm.s32 $0x280  }
0x58: {  	[spmem:s1] =	stream.indirect.scatter.add.f32 [tilespmem:s13], [sflag:$0x1], $0x1, s23, s12, $0xb8;
	[tilespmem:$0x2CE8] =	vst v63  }
0x59: {  	s24 =	simm.s32 $0x300  }
0x5a: {  	[spmem:s1] =	stream.indirect.scatter.add.f32 [tilespmem:s13], [sflag:$0x1], $0x1, s24, s12, $0xb8;
	[tilespmem:$0x2CE8] =	vst v63  }
0x5b: {  	s25 =	simm.s32 $0x380  }
0x5c: {  	[spmem:s1] =	stream.indirect.scatter.add.f32 [tilespmem:s13], [sflag:$0x1], $0x1, s25, s12, $0xb8;
	[tilespmem:$0x2CE8] =	vst v63  }
0x5d: {  	s26 =	simm.s32 $0x400  }
0x5e: {  	[spmem:s1] =	stream.indirect.scatter.add.f32 [tilespmem:s13], [sflag:$0x1], $0x1, s26, s12, $0xb8;
	[tilespmem:$0x2CE8] =	vst v63  }
0x5f: {  	s28 =	simm.s32 $0x480  }
0x60: {  	[spmem:s1] =	stream.indirect.scatter.add.f32 [tilespmem:s13], [sflag:$0x1], $0x1, s28, s12, $0xb8;
	[tilespmem:$0x2CE8] =	vst v63  }
0x61: {  	s29 =	simm.s32 $0x500  }
0x62: {  	[spmem:s1] =	stream.indirect.scatter.add.f32 [tilespmem:s13], [sflag:$0x1], $0x1, s29, s12, $0xb8;
	[tilespmem:$0x2CE8] =	vst v63  }
0x63: {  	s30 =	simm.s32 $0x580  }
0x64: {  	[spmem:s1] =	stream.indirect.scatter.add.f32 [tilespmem:s13], [sflag:$0x1], $0x1, s30, s12, $0xb8;
	[tilespmem:$0x2CE8] =	vst v63  }
0x65: {  	s31 =	simm.s32 $0x600  }
0x66: {  	[spmem:s1] =	stream.indirect.scatter.add.f32 [tilespmem:s13], [sflag:$0x1], $0x1, s31, s12, $0xb8;
	[tilespmem:$0x2CE8] =	vst v63  }
0x67: {  	_ =	swait.ge [sflag:s14], $0x80  }
0x68: {  	[sflag:s14] =	ssyncset.done $0x0  }
0x69: {  	[sflag:s14] =	ssyncadd.s32 $0xFFFFFF80  }
0x6a: {  	_ =	swait.ge [sflag:s14], $0x80  }
0x6b: {  	[sflag:s14] =	ssyncset.done $0x0  }
0x6c: {  	[sflag:s14] =	ssyncadd.s32 $0xFFFFFF80  }
0x6d: {  	_ =	swait.ge [sflag:s14], $0x80  }
0x6e: {  	[sflag:s14] =	ssyncset.done $0x0  }
0x6f: {  	[sflag:s14] =	ssyncadd.s32 $0xFFFFFF80  }
0x70: {  	_ =	swait.ge [sflag:s14], $0x80  }
0x71: {  	[sflag:s14] =	ssyncset.done $0x0  }
0x72: {  	[sflag:s14] =	ssyncadd.s32 $0xFFFFFF80  }
0x73: {  	_ =	swait.ge [sflag:s14], $0x80  }
0x74: {  	[sflag:s14] =	ssyncset.done $0x0  }
0x75: {  	[sflag:s14] =	ssyncadd.s32 $0xFFFFFF80  }
0x76: {  	_ =	swait.ge [sflag:s14], $0x80  }
0x77: {  	[sflag:s14] =	ssyncset.done $0x0  }
0x78: {  	[sflag:s14] =	ssyncadd.s32 $0xFFFFFF80  }
0x79: {  	_ =	swait.ge [sflag:s14], $0x80  }
0x7a: {  	[sflag:s14] =	ssyncset.done $0x0  }
0x7b: {  	[sflag:s14] =	ssyncadd.s32 $0xFFFFFF80  }
0x7c: {  	_ =	swait.ge [sflag:s14], $0x80  }
0x7d: {  	[sflag:s14] =	ssyncset.done $0x0  }
0x7e: {  	[sflag:s14] =	ssyncadd.s32 $0xFFFFFF80  }
0x7f: {  	_ =	swait.ge [sflag:s14], $0x80  }
0x80: {  	[sflag:s14] =	ssyncset.done $0x0  }
0x81: {  	[sflag:s14] =	ssyncadd.s32 $0xFFFFFF80  }
0x82: {  	_ =	swait.ge [sflag:s14], $0x80  }
0x83: {  	[sflag:s14] =	ssyncset.done $0x0  }
0x84: {  	[sflag:s14] =	ssyncadd.s32 $0xFFFFFF80  }
0x85: {  	_ =	swait.ge [sflag:s14], $0x80  }
0x86: {  	[sflag:s14] =	ssyncset.done $0x0  }
0x87: {  	[sflag:s14] =	ssyncadd.s32 $0xFFFFFF80  }
0x88: {  	_ =	swait.ge [sflag:s14], $0x80  }
0x89: {  	[sflag:s14] =	ssyncset.done $0x0  }
0x8a: {  	[sflag:s14] =	ssyncadd.s32 $0xFFFFFF80  }
0x8b: {  	_ =	swait.ge [sflag:s14], $0x80  }
0x8c: {  	s16 =	simm.s32 $0x1A00;
	s18 =	simm.s32 $0x3400;
	[sflag:s14] =	ssyncset.done $0x0  }
.LBB2_2:
0x8d: {  	s19 =	sshra.s32 s16, $0x2  }
0x8e: {  	[sflag:s14] =	ssyncadd.s32 $0xFFFFFF80;
	s16 =	smov.u32 s18;
	s17 =	sadd.s32 $0x1A00, s18  }
0x8f: {  	[spmem:s1] =	stream.indirect.scatter.add.f32 [tilespmem:s13], [sflag:$0x1], $0x1, s19, s12, $0xb8;
	[tilespmem:$0x2CE8] =	vst v63  }
0x90: {  	p2 =	sne.s32 s18, $0x8200;
	s18 =	sadd.s32 $0x80, s19  }
0x91: {  	[spmem:s1] =	stream.indirect.scatter.add.f32 [tilespmem:s13], [sflag:$0x1], $0x1, s18, s12, $0xb8;
	[tilespmem:$0x2CE8] =	vst v63  }
0x92: {  	s18 =	sadd.s32 $0x100, s19  }
0x93: {  	[spmem:s1] =	stream.indirect.scatter.add.f32 [tilespmem:s13], [sflag:$0x1], $0x1, s18, s12, $0xb8;
	[tilespmem:$0x2CE8] =	vst v63  }
0x94: {  	s18 =	sadd.s32 $0x180, s19  }
0x95: {  	[spmem:s1] =	stream.indirect.scatter.add.f32 [tilespmem:s13], [sflag:$0x1], $0x1, s18, s12, $0xb8;
	[tilespmem:$0x2CE8] =	vst v63  }
0x96: {  	s18 =	sadd.s32 $0x200, s19  }
0x97: {  	[spmem:s1] =	stream.indirect.scatter.add.f32 [tilespmem:s13], [sflag:$0x1], $0x1, s18, s12, $0xb8;
	[tilespmem:$0x2CE8] =	vst v63  }
0x98: {  	s18 =	sadd.s32 $0x280, s19  }
0x99: {  	[spmem:s1] =	stream.indirect.scatter.add.f32 [tilespmem:s13], [sflag:$0x1], $0x1, s18, s12, $0xb8;
	[tilespmem:$0x2CE8] =	vst v63  }
0x9a: {  	s18 =	sadd.s32 $0x300, s19  }
0x9b: {  	[spmem:s1] =	stream.indirect.scatter.add.f32 [tilespmem:s13], [sflag:$0x1], $0x1, s18, s12, $0xb8;
	[tilespmem:$0x2CE8] =	vst v63  }
0x9c: {  	s18 =	sadd.s32 $0x380, s19  }
0x9d: {  	[spmem:s1] =	stream.indirect.scatter.add.f32 [tilespmem:s13], [sflag:$0x1], $0x1, s18, s12, $0xb8;
	[tilespmem:$0x2CE8] =	vst v63  }
0x9e: {  	s18 =	sadd.s32 $0x400, s19  }
0x9f: {  	[spmem:s1] =	stream.indirect.scatter.add.f32 [tilespmem:s13], [sflag:$0x1], $0x1, s18, s12, $0xb8;
	[tilespmem:$0x2CE8] =	vst v63  }
0xa0: {  	s18 =	sadd.s32 $0x480, s19  }
0xa1: {  	[spmem:s1] =	stream.indirect.scatter.add.f32 [tilespmem:s13], [sflag:$0x1], $0x1, s18, s12, $0xb8;
	[tilespmem:$0x2CE8] =	vst v63  }
0xa2: {  	s18 =	sadd.s32 $0x500, s19  }
0xa3: {  	[spmem:s1] =	stream.indirect.scatter.add.f32 [tilespmem:s13], [sflag:$0x1], $0x1, s18, s12, $0xb8;
	[tilespmem:$0x2CE8] =	vst v63  }
0xa4: {  	s18 =	sadd.s32 $0x580, s19  }
0xa5: {  	[spmem:s1] =	stream.indirect.scatter.add.f32 [tilespmem:s13], [sflag:$0x1], $0x1, s18, s12, $0xb8;
	[tilespmem:$0x2CE8] =	vst v63  }
0xa6: {  	s18 =	sadd.s32 $0x600, s19  }
0xa7: {  	[spmem:s1] =	stream.indirect.scatter.add.f32 [tilespmem:s13], [sflag:$0x1], $0x1, s18, s12, $0xb8;
	[tilespmem:$0x2CE8] =	vst v63  }
0xa8: {  	_ =	swait.ge [sflag:s14], $0x80  }
0xa9: {  	[sflag:s14] =	ssyncset.done $0x0  }
0xaa: {  	[sflag:s14] =	ssyncadd.s32 $0xFFFFFF80  }
0xab: {  	_ =	swait.ge [sflag:s14], $0x80  }
0xac: {  	[sflag:s14] =	ssyncset.done $0x0  }
0xad: {  	[sflag:s14] =	ssyncadd.s32 $0xFFFFFF80  }
0xae: {  	_ =	swait.ge [sflag:s14], $0x80  }
0xaf: {  	[sflag:s14] =	ssyncset.done $0x0  }
0xb0: {  	[sflag:s14] =	ssyncadd.s32 $0xFFFFFF80  }
0xb1: {  	_ =	swait.ge [sflag:s14], $0x80  }
0xb2: {  	[sflag:s14] =	ssyncset.done $0x0  }
0xb3: {  	[sflag:s14] =	ssyncadd.s32 $0xFFFFFF80  }
0xb4: {  	_ =	swait.ge [sflag:s14], $0x80  }
0xb5: {  	[sflag:s14] =	ssyncset.done $0x0  }
0xb6: {  	[sflag:s14] =	ssyncadd.s32 $0xFFFFFF80  }
0xb7: {  	_ =	swait.ge [sflag:s14], $0x80  }
0xb8: {  	[sflag:s14] =	ssyncset.done $0x0  }
0xb9: {  	[sflag:s14] =	ssyncadd.s32 $0xFFFFFF80  }
0xba: {  	_ =	swait.ge [sflag:s14], $0x80  }
0xbb: {  	[sflag:s14] =	ssyncset.done $0x0  }
0xbc: {  	[sflag:s14] =	ssyncadd.s32 $0xFFFFFF80  }
0xbd: {  	_ =	swait.ge [sflag:s14], $0x80  }
0xbe: {  	[sflag:s14] =	ssyncset.done $0x0  }
0xbf: {  	[sflag:s14] =	ssyncadd.s32 $0xFFFFFF80  }
0xc0: {  	_ =	swait.ge [sflag:s14], $0x80  }
0xc1: {  	[sflag:s14] =	ssyncset.done $0x0  }
0xc2: {  	[sflag:s14] =	ssyncadd.s32 $0xFFFFFF80  }
0xc3: {  	_ =	swait.ge [sflag:s14], $0x80  }
0xc4: {  	[sflag:s14] =	ssyncset.done $0x0  }
0xc5: {  	[sflag:s14] =	ssyncadd.s32 $0xFFFFFF80  }
0xc6: {  	_ =	swait.ge [sflag:s14], $0x80  }
0xc7: {  	[sflag:s14] =	ssyncset.done $0x0  }
0xc8: {  	[sflag:s14] =	ssyncadd.s32 $0xFFFFFF80  }
.Ltmp0:
0xc9: {  	_ =	swait.ge [sflag:s14], $0x80;
	(pc) =	sbr.rel @p2 .LBB2_2-.Ltmp0, $4  }
0xca: {  	[sflag:s14] =	ssyncset.done $0x0  }
0xcb: {  	[sflag:s14] =	ssyncadd.s32 $0xFFFFFF80  }
0xcc: {  	_ =	swait.ge [sflag:s14], $0x80  }
0xcd: {  	s18 =	smov.u32 s17;
	[sflag:s14] =	ssyncset.done $0x0  }
0xce: {  	s16 =	sshra.s32 s16, $0x2;
	[sflag:s14] =	ssyncadd.s32 $0xFFFFFF80  }
0xcf: {  	[spmem:s1] =	stream.indirect.scatter.add.f32 [tilespmem:s13], [sflag:$0x1], $0x1, s16, s12, $0xb8;
	[tilespmem:$0x2CE8] =	vst v63  }
0xd0: {  	s17 =	sadd.s32 $0x80, s16  }
0xd1: {  	[spmem:s1] =	stream.indirect.scatter.add.f32 [tilespmem:s13], [sflag:$0x1], $0x1, s17, s12, $0xb8;
	[tilespmem:$0x2CE8] =	vst v63  }
0xd2: {  	s21 =	sadd.s32 $0x100, s16  }
0xd3: {  	[spmem:s1] =	stream.indirect.scatter.add.f32 [tilespmem:s13], [sflag:$0x1], $0x1, s21, s12, $0xb8;
	[tilespmem:$0x2CE8] =	vst v63  }
0xd4: {  	s22 =	sadd.s32 $0x180, s16  }
0xd5: {  	[spmem:s1] =	stream.indirect.scatter.add.f32 [tilespmem:s13], [sflag:$0x1], $0x1, s22, s12, $0xb8;
	[tilespmem:$0x2CE8] =	vst v63  }
0xd6: {  	s23 =	sadd.s32 $0x200, s16  }
0xd7: {  	[spmem:s1] =	stream.indirect.scatter.add.f32 [tilespmem:s13], [sflag:$0x1], $0x1, s23, s12, $0xb8;
	[tilespmem:$0x2CE8] =	vst v63  }
0xd8: {  	s24 =	sadd.s32 $0x280, s16  }
0xd9: {  	[spmem:s1] =	stream.indirect.scatter.add.f32 [tilespmem:s13], [sflag:$0x1], $0x1, s24, s12, $0xb8;
	[tilespmem:$0x2CE8] =	vst v63  }
0xda: {  	s25 =	sadd.s32 $0x300, s16  }
0xdb: {  	[spmem:s1] =	stream.indirect.scatter.add.f32 [tilespmem:s13], [sflag:$0x1], $0x1, s25, s12, $0xb8;
	[tilespmem:$0x2CE8] =	vst v63  }
0xdc: {  	s26 =	sadd.s32 $0x380, s16  }
0xdd: {  	[spmem:s1] =	stream.indirect.scatter.add.f32 [tilespmem:s13], [sflag:$0x1], $0x1, s26, s12, $0xb8;
	[tilespmem:$0x2CE8] =	vst v63  }
0xde: {  	s28 =	sadd.s32 $0x400, s16  }
0xdf: {  	[spmem:s1] =	stream.indirect.scatter.add.f32 [tilespmem:s13], [sflag:$0x1], $0x1, s28, s12, $0xb8;
	[tilespmem:$0x2CE8] =	vst v63  }
0xe0: {  	s29 =	sadd.s32 $0x480, s16  }
0xe1: {  	[spmem:s1] =	stream.indirect.scatter.add.f32 [tilespmem:s13], [sflag:$0x1], $0x1, s29, s12, $0xb8;
	[tilespmem:$0x2CE8] =	vst v63  }
0xe2: {  	s30 =	sadd.s32 $0x500, s16  }
0xe3: {  	[spmem:s1] =	stream.indirect.scatter.add.f32 [tilespmem:s13], [sflag:$0x1], $0x1, s30, s12, $0xb8;
	[tilespmem:$0x2CE8] =	vst v63  }
0xe4: {  	s31 =	sadd.s32 $0x580, s16  }
0xe5: {  	[spmem:s1] =	stream.indirect.scatter.add.f32 [tilespmem:s13], [sflag:$0x1], $0x1, s31, s12, $0xb8;
	[tilespmem:$0x2CE8] =	vst v63  }
0xe6: {  	s16 =	sadd.s32 $0x600, s16  }
0xe7: {  	[spmem:s1] =	stream.indirect.scatter.add.f32 [tilespmem:s13], [sflag:$0x1], $0x1, s16, s12, $0xb8;
	[tilespmem:$0x2CE8] =	vst v63  }
0xe8: {  	_ =	swait.ge [sflag:s14], $0x80  }
0xe9: {  	[sflag:s14] =	ssyncset.done $0x0  }
0xea: {  	[sflag:s14] =	ssyncadd.s32 $0xFFFFFF80  }
0xeb: {  	_ =	swait.ge [sflag:s14], $0x80  }
0xec: {  	[sflag:s14] =	ssyncset.done $0x0  }
0xed: {  	[sflag:s14] =	ssyncadd.s32 $0xFFFFFF80  }
0xee: {  	_ =	swait.ge [sflag:s14], $0x80  }
0xef: {  	[sflag:s14] =	ssyncset.done $0x0  }
0xf0: {  	[sflag:s14] =	ssyncadd.s32 $0xFFFFFF80  }
0xf1: {  	_ =	swait.ge [sflag:s14], $0x80  }
0xf2: {  	[sflag:s14] =	ssyncset.done $0x0  }
0xf3: {  	[sflag:s14] =	ssyncadd.s32 $0xFFFFFF80  }
0xf4: {  	_ =	swait.ge [sflag:s14], $0x80  }
0xf5: {  	[sflag:s14] =	ssyncset.done $0x0  }
0xf6: {  	[sflag:s14] =	ssyncadd.s32 $0xFFFFFF80  }
0xf7: {  	_ =	swait.ge [sflag:s14], $0x80  }
0xf8: {  	[sflag:s14] =	ssyncset.done $0x0  }
0xf9: {  	[sflag:s14] =	ssyncadd.s32 $0xFFFFFF80  }
0xfa: {  	_ =	swait.ge [sflag:s14], $0x80  }
0xfb: {  	[sflag:s14] =	ssyncset.done $0x0  }
0xfc: {  	[sflag:s14] =	ssyncadd.s32 $0xFFFFFF80  }
0xfd: {  	_ =	swait.ge [sflag:s14], $0x80  }
0xfe: {  	[sflag:s14] =	ssyncset.done $0x0  }
0xff: {  	[sflag:s14] =	ssyncadd.s32 $0xFFFFFF80  }
0x100: {  	_ =	swait.ge [sflag:s14], $0x80  }
0x101: {  	[sflag:s14] =	ssyncset.done $0x0  }
0x102: {  	[sflag:s14] =	ssyncadd.s32 $0xFFFFFF80  }
0x103: {  	_ =	swait.ge [sflag:s14], $0x80  }
0x104: {  	[sflag:s14] =	ssyncset.done $0x0  }
0x105: {  	[sflag:s14] =	ssyncadd.s32 $0xFFFFFF80  }
0x106: {  	_ =	swait.ge [sflag:s14], $0x80  }
0x107: {  	[sflag:s14] =	ssyncset.done $0x0  }
0x108: {  	[sflag:s14] =	ssyncadd.s32 $0xFFFFFF80  }
0x109: {  	_ =	swait.ge [sflag:s14], $0x80  }
0x10a: {  	[sflag:s14] =	ssyncset.done $0x0  }
0x10b: {  	[sflag:s14] =	ssyncadd.s32 $0xFFFFFF80  }
0x10c: {  	_ =	swait.ge [sflag:s14], $0x80  }
0x10d: {  	[sflag:s14] =	ssyncset.done $0x0  }
0x10e: {  	s17 =	simm.s32 @!p1 $0x2700;
	s16 =	simm.s32 @!p1 $0x0;
	[sflag:s14] =	ssyncadd.s32 $0xFFFFFF80  }
0x10f: {  	[tilespmem:s17], [sflag:$0x2] =	stream.linear.gather @!p1 [hbm4b:s6+s16], $0x80, $0x38;
	[tilespmem:$0x2CE8] =	vst v63  }
0x110: {  	s16 =	simm.s32 @!p1 $0x2  }
0x111: {  	_ =	swait.ge @!p1 [sflag:s16], $0x80  }
0x112: {  	[sflag:s16] =	ssyncset.done @!p1 $0x0  }
0x113: {  	s18 =	simm.s32 @!p1 $0x80;
	s19 =	simm.s32 @!p1 $0x2780;
	[sflag:s16] =	ssyncadd.s32 @!p1 $0xFFFFFF80  }
0x114: {  	[spmem:s1] =	stream.indirect.scatter.add.f32 @!p1 [tilespmem:s19], [sflag:$0x2], $0x1, s17, s18, $0xb8;
	[tilespmem:$0x2CE8] =	vst v63  }
0x115: {  	_ =	swait.ge @!p1 [sflag:s16], $0x80  }
0x116: {  	[sflag:s16] =	ssyncset.done @!p1 $0x0  }
0x117: {  	[sflag:s16] =	ssyncadd.s32 @!p1 $0xFFFFFF80  }
0x118: {  	[bflag:$0x0] =	sbarrier.arrive $0xFFFF  }
0x119: {  	[tilespmem:s10], [sflag:$0x2] =	stream.linear.gather [spmem:s3], $0x270, $0x38;
	[tilespmem:$0x2CE8] =	vst v63  }
0x11a: {  	_ =	swait.ge [sflag:s11], $0x270  }
0x11b: {  	[sflag:s11] =	ssyncset.done $0x0  }
0x11c: {  	[sflag:s11] =	ssyncadd.s32 $0xFFFFFD90  }
0x11d: {  	[hbm4b:s7+s2] =	stream.linear.scatter [tilespmem:s10], [sflag:$0x2], $0x270, $0x38;
	[tilespmem:$0x2CE8] =	vst v63  }
0x11e: {  	_ =	swait.ge [sflag:s11], $0x270  }
0x11f: {  	[sflag:s11] =	ssyncset.done $0x0  }
0x120: {  	s17 =	simm.s32 @!p0 $0x2;
	s16 =	simm.s32 @!p0 $0x2800;
	[sflag:s11] =	ssyncadd.s32 $0xFFFFFD90  }
0x121: {  	[tilespmem:s16], [sflag:$0x2] =	stream.linear.gather @!p0 [spmem:s4], $0x10, $0x38;
	[tilespmem:$0x2CE8] =	vst v63  }
0x122: {  	s15 =	sadd.s32 $0x1, s15;
	_ =	swait.ge @!p0 [sflag:s17], $0x10  }
0x123: {  	p2 =	sne.s32 s15, s9;
	[sflag:s17] =	ssyncset.done @!p0 $0x0  }
.Ltmp1:
0x124: {  	s18 =	simm.s32 @!p0 $0x0;
	[sflag:s17] =	ssyncadd.s32 @!p0 $0xFFFFFFF0;
	(pc) =	sbr.rel @p2 .LBB2_1-.Ltmp1, $4  }
0x125: {  	[hbm4b:s8+s18] =	stream.linear.scatter @!p0 [tilespmem:s16], [sflag:$0x2], $0x10, $0x38;
	[tilespmem:$0x2CE8] =	vst v63  }
0x126: {  	_ =	swait.ge @!p0 [sflag:s17], $0x10  }
0x127: {  	[sflag:s17] =	ssyncset.done @!p0 $0x0  }
0x128: {  	[sflag:s17] =	ssyncadd.s32 @!p0 $0xFFFFFFF0  }
0x129: {  	_ =	sfence.sel $0x180000  }
0x12a: {  	[bflag:$0x0] =	sbarrier.arrive $0xFFFF  }
0x12b: {  	_ =	strace $0x90000047  }
0x12c: {  	s0 =	sadd.s32 @!p0 $0x100000, s0;
	[bflag:$0x2] =	sbarrier.arrive $0xFFFF  }
0x12d: {  	[sflag:s0] =	ssyncadd.tile.s32 @!p0 $0x1;
	_ =	shalt  }
.Lfunc_end2:
_tile_overlayer_lowered:
.L_overlay_start_2:
0x12e: {  	(tag) =	ssettag $0x2  }
0x12f: {  	s0 =	rddreg [dreg:$0x0];
	s2 =	stileid.u32  }
0x130: {  	s1 =	rddreg [dreg:$0x1];
	p0 =	sne.s32 s2, $0x0  }
0x131: {  	s3 =	rddreg [dreg:$0x2];
	[bflag:$0x3] =	sbarrier.arrive $0xFFFF;
	s2 =	simm.s32 @!p0 $0x1C02  }
0x132: {  	[timem:s3], [sflag:s2] =	dma.local @!p0 [hbm:s0], s1  }
0x133: {  	s0 =	simm.s32 @!p0 $0x2  }
0x134: {  	_ =	swait.ge @!p0 [sflag:s0], s1  }
0x135: {  	s1 =	ssub.s32 @!p0 $0x0, s1;
	[sflag:s0] =	ssyncset.done @!p0 $0x0  }
0x136: {  	[sflag:s0] =	ssyncadd.s32 @!p0 s1  }
0x137: {  	[bflag:$0x3] =	sbarrier.arrive $0xFFFF  }
0x138: {  	_ =	shalt  }

// kernel: kernel.9.cloned.1.call-start
scs
__scs_entry_jumppad:
0x0: {  	(pc) =	sbr.rel $0x88, $3  }
0x1: {  	(tag) =	ssettag $0x0;
	lr =	simm.s32 $0x1  }
0x2: {  	[smem:$0x3F9E] =	sst lr;
	_ =	strace $0xD0000000  }
0x3: {  	_ = 	snop  }
0x4: {  	_ = 	snop  }
0x5: {  	_ = 	snop  }
0x6: {  	_ = 	snop  }
0x7: {  	_ = 	snop  }
__scs_overlays_trampoline_lowered:
0x8: {  	[smem:$0x3FAD] =	sst s0  }
0x9: {  	[smem:$0x3FAE] =	sst s1  }
0xa: {  	[smem:$0x3FAF] =	sst s2  }
0xb: {  	[smem:$0x3FB0] =	sst s3  }
0xc: {  	[smem:$0x3FB1] =	sst s4  }
0xd: {  	[smem:$0x3FB2] =	sst s5  }
0xe: {  	[smem:$0x3FB3] =	sst s6  }
0xf: {  	[smem:$0x3FB4] =	sst s7  }
0x10: {  	[smem:$0x3FB5] =	sst s8  }
0x11: {  	[smem:$0x3FB6] =	sst s9;
	s0 =	simm.s32 @!p0 $0x0  }
0x12: {  	s1 =	sld [smem:$0x3F9C];
	s0 =	simm.s32 @p0 $0x1  }
0x13: {  	[smem:$0x3FB7] =	sst s0;
	s0 =	simm.s32 @!p1 $0x0  }
0x14: {  	s2 =	sld [smem:$0x3F9B];
	s0 =	simm.s32 @p1 $0x1  }
0x15: {  	[smem:$0x3FB8] =	sst s0;
	s0 =	simm.s32 @!p2 $0x0  }
0x16: {  	s3 =	sld [smem:$0x3FDB];
	s0 =	simm.s32 @p2 $0x1  }
0x17: {  	s4 =	simm.s32 $0x1BF5;
	[smem:$0x3FBA] =	sst s0  }
0x18: {  	s0 =	sld [smem:$0x3F9D];
	_ =	swait.ge [sflag:s4], $0x0  }
0x19: {  	s7 =	sld [smem:$0x3F9E]  }
0x1a: {  	s8 =	sadd.s32 $0xFFFFE003, lr  }
0x1b: {  	s9 =	sadd.s32 $0xFFFFFEF7, lr;
	s5 =	simm.s32 $0xFFFFFFFF;
	p2 =	slt.u32 s8, $0xFFFFF086  }
0x1c: {  	p1 =	slt.u32 s9, $0xF7A;
	s5 =	simm.s32 @!p2 $0x0  }
0x1d: {  	s5 =	simm.s32 @p1 $0x1;
	p0 =	seq.s32 s7, s2  }
0x1e: {  	s7 =	smul.u32 @!p0 $0xF7A, s2;
	p2 =	seq.s32 @!p0 s5, $0x0  }
0x1f: {  	s9 =	smul.u32 $0xF7A, s1;
	s8 =	simm.s32 @!p0 $0x1BF5;
	p2 =	por !p2, p0  }
0x20: {  	[sflag:s8] =	ssyncset.s32 @!p0 $0xFFFFF086;
	s6 =	sadd.s32 @!p0 s3, s7;
	s7 =	simm.s32 @!p0 $0x108  }
0x21: {  	s3 =	sadd.s32 s3, s9;
	s6 =	sadd.s32 @!p0 $0x88, s6;
	s7 =	simm.s32 @p2 $0x1082  }
0x22: {  	[simem:s7], [sflag:s8] =	dma.local @!p0 [hbm:s6], $0xF7A  }
0x23: {  	s9 =	sor.u32 $0xD0000000, s2;
	s6 =	simm.s32 $0x108;
	_ =	swait.ge @!p0 [sflag:s8], $0x0  }
0x24: {  	s3 =	sadd.s32 $0x88, s3;
	s6 =	simm.s32 @!p1 $0x1082;
	[sflag:s4] =	ssyncset.s32 $0xFFFFF086  }
0x25: {  	[simem:s6], [sflag:s4] =	dma.local [hbm:s3], $0xF7A  }
0x26: {  	[smem:$0x3F9E] =	sst s1;
	(tag) =	ssettag s2;
	_ =	strace s9  }
0x27: {  	s1 =	sld [smem:$0x3FAE]  }
0x28: {  	s2 =	sld [smem:$0x3FAF]  }
0x29: {  	s4 =	sld [smem:$0x3FB1]  }
0x2a: {  	p0 =	seq.s32 s5, $0x0;
	s5 =	sld [smem:$0x3FB2]  }
0x2b: {  	s6 =	sld [smem:$0x3FB3]  }
0x2c: {  	s7 =	sld [smem:$0x3FB4]  }
0x2d: {  	s3 =	simm.s32 $0x108;
	s8 =	sld [smem:$0x3FB5]  }
0x2e: {  	s3 =	simm.s32 @!p0 $0x1082;
	s9 =	sld [smem:$0x3FB6]  }
0x2f: {  	lr =	sadd.s32 s0, s3;
	s0 =	sld [smem:$0x3FAD]  }
0x30: {  	s3 =	sld [smem:$0x3FB0]  }
0x31: {  	[smem:$0x3FB9] =	sst s10  }
0x32: {  	s10 =	sld [smem:$0x3FB7];
	_ =	sdelay $0x3  }
0x33: {  	p0 =	seq.s32 s10, $0x1;
	s10 =	sld [smem:$0x3FB9];
	_ =	sdelay $0x3  }
0x34: {  	[smem:$0x3FB9] =	sst s10  }
0x35: {  	s10 =	sld [smem:$0x3FB8];
	_ =	sdelay $0x3  }
0x36: {  	p1 =	seq.s32 s10, $0x1;
	s10 =	sld [smem:$0x3FB9];
	_ =	sdelay $0x3  }
0x37: {  	[smem:$0x3FB9] =	sst s10  }
0x38: {  	s10 =	sld [smem:$0x3FBA]  }
0x39: {  	_ = 	snop;
	(pc) =	sbr.ind lr, $3  }
0x3a: {  	_ = 	snop  }
0x3b: {  	_ = 	snop  }
0x3c: {  	p2 =	seq.s32 s10, $0x1;
	s10 =	sld [smem:$0x3FB9]  }
0x3d: {  	_ =	shalt  }
0x3e: {  	_ =	shalt  }
0x3f: {  	_ =	shalt  }
0x40: {  	_ =	shalt  }
0x41: {  	_ =	shalt  }
0x42: {  	_ =	shalt  }
0x43: {  	_ =	shalt  }
0x44: {  	_ =	shalt  }
0x45: {  	_ =	shalt  }
0x46: {  	_ =	shalt  }
0x47: {  	_ =	shalt  }
0x48: {  	_ =	shalt  }
0x49: {  	_ =	shalt  }
0x4a: {  	_ =	shalt  }
0x4b: {  	_ =	shalt  }
0x4c: {  	_ =	shalt  }
0x4d: {  	_ =	shalt  }
0x4e: {  	_ =	shalt  }
0x4f: {  	_ =	shalt  }
0x50: {  	_ =	shalt  }
0x51: {  	_ =	shalt  }
0x52: {  	_ =	shalt  }
0x53: {  	_ =	shalt  }
0x54: {  	_ =	shalt  }
0x55: {  	_ =	shalt  }
0x56: {  	_ =	shalt  }
0x57: {  	_ =	shalt  }
0x58: {  	_ =	shalt  }
0x59: {  	_ =	shalt  }
0x5a: {  	_ =	shalt  }
0x5b: {  	_ =	shalt  }
0x5c: {  	_ =	shalt  }
0x5d: {  	_ =	shalt  }
0x5e: {  	_ =	shalt  }
0x5f: {  	_ =	shalt  }
0x60: {  	_ =	shalt  }
0x61: {  	_ =	shalt  }
0x62: {  	_ =	shalt  }
0x63: {  	_ =	shalt  }
0x64: {  	_ =	shalt  }
0x65: {  	_ =	shalt  }
0x66: {  	_ =	shalt  }
0x67: {  	_ =	shalt  }
0x68: {  	_ =	shalt  }
0x69: {  	_ =	shalt  }
0x6a: {  	_ =	shalt  }
0x6b: {  	_ =	shalt  }
0x6c: {  	_ =	shalt  }
0x6d: {  	_ =	shalt  }
0x6e: {  	_ =	shalt  }
0x6f: {  	_ =	shalt  }
0x70: {  	_ =	shalt  }
0x71: {  	_ =	shalt  }
0x72: {  	_ =	shalt  }
0x73: {  	_ =	shalt  }
0x74: {  	_ =	shalt  }
0x75: {  	_ =	shalt  }
0x76: {  	_ =	shalt  }
0x77: {  	_ =	shalt  }
0x78: {  	_ =	shalt  }
0x79: {  	_ =	shalt  }
0x7a: {  	_ =	shalt  }
0x7b: {  	_ =	shalt  }
0x7c: {  	_ =	shalt  }
0x7d: {  	_ =	shalt  }
0x7e: {  	_ =	shalt  }
0x7f: {  	_ =	shalt  }
0x80: {  	_ =	shalt  }
0x81: {  	_ =	shalt  }
0x82: {  	_ =	shalt  }
0x83: {  	_ =	shalt  }
0x84: {  	_ =	shalt  }
0x85: {  	_ =	shalt  }
0x86: {  	_ =	shalt  }
0x87: {  	_ =	shalt  }
.Lfunc_end0:
.L_simem_size_0:
called_computation.1_lowered:
.L_overlay_start_0:
0x88: {  	s2 =	sld [smem:$0x3FD9]  }
0x89: {  	s3 =	sld [smem:$0x3FFE];
	_ =	sdelay $0x1  }
0x8a: {  	s1 =	srdreg.scid  }
0x8b: {  	s0 =	sand.u32 $0x1, s1  }
0x8c: {  	s17 =	sshll.u32 s0, $0xA;
	s2 =	sadd.s32 s3, s2  }
0x8d: {  	s2 =	sadd.s32 s2, s17  }
0x8e: {  	[smem:$0x3FC5] =	sst s2  }
0x8f: {  	_ = 	snop  }
0x90: {  	s2 =	sld [smem:$0x3FD0];
	(tm) =	ssettm $0x1  }
0x91: {  	s18 =	sld [smem:$0x3FFB];
	_ =	sdelay $0x3  }
0x92: {  	_ =	strace s18  }
0x93: {  	s3 =	sld [smem:$0x3FFC];
	_ =	sdelay $0x3  }
0x94: {  	_ =	strace s3  }
0x95: {  	s3 =	sld [smem:$0x3FFD];
	_ =	sdelay $0x3  }
0x96: {  	_ =	strace s3  }
0x97: {  	_ =	strace $0x8FFFFFFF  }
0x98: {  	s19 =	sld [smem:$0x3FDB];
	_ =	sdelay $0x1  }
0x99: {  	s4 =	simm.s32 $_scs_section_size  }
0x9a: {  	s5 =	simm.s32 $_size__tile_overlayer_lowered;
	s6 =	simm.s32 $_tile_overlayer_lowered  }
0x9b: {  	s22 =	simm.s32 $0x1BFF;
	s21 =	sshll.u32 s6, $0x1;
	s3 =	sadd.s32 s4, s19  }
0x9c: {  	s7 =	simm.s32 $0x0;
	s20 =	sshll.u32 s5, $0x1;
	s5 =	sadd.s32 s21, s3  }
0x9d: {  	[timem:s7], [sflag:s22] =	dma.local [hbm:s5], s20  }
0x9e: {  	_ =	swait.ge [sflag:s22], s20  }
0x9f: {  	s4 =	ssub.s32 $0x0, s20;
	[sflag:s22] =	ssyncset.done $0x0  }
0xa0: {  	[sflag:s22] =	ssyncadd.s32 s4;
	_ =	sdelay $0x1  }
0xa1: {  	s23 =	simm.s32 $0x1B8B  }
0xa2: {  	_ =	swait.ge [sflag:s23], $0x1  }
0xa3: {  	[sflag:s23] =	ssyncset.done $0x0  }
0xa4: {  	s25 =	simm.s32 $0x1B8E;
	s24 =	sld [smem:$0x3FFE];
	[sflag:s23] =	ssyncadd.s32 $0xFFFFFFFF  }
0xa5: {  	s26 =	simm.s32 $execute0_lowered;
	[smem:$0x3FD2] =	sst s25  }
0xa6: {  	s5 =	sshll.u32 s26, $0x1;
	_ =	strace $0x80000049;
	[dreg:$0x1] =	wrdreg $0xFFFFFFFF  }
0xa7: {  	s28 =	simm.s32 $_size_execute0_lowered;
	s3 =	sadd.s32 s3, s5;
	[dreg:$0x0] =	wrdreg $0x0  }
0xa8: {  	s5 =	sshll.u32 s28, $0x1;
	[dreg:$0x2] =	wrdreg s3  }
0xa9: {  	[dreg:$0x3] =	wrdreg s5  }
0xaa: {  	[dreg:$0x4] =	wrdreg $0xC0  }
0xab: {  	_ =	task [dreg:s7], $0x5FFFF  }
0xac: {  	[dreg:$0x1] =	wrdreg $0xFFFFFFFF  }
0xad: {  	[dreg:$0x0] =	wrdreg $0x60  }
0xae: {  	[dreg:$0x2] =	wrdreg s24  }
0xaf: {  	[dreg:$0x3] =	wrdreg s2  }
0xb0: {  	[dreg:$0x4] =	wrdreg $0x104000  }
0xb1: {  	[dreg:$0x5] =	wrdreg $0x9  }
0xb2: {  	_ =	task.clear_ibuf [dreg:s7], $0x6FFFF;
	_ =	strace $0x90000049  }
0xb3: {  	s29 =	simm.s32 $0x9;
	_ =	strace $0x8000004B  }
0xb4: {  	_ =	swait.ge [sflag:s29], $0x1  }
0xb5: {  	[sflag:s29] =	ssyncadd.s32 $0xFFFFFFFF  }
0xb6: {  	_ =	strace $0x9000004B  }
0xb7: {  	_ =	sfence  }
0xb8: {  	s30 =	sld [smem:$0x0];
	_ =	sdelay $0x2  }
0xb9: {  	s31 =	sshll.u32 s1, $0xD;
	s1 =	sshrl.u32 s1, $0x2  }
0xba: {  	s3 =	sand.u32 $0x4000, s31;
	s1 =	sadd.s32 s1, s30  }
0xbb: {  	s0 =	sor.u32 s3, s0;
	s1 =	sshll.u32 s1, $0x11  }
0xbc: {  	s0 =	sor.u32 s1, s0  }
0xbd: {  	s0 =	sadd.s32 $0x8F2B, s0  }
0xbe: {  	[sflag:s0] =	ssyncadd.remote.s32 $0x1  }
0xbf: {  	_ =	sfence.sel $0xFFFF  }
0xc0: {  	[dreg:$0x0] =	wrdreg $0xFFFFFFFF;
	(pc) =	sbr.abs _section_cstart, $3  }
0xc1: {  	[dreg:$0x1] =	wrdreg $0xFFFFFFFF  }
0xc2: {  	_ =	task.clear_ibuf [dreg:s7], $0x2FFFF;
	_ =	strace $0x9FFFFFFF  }
0xc3: {  	(tm) =	ssettm $0x7FFFFFFF  }
tec
execute0_lowered:
.L_overlay_start_1:
0x0: {  	(tag) =	ssettag $0x1  }
0x1: {  	s0 =	rddreg [dreg:$0x0]  }
0x2: {  	s3 =	rddreg [dreg:$0x1]  }
0x3: {  	s1 =	rddreg [dreg:$0x2];
	s2 =	simm.s32 $0x0;
	s4 =	srdreg.scid  }
0x4: {  	s10 =	stileid.u32;
	s29 =	simm.s32 $0xBC00;
	s30 =	simm.s32 $0x4  }
0x5: {  	s31 =	simm.s32 $0x3;
	s28 =	simm.s32 $0x0;
	[smem:$0x7FF] =	sst s2  }
0x6: {  	s5 =	sadd.s32 $0x2000, s0;
	s12 =	sand.u32 $0x1, s4;
	s17 =	sadd.s32 $0x77600, s0  }
0x7: {  	s13 =	smul.u32 $0x9C00, s10;
	s4 =	sadd.s32 $0x63C00, s0;
	s0 =	sadd.s32 $0x8B000, s0  }
0x8: {  	s9 =	smul.u32 $0x4E00, s10;
	s20 =	sshll.u32 s10, $0x4;
	p1 =	sne.s32 s10, $0x0  }
0x9: {  	p3 =	sgt.u32 s10, $0x3;
	_ =	strace $0x8000004A;
	s6 =	ssub.s32 $0x2, s12  }
0xa: {  	[dreg:$0x4] =	wrdreg s0;
	s18 =	smul.u32 $0x9C400, s12;
	p0 =	seq.s32 s12, $0x0  }
0xb: {  	p2 =	sne.s32 s12, $0x0;
	s19 =	sshrl.u32 s6, $0x1;
	s14 =	sadd.s32 $0x2700, s13  }
0xc: {  	s15 =	sadd.s32 $0x4E00, s13;
	s16 =	sadd.s32 $0x7500, s13;
	s11 =	sshrl.u32 s9, $0x3  }
0xd: {  	s0 =	ssub.s32 s6, s19;
	s6 =	sadd.s32 s13, s1;
	s7 =	sadd.s32 s14, s1  }
0xe: {  	s8 =	sadd.s32 s15, s1;
	s9 =	sadd.s32 s16, s1;
	s19 =	sadd.s32 s5, s11  }
0xf: {  	s11 =	sadd.s32 $0x9C000, s1;
	s5 =	sadd.s32 s20, s5;
	s13 =	sadd.s32 s13, s18  }
0x10: {  	s14 =	sadd.s32 s18, s14;
	s23 =	sadd.s32 s18, s15;
	s24 =	sadd.s32 s18, s16  }
0x11: {  	s25 =	sshrl.u32 s18, $0x3;
	[dreg:$0x5] =	wrdreg s19;
	s19 =	sadd.s32 $0x9C40, s19  }
0x12: {  	s13 =	sshrl.u32 s13, $0x3;
	s0 =	smax.u32 s0, $0x1;
	[dreg:$0x6] =	wrdreg s19  }
0x13: {  	s22 =	sshrl.u32 s14, $0x3;
	s19 =	sadd.s32 $0x13840, s5;
	[dreg:$0xf] =	wrdreg s0  }
0x14: {  	s5 =	sadd.s32 $0x9C00, s5;
	s21 =	sadd.s32 s3, s13;
	[dreg:$0x7] =	wrdreg s19  }
0x15: {  	s13 =	sshrl.u32 s24, $0x3;
	s0 =	simm.s32 $0x9C00;
	[dreg:$0x8] =	wrdreg s5  }
0x16: {  	[dreg:$0x9] =	wrdreg s21;
	s5 =	sadd.s32 s3, s22;
	s26 =	sadd.s32 s3, s13  }
0x17: {  	s22 =	simm.s32 $0xDD00;
	[dreg:$0xa] =	wrdreg s5;
	s5 =	sshrl.u32 s23, $0x3  }
0x18: {  	[dreg:$0xc] =	wrdreg s26;
	s5 =	sadd.s32 s3, s5;
	s3 =	sadd.s32 s3, s25  }
0x19: {  	[dreg:$0xb] =	wrdreg s5;
	s5 =	smov.u32 s4;
	s3 =	sadd.s32 $0x13800, s3  }
0x1a: {  	s23 =	simm.s32 $0x5;
	[dreg:$0xe] =	wrdreg s3;
	s5 =	smov.u32 @p0 s17  }
0x1b: {  	s26 =	simm.s32 $0x80;
	s25 =	simm.s32 $0x2;
	[dreg:$0xd] =	wrdreg s5  }
.LBB2_1:
0x1c: {  	s3 =	rddreg [dreg:$0x4]  }
0x1d: {  	[tilespmem:s22], [sflag:$0x5] =	stream.linear.gather [hbm4b:s3+s2], $0x2700, $0x38;
	[tilespmem:$0x1A040] =	vst v63  }
0x1e: {  	_ =	swait.ge [sflag:s23], $0x2700  }
0x1f: {  	[sflag:s23] =	ssyncset.done $0x0  }
0x20: {  	[sflag:s23] =	ssyncadd.s32 $0xFFFFD900  }
0x21: {  	[spmem:s6] =	stream.linear.scatter [tilespmem:s22], [sflag:$0x5], $0x2700, $0x38;
	[tilespmem:$0x1A040] =	vst v63  }
0x22: {  	_ =	swait.ge [sflag:s23], $0x2700  }
0x23: {  	[sflag:s23] =	ssyncset.done $0x0  }
0x24: {  	[sflag:s23] =	ssyncadd.s32 $0xFFFFD900  }
0x25: {  	[spmem:s7] =	stream.linear.scatter [tilespmem:s22], [sflag:$0x5], $0x2700, $0x38;
	[tilespmem:$0x1A040] =	vst v63  }
0x26: {  	_ =	swait.ge [sflag:s23], $0x2700  }
0x27: {  	[sflag:s23] =	ssyncset.done $0x0  }
0x28: {  	[sflag:s23] =	ssyncadd.s32 $0xFFFFD900  }
0x29: {  	[spmem:s8] =	stream.linear.scatter [tilespmem:s22], [sflag:$0x5], $0x2700, $0x38;
	[tilespmem:$0x1A040] =	vst v63  }
0x2a: {  	_ =	swait.ge [sflag:s23], $0x2700  }
0x2b: {  	[sflag:s23] =	ssyncset.done $0x0  }
0x2c: {  	[sflag:s23] =	ssyncadd.s32 $0xFFFFD900  }
0x2d: {  	[spmem:s9] =	stream.linear.scatter [tilespmem:s22], [sflag:$0x5], $0x2700, $0x38;
	[tilespmem:$0x1A040] =	vst v63  }
0x2e: {  	_ =	swait.ge [sflag:s23], $0x2700  }
0x2f: {  	[sflag:s23] =	ssyncset.done $0x0  }
0x30: {  	s3 =	simm.s32 @!p1 $0xDD00;
	[sflag:s23] =	ssyncadd.s32 $0xFFFFD900  }
0x31: {  	[spmem:s11] =	stream.linear.scatter @!p1 [tilespmem:s3], [sflag:$0x5], $0x400, $0x38;
	[tilespmem:$0x1A040] =	vst v63  }
0x32: {  	s3 =	simm.s32 @!p1 $0x5  }
0x33: {  	_ =	swait.ge @!p1 [sflag:s3], $0x400  }
0x34: {  	[sflag:s3] =	ssyncset.done @!p1 $0x0  }
0x35: {  	s18 =	rddreg [dreg:$0x6];
	[sflag:s3] =	ssyncadd.s32 @!p1 $0xFFFFFC00  }
0x36: {  	[tilespmem:s2], [sflag:$0x5] =	stream.linear.gather [hbm4b:s18+s2], $0x4E00, $0x38;
	[tilespmem:$0x1A040] =	vst v63  }
0x37: {  	_ =	swait.ge [sflag:s23], $0x4E00  }
0x38: {  	[sflag:s23] =	ssyncset.done $0x0  }
0x39: {  	s5 =	simm.s32 $0x4E00;
	s19 =	rddreg [dreg:$0x5];
	[sflag:s23] =	ssyncadd.s32 $0xFFFFB200  }
0x3a: {  	[tilespmem:s5], [sflag:$0x5] =	stream.linear.gather [hbm4b:s19+s2], $0x4E00, $0x38;
	[tilespmem:$0x1A040] =	vst v63  }
0x3b: {  	_ =	swait.ge [sflag:s23], $0x4E00  }
0x3c: {  	[sflag:s23] =	ssyncset.done $0x0  }
0x3d: {  	s10 =	simm.s32 @p0 $0x9C00;
	[sflag:s23] =	ssyncadd.s32 $0xFFFFB200  }
0x3e: {  	s3 =	simm.s32 @p0 $0x80;
	s5 =	simm.s32 @p0 $0x0;
	[bflag:$0x0] =	sbarrier.arrive $0xFFFF  }
0x3f: {  	[tilespmem:s10], [sflag:$0x1] =	stream.indirect.gather @p0 [hbm4b:s17+s3], $0x40, s5, s3, $0xb8;
	[tilespmem:$0x1A040] =	vst v63  }
0x40: {  	s5 =	simm.s32 @p0 $0xBC00  }
0x41: {  	[tilespmem:s5], [sflag:$0x2] =	stream.indirect.gather @p0 [hbm4b:s17+s3], $0x40, s3, s3, $0xb8;
	[tilespmem:$0x1A040] =	vst v63  }
0x42: {  	s5 =	simm.s32 @p0 $0x1  }
0x43: {  	_ =	swait.ge @p0 [sflag:s5], $0x2000  }
0x44: {  	[sflag:s5] =	ssyncset.done @p0 $0x0  }
0x45: {  	[sflag:s5] =	ssyncadd.s32 @p0 $0xFFFFE000;
	s5 =	simm.s32 @p0 $0x4E00  }
0x46: {  	[spmem:s1] =	stream.indirect.scatter.add.f32 @p0 [tilespmem:s10], [sflag:$0x3], $0x40, s5, s3, $0xb8;
	[tilespmem:$0x1A040] =	vst v63  }
0x47: {  	s5 =	simm.s32 @p0 $0x3  }
0x48: {  	_ =	swait.ge @p0 [sflag:s5], $0x2000  }
0x49: {  	[sflag:s5] =	ssyncset.done @p0 $0x0  }
0x4a: {  	[sflag:s5] =	ssyncadd.s32 @p0 $0xFFFFE000;
	s5 =	simm.s32 @p0 $0x100  }
0x4b: {  	[tilespmem:s10], [sflag:$0x1] =	stream.indirect.gather @p0 [hbm4b:s17+s3], $0x40, s5, s3, $0xb8;
	[tilespmem:$0x1A040] =	vst v63  }
0x4c: {  	s3 =	simm.s32 @!p0 $0x80;
	s5 =	simm.s32 @!p0 $0x0;
	s10 =	simm.s32 @!p0 $0x9C00  }
0x4d: {  	[tilespmem:s10], [sflag:$0x1] =	stream.indirect.gather @!p0 [hbm4b:s4+s3], $0x40, s5, s3, $0xb8;
	[tilespmem:$0x1A040] =	vst v63  }
0x4e: {  	s5 =	simm.s32 @!p0 $0xBC00  }
0x4f: {  	[tilespmem:s5], [sflag:$0x2] =	stream.indirect.gather @!p0 [hbm4b:s4+s3], $0x40, s3, s3, $0xb8;
	[tilespmem:$0x1A040] =	vst v63  }
0x50: {  	s5 =	simm.s32 @!p0 $0x1  }
0x51: {  	_ =	swait.ge @!p0 [sflag:s5], $0x2000  }
0x52: {  	[sflag:s5] =	ssyncset.done @!p0 $0x0  }
0x53: {  	[sflag:s5] =	ssyncadd.s32 @!p0 $0xFFFFE000;
	s5 =	simm.s32 @!p0 $0x4E00  }
0x54: {  	[spmem:s1] =	stream.indirect.scatter.add.f32 @!p0 [tilespmem:s10], [sflag:$0x3], $0x40, s5, s3, $0xb8;
	[tilespmem:$0x1A040] =	vst v63  }
0x55: {  	s5 =	simm.s32 @!p0 $0x3  }
0x56: {  	_ =	swait.ge @!p0 [sflag:s5], $0x2000  }
0x57: {  	[sflag:s5] =	ssyncset.done @!p0 $0x0  }
0x58: {  	[sflag:s5] =	ssyncadd.s32 @!p0 $0xFFFFE000;
	s5 =	simm.s32 @!p0 $0x100  }
0x59: {  	[tilespmem:s10], [sflag:$0x1] =	stream.indirect.gather @!p0 [hbm4b:s4+s3], $0x40, s5, s3, $0xb8;
	[tilespmem:$0x1A040] =	vst v63  }
0x5a: {  	_ =	swait.ge [sflag:s25], $0x2000  }
0x5b: {  	[sflag:s25] =	ssyncset.done $0x0  }
0x5c: {  	s20 =	simm.s32 $0x4E80;
	[sflag:s25] =	ssyncadd.s32 $0xFFFFE000  }
0x5d: {  	[spmem:s1] =	stream.indirect.scatter.add.f32 [tilespmem:s29], [sflag:$0x4], $0x40, s20, s26, $0xb8;
	[tilespmem:$0x1A040] =	vst v63  }
0x5e: {  	_ =	swait.ge [sflag:s30], $0x2000  }
0x5f: {  	s24 =	simm.s32 @p2 $0x1;
	s12 =	simm.s32 @p2 $0x80;
	[sflag:s30] =	ssyncset.done $0x0  }
0x60: {  	s5 =	simm.s32 @p2 $0xBC00;
	s3 =	simm.s32 $0x180;
	[sflag:s30] =	ssyncadd.s32 $0xFFFFE000  }
0x61: {  	[tilespmem:s5], [sflag:$0x2] =	stream.indirect.gather @p2 [hbm4b:s4+s12], $0x40, s3, s12, $0xb8;
	[tilespmem:$0x1A040] =	vst v63  }
0x62: {  	_ =	swait.ge @p2 [sflag:s24], $0x2000  }
0x63: {  	[sflag:s24] =	ssyncset.done @p2 $0x0  }
0x64: {  	s13 =	simm.s32 @p2 $0x9C00;
	s18 =	simm.s32 $0x4F00;
	[sflag:s24] =	ssyncadd.s32 @p2 $0xFFFFE000  }
0x65: {  	[spmem:s1] =	stream.indirect.scatter.add.f32 @p2 [tilespmem:s13], [sflag:$0x3], $0x40, s18, s12, $0xb8;
	[tilespmem:$0x1A040] =	vst v63  }
0x66: {  	s14 =	simm.s32 @!p2 $0xBC00;
	s15 =	simm.s32 @!p2 $0x1;
	s10 =	simm.s32 @!p2 $0x80  }
0x67: {  	[tilespmem:s14], [sflag:$0x2] =	stream.indirect.gather @!p2 [hbm4b:s17+s10], $0x40, s3, s10, $0xb8;
	[tilespmem:$0x1A040] =	vst v63  }
0x68: {  	_ =	swait.ge @!p2 [sflag:s15], $0x2000  }
0x69: {  	[sflag:s15] =	ssyncset.done @!p2 $0x0  }
0x6a: {  	s16 =	simm.s32 @!p2 $0x9C00;
	[sflag:s15] =	ssyncadd.s32 @!p2 $0xFFFFE000  }
0x6b: {  	[spmem:s1] =	stream.indirect.scatter.add.f32 @!p2 [tilespmem:s16], [sflag:$0x3], $0x40, s18, s10, $0xb8;
	[tilespmem:$0x1A040] =	vst v63  }
0x6c: {  	_ =	swait.ge [sflag:s31], $0x2000  }
0x6d: {  	s3 =	smov.u32 s17;
	[sflag:s31] =	ssyncset.done $0x0  }
0x6e: {  	s21 =	simm.s32 $0x200;
	s3 =	smov.u32 @p2 s4;
	[sflag:s31] =	ssyncadd.s32 $0xFFFFE000  }
0x6f: {  	[tilespmem:s0], [sflag:$0x1] =	stream.indirect.gather [hbm4b:s3+s26], $0x40, s21, s26, $0xb8;
	[tilespmem:$0x1A040] =	vst v63  }
0x70: {  	_ =	swait.ge [sflag:s25], $0x2000  }
0x71: {  	[sflag:s25] =	ssyncset.done $0x0  }
0x72: {  	s20 =	simm.s32 $0x4F80;
	s18 =	simm.s32 $0xFFFED400;
	[sflag:s25] =	ssyncadd.s32 $0xFFFFE000  }
.LBB2_2:
0x73: {  	[spmem:s1] =	stream.indirect.scatter.add.f32 [tilespmem:s29], [sflag:$0x4], $0x40, s20, s26, $0xb8;
	[tilespmem:$0x1A040] =	vst v63  }
0x74: {  	s20 =	smov.u32 s18  }
0x75: {  	s18 =	sadd.s32 $0x400, s18;
	_ =	swait.ge [sflag:s30], $0x2000  }
0x76: {  	s20 =	sshra.s32 s20, $0x2;
	[sflag:s30] =	ssyncset.done $0x0  }
0x77: {  	s21 =	sadd.s32 $0x4D80, s20;
	[sflag:s30] =	ssyncadd.s32 $0xFFFFE000  }
0x78: {  	[tilespmem:s5], [sflag:$0x2] =	stream.indirect.gather @p2 [hbm4b:s4+s12], $0x40, s21, s12, $0xb8;
	[tilespmem:$0x1A040] =	vst v63  }
0x79: {  	p4 =	sne.s32 s18, $0x0;
	_ =	swait.ge @p2 [sflag:s24], $0x2000  }
0x7a: {  	[sflag:s24] =	ssyncset.done @p2 $0x0  }
0x7b: {  	s19 =	sadd.s32 $0x9B00, s20;
	[sflag:s24] =	ssyncadd.s32 @p2 $0xFFFFE000  }
0x7c: {  	[spmem:s1] =	stream.indirect.scatter.add.f32 @p2 [tilespmem:s13], [sflag:$0x3], $0x40, s19, s12, $0xb8;
	[tilespmem:$0x1A040] =	vst v63  }
0x7d: {  	_ = 	snop  }
0x7e: {  	[tilespmem:s14], [sflag:$0x2] =	stream.indirect.gather @!p2 [hbm4b:s17+s10], $0x40, s21, s10, $0xb8;
	[tilespmem:$0x1A040] =	vst v63  }
0x7f: {  	_ =	swait.ge @!p2 [sflag:s15], $0x2000  }
0x80: {  	[sflag:s15] =	ssyncset.done @!p2 $0x0  }
0x81: {  	[sflag:s15] =	ssyncadd.s32 @!p2 $0xFFFFE000  }
0x82: {  	[spmem:s1] =	stream.indirect.scatter.add.f32 @!p2 [tilespmem:s16], [sflag:$0x3], $0x40, s19, s10, $0xb8;
	[tilespmem:$0x1A040] =	vst v63  }
0x83: {  	_ =	swait.ge [sflag:s31], $0x2000  }
0x84: {  	[sflag:s31] =	ssyncset.done $0x0  }
.Ltmp0:
0x85: {  	s19 =	sadd.s32 $0x4E00, s20;
	[sflag:s31] =	ssyncadd.s32 $0xFFFFE000;
	(pc) =	sbr.rel @p4 .LBB2_2-.Ltmp0, $4  }
0x86: {  	[tilespmem:s0], [sflag:$0x1] =	stream.indirect.gather [hbm4b:s3+s26], $0x40, s19, s26, $0xb8;
	[tilespmem:$0x1A040] =	vst v63  }
0x87: {  	_ =	swait.ge [sflag:s25], $0x2000  }
0x88: {  	[sflag:s25] =	ssyncset.done $0x0  }
0x89: {  	s20 =	sadd.s32 $0x9B80, s20;
	[sflag:s25] =	ssyncadd.s32 $0xFFFFE000  }
0x8a: {  	[spmem:s1] =	stream.indirect.scatter.add.f32 [tilespmem:s29], [sflag:$0x4], $0x40, s20, s26, $0xb8;
	[tilespmem:$0x1A040] =	vst v63  }
0x8b: {  	_ =	swait.ge [sflag:s30], $0x2000  }
0x8c: {  	s3 =	simm.s32 @p0 $0x80;
	[sflag:s30] =	ssyncset.done $0x0  }
0x8d: {  	s5 =	simm.s32 @p0 $0x4D80;
	s10 =	simm.s32 @p0 $0xBC00;
	[sflag:s30] =	ssyncadd.s32 $0xFFFFE000  }
0x8e: {  	[tilespmem:s10], [sflag:$0x2] =	stream.indirect.gather @p0 [hbm4b:s17+s3], $0x40, s5, s3, $0xb8;
	[tilespmem:$0x1A040] =	vst v63  }
0x8f: {  	s5 =	simm.s32 @p0 $0x1  }
0x90: {  	_ =	swait.ge @p0 [sflag:s5], $0x2000  }
0x91: {  	[sflag:s5] =	ssyncset.done @p0 $0x0  }
0x92: {  	s10 =	simm.s32 @p0 $0x9C00;
	[sflag:s5] =	ssyncadd.s32 @p0 $0xFFFFE000;
	s5 =	simm.s32 @p0 $0x9B00  }
0x93: {  	[spmem:s1] =	stream.indirect.scatter.add.f32 @p0 [tilespmem:s10], [sflag:$0x3], $0x40, s5, s3, $0xb8;
	[tilespmem:$0x1A040] =	vst v63  }
0x94: {  	s3 =	simm.s32 @!p0 $0x80;
	s5 =	simm.s32 @!p0 $0x4D80;
	s10 =	simm.s32 @!p0 $0xBC00  }
0x95: {  	[tilespmem:s10], [sflag:$0x2] =	stream.indirect.gather @!p0 [hbm4b:s4+s3], $0x40, s5, s3, $0xb8;
	[tilespmem:$0x1A040] =	vst v63  }
0x96: {  	s5 =	simm.s32 @!p0 $0x1  }
0x97: {  	_ =	swait.ge @!p0 [sflag:s5], $0x2000  }
0x98: {  	[sflag:s5] =	ssyncset.done @!p0 $0x0  }
0x99: {  	s10 =	simm.s32 @!p0 $0x9C00;
	[sflag:s5] =	ssyncadd.s32 @!p0 $0xFFFFE000;
	s5 =	simm.s32 @!p0 $0x9B00  }
0x9a: {  	[spmem:s1] =	stream.indirect.scatter.add.f32 @!p0 [tilespmem:s10], [sflag:$0x3], $0x40, s5, s3, $0xb8;
	[tilespmem:$0x1A040] =	vst v63  }
0x9b: {  	_ =	swait.ge [sflag:s25], $0x2000  }
0x9c: {  	[sflag:s25] =	ssyncset.done $0x0  }
0x9d: {  	s16 =	simm.s32 $0x9B80;
	[sflag:s25] =	ssyncadd.s32 $0xFFFFE000  }
0x9e: {  	[spmem:s1] =	stream.indirect.scatter.add.f32 [tilespmem:s29], [sflag:$0x4], $0x40, s16, s26, $0xb8;
	[tilespmem:$0x1A040] =	vst v63  }
0x9f: {  	_ =	swait.ge [sflag:s31], $0x2000  }
0xa0: {  	[sflag:s31] =	ssyncset.done $0x0  }
0xa1: {  	[sflag:s31] =	ssyncadd.s32 $0xFFFFE000  }
0xa2: {  	_ =	swait.ge [sflag:s30], $0x2000  }
0xa3: {  	s3 =	simm.s32 @!p3 $0x0;
	[sflag:s30] =	ssyncset.done $0x0  }
0xa4: {  	s5 =	simm.s32 @!p3 $0xDC00;
	s10 =	rddreg [dreg:$0x7];
	[sflag:s30] =	ssyncadd.s32 $0xFFFFE000  }
0xa5: {  	[tilespmem:s5], [sflag:$0x5] =	stream.linear.gather @!p3 [hbm4b:s10+s3], $0x80, $0x38;
	[tilespmem:$0x1A040] =	vst v63  }
0xa6: {  	s10 =	simm.s32 @!p3 $0x5  }
0xa7: {  	_ =	swait.ge @!p3 [sflag:s10], $0x80  }
0xa8: {  	[sflag:s10] =	ssyncset.done @!p3 $0x0  }
0xa9: {  	s12 =	simm.s32 @!p3 $0xDC80;
	s13 =	rddreg [dreg:$0x8];
	[sflag:s10] =	ssyncadd.s32 @!p3 $0xFFFFFF80  }
0xaa: {  	[tilespmem:s12], [sflag:$0x5] =	stream.linear.gather @!p3 [hbm4b:s13+s3], $0x80, $0x38;
	[tilespmem:$0x1A040] =	vst v63  }
0xab: {  	_ =	swait.ge @!p3 [sflag:s10], $0x80  }
0xac: {  	s3 =	simm.s32 @!p3 $0x80;
	[sflag:s10] =	ssyncset.done @!p3 $0x0  }
0xad: {  	s13 =	simm.s32 @!p3 $0x9C00;
	s14 =	rddreg [dreg:$0xd];
	[sflag:s10] =	ssyncadd.s32 @!p3 $0xFFFFFF80  }
0xae: {  	[tilespmem:s13], [sflag:$0x1] =	stream.indirect.gather @!p3 [hbm4b:s14+s3], $0x40, s5, s3, $0xb8;
	[tilespmem:$0x1A040] =	vst v63  }
0xaf: {  	s5 =	simm.s32 @!p3 $0x1  }
0xb0: {  	_ =	swait.ge @!p3 [sflag:s5], $0x2000  }
0xb1: {  	[sflag:s5] =	ssyncset.done @!p3 $0x0  }
0xb2: {  	[sflag:s5] =	ssyncadd.s32 @!p3 $0xFFFFE000  }
0xb3: {  	[spmem:s1] =	stream.indirect.scatter.add.f32 @!p3 [tilespmem:s13], [sflag:$0x5], $0x40, s12, s3, $0xb8;
	[tilespmem:$0x1A040] =	vst v63  }
0xb4: {  	_ =	swait.ge @!p3 [sflag:s10], $0x2000  }
0xb5: {  	[sflag:s10] =	ssyncset.done @!p3 $0x0  }
0xb6: {  	[sflag:s10] =	ssyncadd.s32 @!p3 $0xFFFFE000  }
0xb7: {  	[bflag:$0x0] =	sbarrier.arrive $0xFFFF  }
0xb8: {  	[tilespmem:s22], [sflag:$0x5] =	stream.linear.gather [spmem:s6], $0x2700, $0x38;
	[tilespmem:$0x1A040] =	vst v63  }
0xb9: {  	_ =	swait.ge [sflag:s23], $0x2700  }
0xba: {  	[sflag:s23] =	ssyncset.done $0x0  }
0xbb: {  	s18 =	rddreg [dreg:$0x9];
	[sflag:s23] =	ssyncadd.s32 $0xFFFFD900  }
0xbc: {  	[hbm4b:s18+s2] =	stream.linear.scatter [tilespmem:s22], [sflag:$0x5], $0x2700, $0x38;
	[tilespmem:$0x1A040] =	vst v63  }
0xbd: {  	_ =	swait.ge [sflag:s23], $0x2700  }
0xbe: {  	[sflag:s23] =	ssyncset.done $0x0  }
0xbf: {  	[sflag:s23] =	ssyncadd.s32 $0xFFFFD900  }
0xc0: {  	[tilespmem:s22], [sflag:$0x5] =	stream.linear.gather [spmem:s7], $0x2700, $0x38;
	[tilespmem:$0x1A040] =	vst v63  }
0xc1: {  	_ =	swait.ge [sflag:s23], $0x2700  }
0xc2: {  	[sflag:s23] =	ssyncset.done $0x0  }
0xc3: {  	s19 =	rddreg [dreg:$0xa];
	[sflag:s23] =	ssyncadd.s32 $0xFFFFD900  }
0xc4: {  	[hbm4b:s19+s2] =	stream.linear.scatter [tilespmem:s22], [sflag:$0x5], $0x2700, $0x38;
	[tilespmem:$0x1A040] =	vst v63  }
0xc5: {  	_ =	swait.ge [sflag:s23], $0x2700  }
0xc6: {  	[sflag:s23] =	ssyncset.done $0x0  }
0xc7: {  	[sflag:s23] =	ssyncadd.s32 $0xFFFFD900  }
0xc8: {  	[tilespmem:s22], [sflag:$0x5] =	stream.linear.gather [spmem:s8], $0x2700, $0x38;
	[tilespmem:$0x1A040] =	vst v63  }
0xc9: {  	_ =	swait.ge [sflag:s23], $0x2700  }
0xca: {  	[sflag:s23] =	ssyncset.done $0x0  }
0xcb: {  	s20 =	rddreg [dreg:$0xb];
	[sflag:s23] =	ssyncadd.s32 $0xFFFFD900  }
0xcc: {  	[hbm4b:s20+s2] =	stream.linear.scatter [tilespmem:s22], [sflag:$0x5], $0x2700, $0x38;
	[tilespmem:$0x1A040] =	vst v63  }
0xcd: {  	_ =	swait.ge [sflag:s23], $0x2700  }
0xce: {  	[sflag:s23] =	ssyncset.done $0x0  }
0xcf: {  	[sflag:s23] =	ssyncadd.s32 $0xFFFFD900  }
0xd0: {  	[tilespmem:s22], [sflag:$0x5] =	stream.linear.gather [spmem:s9], $0x2700, $0x38;
	[tilespmem:$0x1A040] =	vst v63  }
0xd1: {  	_ =	swait.ge [sflag:s23], $0x2700  }
0xd2: {  	[sflag:s23] =	ssyncset.done $0x0  }
0xd3: {  	s21 =	rddreg [dreg:$0xc];
	[sflag:s23] =	ssyncadd.s32 $0xFFFFD900  }
0xd4: {  	[hbm4b:s21+s2] =	stream.linear.scatter [tilespmem:s22], [sflag:$0x5], $0x2700, $0x38;
	[tilespmem:$0x1A040] =	vst v63  }
0xd5: {  	_ =	swait.ge [sflag:s23], $0x2700  }
0xd6: {  	[sflag:s23] =	ssyncset.done $0x0  }
0xd7: {  	s5 =	simm.s32 @!p1 $0x5;
	s3 =	simm.s32 @!p1 $0xDD00;
	[sflag:s23] =	ssyncadd.s32 $0xFFFFD900  }
0xd8: {  	[tilespmem:s3], [sflag:$0x5] =	stream.linear.gather @!p1 [spmem:s11], $0x400, $0x38;
	[tilespmem:$0x1A040] =	vst v63  }
0xd9: {  	_ =	swait.ge @!p1 [sflag:s5], $0x400  }
0xda: {  	[sflag:s5] =	ssyncset.done @!p1 $0x0  }
0xdb: {  	s10 =	simm.s32 @!p1 $0x0;
	s12 =	rddreg [dreg:$0xe];
	[sflag:s5] =	ssyncadd.s32 @!p1 $0xFFFFFC00  }
0xdc: {  	[hbm4b:s12+s10] =	stream.linear.scatter @!p1 [tilespmem:s3], [sflag:$0x5], $0x400, $0x38;
	[tilespmem:$0x1A040] =	vst v63  }
0xdd: {  	_ =	swait.ge @!p1 [sflag:s5], $0x400  }
0xde: {  	s28 =	sadd.s32 $0x1, s28;
	s24 =	rddreg [dreg:$0xf]  }
0xdf: {  	p4 =	sne.s32 s28, s24  }
.Ltmp1:
0xe0: {  	_ = 	snop;
	(pc) =	sbr.rel @p4 .LBB2_1-.Ltmp1, $3  }
0xe1: {  	_ =	sdelay $0x1  }
0xe2: {  	[sflag:s5] =	ssyncset.done @!p1 $0x0  }
0xe3: {  	[sflag:s5] =	ssyncadd.s32 @!p1 $0xFFFFFC00  }
0xe4: {  	_ =	sfence.sel $0x180000  }
0xe5: {  	[bflag:$0x0] =	sbarrier.arrive $0xFFFF  }
0xe6: {  	_ =	strace $0x9000004A  }
0xe7: {  	[bflag:$0x2] =	sbarrier.arrive $0xFFFF  }
0xe8: {  	s0 =	rddreg [dreg:$0x3]  }
0xe9: {  	s0 =	sadd.s32 @!p1 $0x100000, s0  }
0xea: {  	[sflag:s0] =	ssyncadd.tile.s32 @!p1 $0x1;
	_ =	shalt  }
.Lfunc_end2:
_tile_overlayer_lowered:
.L_overlay_start_2:
0xeb: {  	(tag) =	ssettag $0x2  }
0xec: {  	s0 =	rddreg [dreg:$0x0];
	s2 =	stileid.u32  }
0xed: {  	s1 =	rddreg [dreg:$0x1];
	p0 =	sne.s32 s2, $0x0  }
0xee: {  	s3 =	rddreg [dreg:$0x2];
	[bflag:$0x3] =	sbarrier.arrive $0xFFFF;
	s2 =	simm.s32 @!p0 $0x1C05  }
0xef: {  	[timem:s3], [sflag:s2] =	dma.local @!p0 [hbm:s0], s1  }
0xf0: {  	s0 =	simm.s32 @!p0 $0x5  }
0xf1: {  	_ =	swait.ge @!p0 [sflag:s0], s1  }
0xf2: {  	s1 =	ssub.s32 @!p0 $0x0, s1;
	[sflag:s0] =	ssyncset.done @!p0 $0x0  }
0xf3: {  	[sflag:s0] =	ssyncadd.s32 @!p0 s1  }
0xf4: {  	[bflag:$0x3] =	sbarrier.arrive $0xFFFF  }
0xf5: {  	_ =	shalt  }

</sc_bundles>
